<compile_context>
chip_gen: v7x
topology: tpu7x:2x2x1
jax: 0.10.2.dev20260603
libtpu: 0.0.44.dev20260713+nightly
codegen_flags: <defaults>
</compile_context>

<pallas_src>
import functools
import math

import jax
import jax.numpy as jnp
from jax import lax
from jax.experimental import pallas as pl
from jax.experimental.pallas import tpu as pltpu
from jax.experimental.pallas import tpu_sc as plsc

N_NODES = 10000
N_EDGES = 160000
HIDDEN = 32
NUM_RBF = 32
MAX_Z = 128
CUTOFF_UPPER = 4.5
EPS_LN = 1e-5

_NC = 2
_NS = 16
_NW = _NC * _NS
_EPAD = 163840
_CHUNK = _EPAD // _NW
_GROUPS = _CHUNK // 16

_BLK = 128
_NBLK = _EPAD // _BLK
_BPT = _NBLK // _NS
_TRASH = N_NODES
_AROWS = 10112
_RPT = _AROWS // _NS

_FB = 128


def _gather_body(posx, posy, posz, zt, srcp, dstp,
                 evxo, evyo, evzo, zso, zdo,
                 px, py, pz, zv, sv, dv, bevx, bevy, bevz, bzs, bzd):
    c = lax.axis_index("c")
    s = lax.axis_index("s")
    wid = s * _NC + c
    base = wid * _CHUNK
    pltpu.sync_copy(posx, px)
    pltpu.sync_copy(posy, py)
    pltpu.sync_copy(posz, pz)
    pltpu.sync_copy(zt, zv)
    pltpu.sync_copy(srcp.at[pl.ds(base, _CHUNK)], sv)
    pltpu.sync_copy(dstp.at[pl.ds(base, _CHUNK)], dv)

    def body(j, carry):
        e0 = j * 16
        isrc = sv[pl.ds(e0, 16)]
        idst = dv[pl.ds(e0, 16)]
        bevx[pl.ds(e0, 16)] = (plsc.load_gather(px, [isrc])
                               - plsc.load_gather(px, [idst]))
        bevy[pl.ds(e0, 16)] = (plsc.load_gather(py, [isrc])
                               - plsc.load_gather(py, [idst]))
        bevz[pl.ds(e0, 16)] = (plsc.load_gather(pz, [isrc])
                               - plsc.load_gather(pz, [idst]))
        bzs[pl.ds(e0, 16)] = plsc.load_gather(zv, [isrc])
        bzd[pl.ds(e0, 16)] = plsc.load_gather(zv, [idst])
        return carry

    lax.fori_loop(0, _GROUPS, body, jnp.int32(0))
    pltpu.sync_copy(bevx, evxo.at[pl.ds(base, _CHUNK)])
    pltpu.sync_copy(bevy, evyo.at[pl.ds(base, _CHUNK)])
    pltpu.sync_copy(bevz, evzo.at[pl.ds(base, _CHUNK)])
    pltpu.sync_copy(bzs, zso.at[pl.ds(base, _CHUNK)])
    pltpu.sync_copy(bzd, zdo.at[pl.ds(base, _CHUNK)])


@functools.cache
def _gather_kernel():
    return functools.partial(
        pl.kernel,
        mesh=plsc.VectorSubcoreMesh(core_axis_name="c", subcore_axis_name="s"),
        compiler_params=pltpu.CompilerParams(needs_layout_passes=False),
        out_type=(
            jax.ShapeDtypeStruct((_EPAD,), jnp.float32),
            jax.ShapeDtypeStruct((_EPAD,), jnp.float32),
            jax.ShapeDtypeStruct((_EPAD,), jnp.float32),
            jax.ShapeDtypeStruct((_EPAD,), jnp.int32),
            jax.ShapeDtypeStruct((_EPAD,), jnp.int32),
        ),
        scratch_types=[
            pltpu.VMEM((N_NODES,), jnp.float32),
            pltpu.VMEM((N_NODES,), jnp.float32),
            pltpu.VMEM((N_NODES,), jnp.float32),
            pltpu.VMEM((N_NODES,), jnp.int32),
            pltpu.VMEM((_CHUNK,), jnp.int32),
            pltpu.VMEM((_CHUNK,), jnp.int32),
            pltpu.VMEM((_CHUNK,), jnp.float32),
            pltpu.VMEM((_CHUNK,), jnp.float32),
            pltpu.VMEM((_CHUNK,), jnp.float32),
            pltpu.VMEM((_CHUNK,), jnp.int32),
            pltpu.VMEM((_CHUNK,), jnp.int32),
        ],
    )(_gather_body)


def _gather_call(posx, posy, posz, zt, srcp, dstp):
    return _gather_kernel()(posx, posy, posz, zt, srcp, dstp)


def _exp(x):
    x = jnp.clip(x, -87.0, 88.0)
    n = jnp.floor(x * 1.4426950408889634 + 0.5)
    z = x - n * 0.693359375
    z = z - n * (-2.12194440e-4)
    p = 1.0 + z * (1.0 + z * (0.5 + z * (
        (1.0 / 6.0) + z * ((1.0 / 24.0) + z * ((1.0 / 120.0) + z * (
            (1.0 / 720.0) + z * (1.0 / 5040.0)))))))
    e = lax.bitcast_convert_type((n.astype(jnp.int32) + 127) << 23,
                                 jnp.float32)
    return p * e


def _rsqrt(y):
    r = lax.rsqrt(y)
    return r * (1.5 - 0.5 * y * r * r)


def _recip(y):
    r = _rsqrt(y)
    return r * r


def _cutoff(d):
    x = d * (math.pi / 9.0)
    w = x * x
    c = 1.0 + w * (-0.5 + w * ((1.0 / 24.0) + w * (
        (-1.0 / 720.0) + w * ((1.0 / 40320.0) + w * (
            (-1.0 / 3628800.0) + w * (1.0 / 479001600.0))))))
    return jnp.where(d < CUTOFF_UPPER, c * c, 0.0)


def _silu(x):
    return x * _recip(1.0 + _exp(-x))


def _bdot(x, w):
    return jnp.dot(x.astype(jnp.bfloat16), w.astype(jnp.bfloat16),
                   preferred_element_type=jnp.float32)


_MSG_W = 2048


def _msg_body(gx, gy, gz, zsr, zdr, emb, embT1, embT2, emb2_b4, WA, bA,
              WB, bB, m0, m1, m2):
    f32 = jnp.float32
    evx = gx[0]
    evy = gy[0]
    evz = gz[0]
    t2 = evx * evx + evy * evy + evz * evz + 1e-12
    d = t2 * _rsqrt(t2)
    rdn = _recip(d + 1e-9)
    vx = evx * rdn
    vy = evy * rdn
    vz = evz * rdn
    cut = _cutoff(d)
    tn3 = (vx * vx + vy * vy + vz * vz) * (1.0 / 3.0)
    crd = cut * rdn

    alpha = 5.0 / CUTOFF_UPPER
    start = math.exp(-CUTOFF_UPPER)
    beta = (2.0 / NUM_RBF * (1.0 - start)) ** -2
    w = _exp(-alpha * d)

    rows = jnp.concatenate(
        [cut, evx * crd, evy * crd, evz * crd,
         cut * (vx * vx - tn3), cut * (vy * vy - tn3),
         cut * (vz * vz - tn3), cut * (vx * vy),
         cut * (vx * vz), cut * (vy * vz),
         w, zsr[0].astype(f32), zdr[0].astype(f32),
         jnp.zeros_like(cut), jnp.zeros_like(cut), jnp.zeros_like(cut)],
        axis=0)
    T = jnp.transpose(rows, (1, 0))

    w512 = T[:, 10:11]
    ridx = lax.broadcasted_iota(jnp.int32, (1, NUM_RBF), 1).astype(f32)
    means = start + ridx * ((1.0 - start) / (NUM_RBF - 1))
    inner = w512 - means
    rbf = T[:, 0:1] * _exp(-beta * inner * inner)

    hp = lax.Precision.HIGHEST
    zsf = T[:, 11:12]
    zdf = T[:, 12:13]
    ziota = lax.broadcasted_iota(jnp.int32, (_MSG_W, MAX_Z), 1).astype(f32)
    ohs = (zsf == ziota).astype(f32)
    ohd = (zdf == ziota).astype(f32)
    TA = _bdot(emb[:], embT1[:])
    TB = _bdot(emb[:], embT2[:])
    Zij4 = (jnp.dot(ohs, TA, preferred_element_type=f32, precision=hp)
            + jnp.dot(ohd, TB, preferred_element_type=f32, precision=hp)
            + emb2_b4[:])

    dpA = _bdot(rbf, WA[:]) + bA[:]
    dpB = _bdot(rbf, WB[:]) + bB[:]

    sel = T[:, 0:12]
    r12 = lax.broadcasted_iota(jnp.int32, (12, _FB), 0)
    g32 = lax.broadcasted_iota(jnp.int32, (12, _FB), 1) // HIDDEN
    G0 = (r12 == g32).astype(f32)
    G1 = (r12 == g32 + 4).astype(f32)
    G2 = jnp.logical_and(r12 == g32 + 8, g32 < 2).astype(f32)
    S0 = jnp.dot(sel, G0, preferred_element_type=f32, precision=hp)
    S1 = jnp.dot(sel, G1, preferred_element_type=f32, precision=hp)
    S2 = jnp.dot(sel, G2, preferred_element_type=f32, precision=hp)

    m0[:, :] = dpA * Zij4 * S0
    m1[:, :] = dpB * Zij4 * S1
    m2[:, :] = dpB * Zij4 * S2


def _msg_call(gx, gy, gz, zsr, zdr, emb, embT1, embT2, emb2_b4, WA, bA,
              WB, bB):
    grid = _EPAD // _MSG_W
    full = lambda i: (0, 0)
    pspec = pl.BlockSpec((1, 1, _MSG_W), lambda i: (i, 0, 0))
    mspec = pl.BlockSpec((_MSG_W, _FB), lambda i: (i, 0))
    mshape = jax.ShapeDtypeStruct((_EPAD, _FB), jnp.float32)
    return pl.pallas_call(
        _msg_body,
        grid=(grid,),
        in_specs=[
            pspec, pspec, pspec, pspec, pspec,
            pl.BlockSpec((MAX_Z, HIDDEN), full),
            pl.BlockSpec((HIDDEN, _FB), full),
            pl.BlockSpec((HIDDEN, _FB), full),
            pl.BlockSpec((1, _FB), full),
            pl.BlockSpec((NUM_RBF, _FB), full),
            pl.BlockSpec((1, _FB), full),
            pl.BlockSpec((NUM_RBF, _FB), full),
            pl.BlockSpec((1, _FB), full),
        ],
        out_specs=[mspec, mspec, mspec],
        out_shape=[mshape, mshape, mshape],
    )(gx, gy, gz, zsr, zdr, emb, embT1, embT2, emb2_b4, WA, bA, WB, bB)


def _scatter_body(m0, m1, m2, srcb, zrows, o0, o1, o2a, o2b,
                  shared, idxv1, idxv2, mbufA, mbufB, semA, semB):
    c = lax.axis_index("c")
    s = lax.axis_index("s")
    r0 = s * _RPT
    h = _NBLK // 2
    hpt = h // _NS
    pltpu.sync_copy(srcb.at[pl.ds(s * _BPT, _BPT)], idxv1)
    pltpu.sync_copy(srcb.at[pl.ds(c * h + s * hpt, hpt)], idxv2)

    def run_phase(msg, out, idxv, nb, blk0):
        pltpu.sync_copy(zrows.at[pl.ds(r0, _RPT)], shared.at[pl.ds(r0, _RPT)])
        plsc.subcore_barrier()

        def copy_in(b, buf, sem):
            return pltpu.make_async_copy(
                msg.at[pl.ds(b * _BLK, _BLK)], buf, sem)

        copy_in(blk0, mbufA, semA).start()

        def body(i, carry):
            b0 = blk0 + 2 * i
            copy_in(b0, mbufA, semA).wait()
            copy_in(b0 + 1, mbufB, semB).start()
            pltpu.sync_copy(mbufA, shared.at[idxv.at[2 * i]], add=True)
            copy_in(b0 + 1, mbufB, semB).wait()

            @pl.when(i < nb // 2 - 1)
            def _():
                copy_in(b0 + 2, mbufA, semA).start()

            pltpu.sync_copy(mbufB, shared.at[idxv.at[2 * i + 1]], add=True)
            return carry

        lax.fori_loop(0, nb // 2, body, jnp.int32(0))
        plsc.subcore_barrier()
        pltpu.sync_copy(shared.at[pl.ds(r0, _RPT)], out.at[pl.ds(r0, _RPT)])
        plsc.subcore_barrier()

    @pl.when(c == 0)
    def _():
        run_phase(m0, o0, idxv1, _BPT, s * _BPT)
        run_phase(m2, o2a, idxv2, hpt, s * hpt)

    @pl.when(c == 1)
    def _():
        run_phase(m1, o1, idxv1, _BPT, s * _BPT)
        run_phase(m2, o2b, idxv2, hpt, h + s * hpt)


@functools.cache
def _scatter_kernel():
    oshape = jax.ShapeDtypeStruct((_AROWS, _FB), jnp.float32)
    return functools.partial(
        pl.kernel,
        mesh=plsc.VectorSubcoreMesh(core_axis_name="c", subcore_axis_name="s"),
        compiler_params=pltpu.CompilerParams(needs_layout_passes=False),
        out_type=(oshape, oshape, oshape, oshape),
        scratch_types=[
            pltpu.VMEM_SHARED((_AROWS, _FB), jnp.float32),
            pltpu.VMEM((_BPT, _BLK), jnp.int32),
            pltpu.VMEM((_NBLK // 2 // _NS, _BLK), jnp.int32),
            pltpu.VMEM((_BLK, _FB), jnp.float32),
            pltpu.VMEM((_BLK, _FB), jnp.float32),
            pltpu.SemaphoreType.DMA,
            pltpu.SemaphoreType.DMA,
        ],
    )(_scatter_body)


def _scatter_call(m0, m1, m2, srcb, zrows):
    return _scatter_kernel()(m0, m1, m2, srcb, zrows)


_NODE_W = 1000


def _layer_norm(x, g, b):
    mu = jnp.mean(x, axis=-1, keepdims=True)
    xc = x - mu
    var = jnp.mean(xc * xc, axis=-1, keepdims=True)
    return xc * _rsqrt(var + EPS_LN) * g + b


def _node_body(h0, h1, h2a, h2b, lt0_W, lt1_W, lt2_W, ls0_W, ls0_b,
               ls1_W, ls1_b, in_g, in_b, on_g, on_b, lin_W, lin_b,
               ol1_W, ol1_b, ol2_W, ol2_b, y):
    f32 = jnp.float32
    H = HIDDEN
    x320 = jnp.concatenate([h0[:, :], h1[:, :], h2a[:, :] + h2b[:, :]],
                           axis=-1)
    g = lambda k: x320[:, k * H:(k + 1) * H]
    a = g(0)
    wx = g(1)
    wy = g(2)
    wz = g(3)
    sxx = g(4)
    syy = g(5)
    szz = g(6)
    sxy = g(7)
    sxz = g(8)
    syz = g(9)

    nrm = (3.0 * a * a
           + 2.0 * (wx * wx + wy * wy + wz * wz)
           + (sxx * sxx + syy * syy + szz * szz)
           + 2.0 * (sxy * sxy + sxz * sxz + syz * syz))
    nrm = _layer_norm(nrm, in_g[:], in_b[:])
    h1m = _silu(_bdot(nrm, ls0_W[:]) + ls0_b[:])
    h2m = _silu(_bdot(h1m, ls1_W[:]) + ls1_b[:])

    r = lax.broadcasted_iota(jnp.int32, (3 * H, H), 0)
    hcol = lax.broadcasted_iota(jnp.int32, (3 * H, H), 1)
    P0 = (r == 3 * hcol).astype(f32)
    P1 = (r == 3 * hcol + 1).astype(f32)
    P2 = (r == 3 * hcol + 2).astype(f32)
    g0 = jnp.dot(h2m, P0, preferred_element_type=f32, precision=lax.Precision.HIGHEST)
    g1 = jnp.dot(h2m, P1, preferred_element_type=f32, precision=lax.Precision.HIGHEST)
    g2 = jnp.dot(h2m, P2, preferred_element_type=f32, precision=lax.Precision.HIGHEST)

    dot = lambda x, W: _bdot(x, W[:])
    a2 = dot(a, lt0_W) * g0
    wx2 = dot(wx, lt1_W) * g1
    wy2 = dot(wy, lt1_W) * g1
    wz2 = dot(wz, lt1_W) * g1
    sxx2 = dot(sxx, lt2_W) * g2
    syy2 = dot(syy, lt2_W) * g2
    szz2 = dot(szz, lt2_W) * g2
    sxy2 = dot(sxy, lt2_W) * g2
    sxz2 = dot(sxz, lt2_W) * g2
    syz2 = dot(syz, lt2_W) * g2

    tnI = 3.0 * a2 * a2
    tnA = 2.0 * (wx2 * wx2 + wy2 * wy2 + wz2 * wz2)
    tnS = (sxx2 * sxx2 + syy2 * syy2 + szz2 * szz2
           + 2.0 * (sxy2 * sxy2 + sxz2 * sxz2 + syz2 * syz2))
    x = jnp.concatenate([tnI, tnA, tnS], axis=-1)
    x = _layer_norm(x, on_g[:], on_b[:])
    x = _silu(_bdot(x, lin_W[:]) + lin_b[:])
    x = _silu(_bdot(x, ol1_W[:]) + ol1_b[:])
    y[:, :] = _bdot(x, ol2_W[:]) + ol2_b[:]


def _node_call(h0, h1, h2a, h2b, p):
    H = HIDDEN
    grid = N_NODES // _NODE_W
    full = lambda i: (0, 0)
    row = lambda i: (i, 0)
    b2 = lambda v: v.reshape(1, -1)
    hspec = pl.BlockSpec((_NODE_W, _FB), row)
    return pl.pallas_call(
        _node_body,
        grid=(grid,),
        in_specs=[
            hspec, hspec, hspec, hspec,
            pl.BlockSpec((H, H), full),
            pl.BlockSpec((H, H), full),
            pl.BlockSpec((H, H), full),
            pl.BlockSpec((H, 2 * H), full),
            pl.BlockSpec((1, 2 * H), full),
            pl.BlockSpec((2 * H, 3 * H), full),
            pl.BlockSpec((1, 3 * H), full),
            pl.BlockSpec((1, H), full),
            pl.BlockSpec((1, H), full),
            pl.BlockSpec((1, 3 * H), full),
            pl.BlockSpec((1, 3 * H), full),
            pl.BlockSpec((3 * H, H), full),
            pl.BlockSpec((1, H), full),
            pl.BlockSpec((H, H // 2), full),
            pl.BlockSpec((1, H // 2), full),
            pl.BlockSpec((H // 2, 1), full),
            pl.BlockSpec((1, 1), full),
        ],
        out_specs=pl.BlockSpec((_NODE_W, 1), row),
        out_shape=jax.ShapeDtypeStruct((N_NODES, 1), jnp.float32),
    )(h0, h1, h2a, h2b, p['lt0_W'], p['lt1_W'], p['lt2_W'], p['ls0_W'],
      b2(p['ls0_b']), p['ls1_W'], b2(p['ls1_b']), b2(p['in_g']),
      b2(p['in_b']), b2(p['on_g']), b2(p['on_b']), p['lin_W'],
      b2(p['lin_b']), p['ol1_W'], b2(p['ol1_b']), p['ol2_W'],
      b2(p['ol2_b']))


def kernel(z, pos, edge_index, params):
    z = z.astype(jnp.int32)
    src = edge_index[0].astype(jnp.int32)
    dst = edge_index[1].astype(jnp.int32)
    pad = _EPAD - N_EDGES
    zpad = jnp.zeros((pad,), jnp.int32)
    srcp = jnp.concatenate([src, zpad])
    dstp = jnp.concatenate([dst, zpad])
    posx = pos[:, 0]
    posy = pos[:, 1]
    posz = pos[:, 2]

    evx, evy, evz, zs, zd = _gather_call(posx, posy, posz, z, srcp, dstp)

    p = params
    H = HIDDEN
    cat = jnp.concatenate
    r3 = lambda a: a.reshape(_EPAD // _MSG_W, 1, _MSG_W)
    WA = cat([p['dp1_W'], p['dp2_W'], p['dp2_W'], p['dp2_W']], axis=1)
    bA = cat([p['dp1_b'], p['dp2_b'], p['dp2_b'], p['dp2_b']]).reshape(1, -1)
    WB = cat([p['dp3_W']] * 4, axis=1)
    bB = cat([p['dp3_b']] * 4).reshape(1, -1)
    e2a = cat([p['emb2_W'][:H]] * 4, axis=1)
    e2b = cat([p['emb2_W'][H:]] * 4, axis=1)
    b4 = cat([p['emb2_b']] * 4).reshape(1, -1)
    m0, m1, m2 = _msg_call(
        r3(evx), r3(evy), r3(evz), r3(zs), r3(zd),
        p['emb'], e2a, e2b, b4, WA, bA, WB, bB)

    srcb = jnp.concatenate(
        [src, jnp.full((pad,), _TRASH, jnp.int32)]).reshape(_NBLK, _BLK)
    zrows = jnp.zeros((_AROWS, _FB), jnp.float32)
    h0, h1, h2a, h2b = _scatter_call(m0, m1, m2, srcb, zrows)

    return _node_call(h0, h1, h2a, h2b, p)

# --- scband reference (transcript-rebuilt; emitter-appended) ---
"""Pipeline reference for scband-tensor-force-net-61581241090606 (READ-ONLY COPY).

The authoritative reference and input builder live on the scoring server;
editing this copy changes nothing except your own understanding.
"""

import jax, jax.numpy as jnp
import numpy as np
import math

N_NODES = 10000
N_EDGES = 160000
HIDDEN = 32
NUM_RBF = 32
MAX_Z = 128
CUTOFF_LOWER = 0.0
CUTOFF_UPPER = 4.5
EPS_LN = 1e-5


def silu(x):
    return x * jax.nn.sigmoid(x)


def cosine_cutoff(d):
    return jnp.where(d < CUTOFF_UPPER, 0.5 * (jnp.cos(d * math.pi / CUTOFF_UPPER) + 1.0), 0.0)


def expnorm_rbf(d):
    alpha = 5.0 / (CUTOFF_UPPER - CUTOFF_LOWER)
    start = math.exp(-CUTOFF_UPPER + CUTOFF_LOWER)
    means = jnp.linspace(start, 1.0, NUM_RBF).astype(jnp.float32)
    betas = jnp.full((NUM_RBF,), (2.0 / NUM_RBF * (1.0 - start)) ** -2, dtype=jnp.float32)
    de = d[:, None]
    return cosine_cutoff(de) * jnp.exp(-betas * (jnp.exp(alpha * (-de + CUTOFF_LOWER)) - means) ** 2)


def vector_to_skewtensor(v):
    z = jnp.zeros_like(v[:, 0])
    t = jnp.stack([z, -v[:, 2], v[:, 1], v[:, 2], z, -v[:, 0], -v[:, 1], v[:, 0], z], axis=1)
    return t.reshape(-1, 3, 3)


def vector_to_symtensor(v):
    t = v[..., :, None] * v[..., None, :]
    I = (jnp.trace(t, axis1=-2, axis2=-1) / 3.0)[..., None, None] * jnp.eye(3, dtype=v.dtype)
    return 0.5 * (t + jnp.swapaxes(t, -1, -2)) - I


def tensor_norm(T):
    return (T ** 2).sum((-2, -1))


def layer_norm(x, g, b):
    mu = x.mean(-1, keepdims=True)
    var = ((x - mu) ** 2).mean(-1, keepdims=True)
    return (x - mu) * jax.lax.rsqrt(var + EPS_LN) * g + b


def setup_inputs(seed: int = 0) -> dict:
    key = jax.random.key(seed)
    ks = jax.random.split(key, 24)
    z = jax.random.randint(ks[0], (N_NODES,), 0, MAX_Z)
    pos = jax.random.normal(ks[1], (N_NODES, 3), dtype=jnp.float32)
    edge_index = jax.random.randint(ks[2], (2, N_EDGES), 0, N_NODES)
    s = 0.1
    H = HIDDEN
    params = {
        'emb': jax.random.normal(ks[3], (MAX_Z, H), dtype=jnp.float32) * s,
        'emb2_W': jax.random.normal(ks[4], (2 * H, H), dtype=jnp.float32) * s,
        'emb2_b': jnp.zeros((H,), dtype=jnp.float32),
        'dp1_W': jax.random.normal(ks[5], (NUM_RBF, H), dtype=jnp.float32) * s,
        'dp1_b': jnp.zeros((H,), dtype=jnp.float32),
        'dp2_W': jax.random.normal(ks[6], (NUM_RBF, H), dtype=jnp.float32) * s,
        'dp2_b': jnp.zeros((H,), dtype=jnp.float32),
        'dp3_W': jax.random.normal(ks[7], (NUM_RBF, H), dtype=jnp.float32) * s,
        'dp3_b': jnp.zeros((H,), dtype=jnp.float32),
        'lt0_W': jax.random.normal(ks[8], (H, H), dtype=jnp.float32) * s,
        'lt1_W': jax.random.normal(ks[9], (H, H), dtype=jnp.float32) * s,
        'lt2_W': jax.random.normal(ks[10], (H, H), dtype=jnp.float32) * s,
        'ls0_W': jax.random.normal(ks[11], (H, 2 * H), dtype=jnp.float32) * s,
        'ls0_b': jnp.zeros((2 * H,), dtype=jnp.float32),
        'ls1_W': jax.random.normal(ks[12], (2 * H, 3 * H), dtype=jnp.float32) * s,
        'ls1_b': jnp.zeros((3 * H,), dtype=jnp.float32),
        'in_g': jnp.ones((H,), dtype=jnp.float32),
        'in_b': jnp.zeros((H,), dtype=jnp.float32),
        'on_g': jnp.ones((3 * H,), dtype=jnp.float32),
        'on_b': jnp.zeros((3 * H,), dtype=jnp.float32),
        'lin_W': jax.random.normal(ks[13], (3 * H, H), dtype=jnp.float32) * s,
        'lin_b': jnp.zeros((H,), dtype=jnp.float32),
        'ol1_W': jax.random.normal(ks[14], (H, H // 2), dtype=jnp.float32) * s,
        'ol1_b': jnp.zeros((H // 2,), dtype=jnp.float32),
        'ol2_W': jax.random.normal(ks[15], (H // 2, 1), dtype=jnp.float32) * s,
        'ol2_b': jnp.zeros((1,), dtype=jnp.float32),
    }
    return {'z': z, 'pos': pos, 'edge_index': edge_index, 'params': params}


def reference(z, pos, edge_index, params):
    src, dst = edge_index[0], edge_index[1]
    edge_vec = pos[src] - pos[dst]
    edge_weight = jnp.sqrt((edge_vec ** 2).sum(-1) + 1e-12)
    edge_attr = expnorm_rbf(edge_weight)
    edge_vec_norm = edge_vec / (edge_weight[:, None] + 1e-9)
    # atomic number message: Zij = emb2(cat(Z[src], Z[dst]))
    Z = params['emb'][z]
    Zcat = jnp.concatenate([Z[src], Z[dst]], axis=-1)
    Zij = (Zcat @ params['emb2_W'] + params['emb2_b'])[..., None, None]
    C = cosine_cutoff(edge_weight)[:, None, None, None] * Zij
    eye = jnp.eye(3, dtype=pos.dtype)[None, None]
    dp1 = edge_attr @ params['dp1_W'] + params['dp1_b']
    dp2 = edge_attr @ params['dp2_W'] + params['dp2_b']
    dp3 = edge_attr @ params['dp3_W'] + params['dp3_b']
    sym = vector_to_symtensor(edge_vec_norm)
    skew = vector_to_skewtensor(edge_vec_norm)
    Iij = dp1[..., None, None] * C * eye
    Aij = dp2[..., None, None] * C * skew[:, None, :, :]
    Sij = dp3[..., None, None] * C * sym[:, None, :, :]
    n = pos.shape[0]
    I = jax.ops.segment_sum(Iij, src, num_segments=n)
    A = jax.ops.segment_sum(Aij, src, num_segments=n)
    S = jax.ops.segment_sum(Sij, src, num_segments=n)
    nrm = tensor_norm(I + A + S)
    nrm = layer_norm(nrm, params['in_g'], params['in_b'])
    nrm = silu(nrm @ params['ls0_W'] + params['ls0_b'])
    nrm = silu(nrm @ params['ls1_W'] + params['ls1_b'])
    nrm = nrm.reshape(-1, HIDDEN, 3)

    def tlin(T, W):
        return jnp.transpose(jnp.transpose(T, (0, 2, 3, 1)) @ W, (0, 3, 1, 2))

    I = tlin(I, params['lt0_W']) * nrm[..., 0][..., None, None]
    A = tlin(A, params['lt1_W']) * nrm[..., 1][..., None, None]
    S = tlin(S, params['lt2_W']) * nrm[..., 2][..., None, None]
    x = jnp.concatenate([tensor_norm(I), tensor_norm(A), tensor_norm(S)], axis=-1)
    x = layer_norm(x, params['on_g'], params['on_b'])
    x = silu(x @ params['lin_W'] + params['lin_b'])
    x = silu(x @ params['ol1_W'] + params['ol1_b'])
    y = x @ params['ol2_W'] + params['ol2_b']
    return y

if __name__ == "__main__":
    import jax
    _d = setup_inputs()
    print(jax.jit(kernel)(*tuple(_d.values())))

</pallas_src>

<mosaic_0001>
#map = affine_map<(d0, d1) -> (0, 0)>
module attributes {stable_mosaic.version = 14 : i64} {
  func.func @_scatter_body(%arg0: i32, %arg1: i32, %arg2: memref<163840x128xf32, #tpu.memory_space<hbm>>, %arg3: memref<163840x128xf32, #tpu.memory_space<hbm>>, %arg4: memref<163840x128xf32, #tpu.memory_space<hbm>>, %arg5: memref<1280x128xi32, #tpu.memory_space<hbm>>, %arg6: memref<10112x128xf32, #tpu.memory_space<hbm>>, %arg7: memref<10112x128xf32, #tpu.memory_space<hbm>>, %arg8: memref<10112x128xf32, #tpu.memory_space<hbm>>, %arg9: memref<10112x128xf32, #tpu.memory_space<hbm>>, %arg10: memref<10112x128xf32, #tpu.memory_space<hbm>>, %arg11: memref<10112x128xf32, #tpu.memory_space<vmem_shared>>, %arg12: memref<80x128xi32, #tpu.memory_space<vmem>>, %arg13: memref<40x128xi32, #tpu.memory_space<vmem>>, %arg14: memref<128x128xf32, #tpu.memory_space<vmem>>, %arg15: memref<128x128xf32, #tpu.memory_space<vmem>>, %arg16: memref<!tpu.dma_semaphore, #tpu.memory_space<semaphore_mem>>, %arg17: memref<!tpu.dma_semaphore, #tpu.memory_space<semaphore_mem>>) attributes {dimension_semantics = [#tpu.dimension_semantics<core_parallel>, #tpu.dimension_semantics<subcore_parallel>], iteration_bounds = array<i64: 2, 16>, scalar_prefetch = 0 : i64, scratch_operands = 7 : i64, tpu.core_type = #tpu.core_type<sc_vector_subcore>, window_params = [{transform_indices = #map}, {transform_indices = #map}, {transform_indices = #map}, {transform_indices = #map}, {transform_indices = #map}, {transform_indices = #map}, {transform_indices = #map}, {transform_indices = #map}, {transform_indices = #map}]} {
    %mul3A = arith.constant 632 : i32
    %mul3A_0 = arith.muli %arg1, %mul3A : i32
    %mul3A_1 = arith.constant 80 : i32
    %mul3A_2 = arith.muli %arg1, %mul3A_1 : i32
    "tpu.region"() ({
      %run_scoped3A = tpu.sem_alloc : memref<!tpu.dma_semaphore, #tpu.memory_space<semaphore_mem>>
      %dma_start3A = arith.constant 0 : i32
      %dma_start3A_14 = tpu.memref_slice %arg5[%mul3A_2, %dma_start3A] : memref<1280x128xi32, #tpu.memory_space<hbm>> -> memref<80x128xi32, #tpu.memory_space<hbm>>
      %dma_start3A_15 = arith.constant 0 : i32
      %dma_start3A_16 = tpu.memref_slice %arg5[%mul3A_2, %dma_start3A_15] : memref<1280x128xi32, #tpu.memory_space<hbm>> -> memref<80x128xi32, #tpu.memory_space<hbm>>
      tpu.enqueue_dma source(%dma_start3A_16 : memref<80x128xi32, #tpu.memory_space<hbm>>) target(%arg12 : memref<80x128xi32, #tpu.memory_space<vmem>>) target_semaphore(%run_scoped3A : memref<!tpu.dma_semaphore, #tpu.memory_space<semaphore_mem>>)
      %dma_wait3A = arith.constant 0 : i32
      %dma_wait3A_17 = tpu.memref_slice %arg5[%mul3A_2, %dma_wait3A] : memref<1280x128xi32, #tpu.memory_space<hbm>> -> memref<80x128xi32, #tpu.memory_space<hbm>>
      %dma_wait3A_18 = arith.constant 0 : i32
      %dma_wait3A_19 = tpu.memref_slice %arg5[%mul3A_2, %dma_wait3A_18] : memref<1280x128xi32, #tpu.memory_space<hbm>> -> memref<80x128xi32, #tpu.memory_space<hbm>>
      tpu.wait_dma2 semaphore(%run_scoped3A : memref<!tpu.dma_semaphore, #tpu.memory_space<semaphore_mem>>) src(%dma_wait3A_19 : memref<80x128xi32, #tpu.memory_space<hbm>>) dst(%arg12 : memref<80x128xi32, #tpu.memory_space<vmem>>)
      tpu.yield
    }) : () -> ()
    %mul3A_3 = arith.constant 640 : i32
    %mul3A_4 = arith.muli %arg0, %mul3A_3 : i32
    %mul3A_5 = arith.constant 40 : i32
    %mul3A_6 = arith.muli %arg1, %mul3A_5 : i32
    %add3A = arith.addi %mul3A_4, %mul3A_6 : i32
    "tpu.region"() ({
      %run_scoped3A = tpu.sem_alloc : memref<!tpu.dma_semaphore, #tpu.memory_space<semaphore_mem>>
      %dma_start3A = arith.constant 0 : i32
      %dma_start3A_14 = tpu.memref_slice %arg5[%add3A, %dma_start3A] : memref<1280x128xi32, #tpu.memory_space<hbm>> -> memref<40x128xi32, #tpu.memory_space<hbm>>
      %dma_start3A_15 = arith.constant 0 : i32
      %dma_start3A_16 = tpu.memref_slice %arg5[%add3A, %dma_start3A_15] : memref<1280x128xi32, #tpu.memory_space<hbm>> -> memref<40x128xi32, #tpu.memory_space<hbm>>
      tpu.enqueue_dma source(%dma_start3A_16 : memref<40x128xi32, #tpu.memory_space<hbm>>) target(%arg13 : memref<40x128xi32, #tpu.memory_space<vmem>>) target_semaphore(%run_scoped3A : memref<!tpu.dma_semaphore, #tpu.memory_space<semaphore_mem>>)
      %dma_wait3A = arith.constant 0 : i32
      %dma_wait3A_17 = tpu.memref_slice %arg5[%add3A, %dma_wait3A] : memref<1280x128xi32, #tpu.memory_space<hbm>> -> memref<40x128xi32, #tpu.memory_space<hbm>>
      %dma_wait3A_18 = arith.constant 0 : i32
      %dma_wait3A_19 = tpu.memref_slice %arg5[%add3A, %dma_wait3A_18] : memref<1280x128xi32, #tpu.memory_space<hbm>> -> memref<40x128xi32, #tpu.memory_space<hbm>>
      tpu.wait_dma2 semaphore(%run_scoped3A : memref<!tpu.dma_semaphore, #tpu.memory_space<semaphore_mem>>) src(%dma_wait3A_19 : memref<40x128xi32, #tpu.memory_space<hbm>>) dst(%arg13 : memref<40x128xi32, #tpu.memory_space<vmem>>)
      tpu.yield
    }) : () -> ()
    %eq3A = arith.constant 0 : i32
    %eq3A_7 = arith.cmpi eq, %arg0, %eq3A : i32
    %convert_element_type3A = arith.extui %eq3A_7 : i1 to i32
    %cond3A = arith.constant 0 : i32
    %cond3A_8 = arith.cmpi ne, %convert_element_type3A, %cond3A : i32
    scf.if %cond3A_8 {
      %mul3A_14 = arith.constant 80 : i32
      %mul3A_15 = arith.muli %arg1, %mul3A_14 : i32
      "tpu.region"() ({
        %run_scoped3A = tpu.sem_alloc : memref<!tpu.dma_semaphore, #tpu.memory_space<semaphore_mem>>
        %dma_start3A_45 = arith.constant 0 : i32
        %dma_start3A_46 = tpu.memref_slice %arg11[%mul3A_0, %dma_start3A_45] : memref<10112x128xf32, #tpu.memory_space<vmem_shared>> -> memref<632x128xf32, #tpu.memory_space<vmem_shared>>
        %dma_start3A_47 = arith.constant 0 : i32
        %dma_start3A_48 = tpu.memref_slice %arg6[%mul3A_0, %dma_start3A_47] : memref<10112x128xf32, #tpu.memory_space<hbm>> -> memref<632x128xf32, #tpu.memory_space<hbm>>
        tpu.enqueue_dma source(%dma_start3A_48 : memref<632x128xf32, #tpu.memory_space<hbm>>) target(%dma_start3A_46 : memref<632x128xf32, #tpu.memory_space<vmem_shared>>) target_semaphore(%run_scoped3A : memref<!tpu.dma_semaphore, #tpu.memory_space<semaphore_mem>>)
        %dma_wait3A = arith.constant 0 : i32
        %dma_wait3A_49 = tpu.memref_slice %arg11[%mul3A_0, %dma_wait3A] : memref<10112x128xf32, #tpu.memory_space<vmem_shared>> -> memref<632x128xf32, #tpu.memory_space<vmem_shared>>
        %dma_wait3A_50 = arith.constant 0 : i32
        %dma_wait3A_51 = tpu.memref_slice %arg6[%mul3A_0, %dma_wait3A_50] : memref<10112x128xf32, #tpu.memory_space<hbm>> -> memref<632x128xf32, #tpu.memory_space<hbm>>
        tpu.wait_dma2 semaphore(%run_scoped3A : memref<!tpu.dma_semaphore, #tpu.memory_space<semaphore_mem>>) src(%dma_wait3A_51 : memref<632x128xf32, #tpu.memory_space<hbm>>) dst(%dma_wait3A_49 : memref<632x128xf32, #tpu.memory_space<vmem_shared>>)
        tpu.yield
      }) : () -> ()
      %barrier3A = arith.constant 0 : index
      tpu.barrier barrier_id(%barrier3A)
      %mul3A_16 = arith.constant 128 : i32
      %mul3A_17 = arith.muli %mul3A_15, %mul3A_16 : i32
      %dma_start3A = arith.constant 0 : i32
      %dma_start3A_18 = tpu.memref_slice %arg2[%mul3A_17, %dma_start3A] : memref<163840x128xf32, #tpu.memory_space<hbm>> -> memref<128x128xf32, #tpu.memory_space<hbm>>
      %dma_start3A_19 = arith.constant 0 : i32
      %dma_start3A_20 = tpu.memref_slice %arg2[%mul3A_17, %dma_start3A_19] : memref<163840x128xf32, #tpu.memory_space<hbm>> -> memref<128x128xf32, #tpu.memory_space<hbm>>
      tpu.enqueue_dma source(%dma_start3A_20 : memref<128x128xf32, #tpu.memory_space<hbm>>) target(%arg14 : memref<128x128xf32, #tpu.memory_space<vmem>>) target_semaphore(%arg16 : memref<!tpu.dma_semaphore, #tpu.memory_space<semaphore_mem>>)
      %scan3A = arith.constant 0 : i32
      %scan3A_21 = arith.constant 0 : i32
      %scan3A_22 = arith.constant 40 : i32
      %scan3A_23 = arith.addi %scan3A_21, %scan3A_22 : i32
      %scan3A_24 = arith.constant 1 : i32
      scf.for %scan3A_45 = %scan3A_21 to %scan3A_23 step %scan3A_24  : i32 {
        %mul3A_46 = arith.constant 2 : i32
        %mul3A_47 = arith.muli %mul3A_46, %scan3A_45 : i32
        %add3A_48 = arith.addi %mul3A_15, %mul3A_47 : i32
        %mul3A_49 = arith.constant 128 : i32
        %mul3A_50 = arith.muli %add3A_48, %mul3A_49 : i32
        %dma_wait3A = arith.constant 0 : i32
        %dma_wait3A_51 = tpu.memref_slice %arg2[%mul3A_50, %dma_wait3A] : memref<163840x128xf32, #tpu.memory_space<hbm>> -> memref<128x128xf32, #tpu.memory_space<hbm>>
        %dma_wait3A_52 = arith.constant 0 : i32
        %dma_wait3A_53 = tpu.memref_slice %arg2[%mul3A_50, %dma_wait3A_52] : memref<163840x128xf32, #tpu.memory_space<hbm>> -> memref<128x128xf32, #tpu.memory_space<hbm>>
        tpu.wait_dma2 semaphore(%arg16 : memref<!tpu.dma_semaphore, #tpu.memory_space<semaphore_mem>>) src(%dma_wait3A_53 : memref<128x128xf32, #tpu.memory_space<hbm>>) dst(%arg14 : memref<128x128xf32, #tpu.memory_space<vmem>>)
        %add3A_54 = arith.constant 1 : i32
        %add3A_55 = arith.addi %add3A_48, %add3A_54 : i32
        %mul3A_56 = arith.constant 128 : i32
        %mul3A_57 = arith.muli %add3A_55, %mul3A_56 : i32
        %dma_start3A_58 = arith.constant 0 : i32
        %dma_start3A_59 = tpu.memref_slice %arg2[%mul3A_57, %dma_start3A_58] : memref<163840x128xf32, #tpu.memory_space<hbm>> -> memref<128x128xf32, #tpu.memory_space<hbm>>
        %dma_start3A_60 = arith.constant 0 : i32
        %dma_start3A_61 = tpu.memref_slice %arg2[%mul3A_57, %dma_start3A_60] : memref<163840x128xf32, #tpu.memory_space<hbm>> -> memref<128x128xf32, #tpu.memory_space<hbm>>
        tpu.enqueue_dma source(%dma_start3A_61 : memref<128x128xf32, #tpu.memory_space<hbm>>) target(%arg15 : memref<128x128xf32, #tpu.memory_space<vmem>>) target_semaphore(%arg17 : memref<!tpu.dma_semaphore, #tpu.memory_space<semaphore_mem>>)
        %mul3A_62 = arith.constant 2 : i32
        %mul3A_63 = arith.muli %mul3A_62, %scan3A_45 : i32
        "tpu.region"() ({
          %run_scoped3A = tpu.sem_alloc : memref<!tpu.dma_semaphore, #tpu.memory_space<semaphore_mem>>
          %dma_start3A_80 = arith.constant 0 : i32
          %dma_start3A_81 = tpu.memref_slice %arg12[%mul3A_63, %dma_start3A_80] : memref<80x128xi32, #tpu.memory_space<vmem>> -> memref<1x128xi32, #tpu.memory_space<vmem>>
          %dma_start3A_82 = tpu.memref_squeeze %dma_start3A_81 : memref<1x128xi32, #tpu.memory_space<vmem>> -> memref<128xi32, #tpu.memory_space<vmem>>
          %dma_start3A_83 = arith.constant 0 : i32
          %dma_start3A_84 = arith.constant 0 : i32
          %dma_start3A_85 = tpu.memref_slice %arg11[%dma_start3A_83, %dma_start3A_84] : memref<10112x128xf32, #tpu.memory_space<vmem_shared>> -> memref<10112x128xf32, #tpu.memory_space<vmem_shared>>
          tpu.enqueue_indirect_dma source(%arg14 : memref<128x128xf32, #tpu.memory_space<vmem>>) target(%dma_start3A_85 : memref<10112x128xf32, #tpu.memory_space<vmem_shared>>) offsets(%dma_start3A_82 : memref<128xi32, #tpu.memory_space<vmem>>) semaphore(%run_scoped3A : memref<!tpu.dma_semaphore, #tpu.memory_space<semaphore_mem>>) {add = true}
          %dma_wait3A_86 = arith.constant 0 : i32
          %dma_wait3A_87 = tpu.memref_slice %arg12[%mul3A_63, %dma_wait3A_86] : memref<80x128xi32, #tpu.memory_space<vmem>> -> memref<1x128xi32, #tpu.memory_space<vmem>>
          %dma_wait3A_88 = tpu.memref_squeeze %dma_wait3A_87 : memref<1x128xi32, #tpu.memory_space<vmem>> -> memref<128xi32, #tpu.memory_space<vmem>>
          %dma_wait3A_89 = arith.constant 0 : i32
          %dma_wait3A_90 = arith.constant 0 : i32
          %dma_wait3A_91 = tpu.memref_slice %arg11[%dma_wait3A_89, %dma_wait3A_90] : memref<10112x128xf32, #tpu.memory_space<vmem_shared>> -> memref<10112x128xf32, #tpu.memory_space<vmem_shared>>
          tpu.wait_indirect_dma semaphore(%run_scoped3A : memref<!tpu.dma_semaphore, #tpu.memory_space<semaphore_mem>>) src(%arg14 : memref<128x128xf32, #tpu.memory_space<vmem>>) dst(%dma_wait3A_91 : memref<10112x128xf32, #tpu.memory_space<vmem_shared>>)
          tpu.yield
        }) : () -> ()
        %add3A_64 = arith.constant 1 : i32
        %add3A_65 = arith.addi %add3A_48, %add3A_64 : i32
        %mul3A_66 = arith.constant 128 : i32
        %mul3A_67 = arith.muli %add3A_65, %mul3A_66 : i32
        %dma_wait3A_68 = arith.constant 0 : i32
        %dma_wait3A_69 = tpu.memref_slice %arg2[%mul3A_67, %dma_wait3A_68] : memref<163840x128xf32, #tpu.memory_space<hbm>> -> memref<128x128xf32, #tpu.memory_space<hbm>>
        %dma_wait3A_70 = arith.constant 0 : i32
        %dma_wait3A_71 = tpu.memref_slice %arg2[%mul3A_67, %dma_wait3A_70] : memref<163840x128xf32, #tpu.memory_space<hbm>> -> memref<128x128xf32, #tpu.memory_space<hbm>>
        tpu.wait_dma2 semaphore(%arg17 : memref<!tpu.dma_semaphore, #tpu.memory_space<semaphore_mem>>) src(%dma_wait3A_71 : memref<128x128xf32, #tpu.memory_space<hbm>>) dst(%arg15 : memref<128x128xf32, #tpu.memory_space<vmem>>)
        %lt3A = arith.constant 39 : i32
        %lt3A_72 = arith.cmpi slt, %scan3A_45, %lt3A : i32
        %convert_element_type3A_73 = arith.extui %lt3A_72 : i1 to i32
        %cond3A_74 = arith.constant 0 : i32
        %cond3A_75 = arith.cmpi ne, %convert_element_type3A_73, %cond3A_74 : i32
        scf.if %cond3A_75 {
          %add3A_80 = arith.constant 2 : i32
          %add3A_81 = arith.addi %add3A_48, %add3A_80 : i32
          %mul3A_82 = arith.constant 128 : i32
          %mul3A_83 = arith.muli %add3A_81, %mul3A_82 : i32
          %dma_start3A_84 = arith.constant 0 : i32
          %dma_start3A_85 = tpu.memref_slice %arg2[%mul3A_83, %dma_start3A_84] : memref<163840x128xf32, #tpu.memory_space<hbm>> -> memref<128x128xf32, #tpu.memory_space<hbm>>
          %dma_start3A_86 = arith.constant 0 : i32
          %dma_start3A_87 = tpu.memref_slice %arg2[%mul3A_83, %dma_start3A_86] : memref<163840x128xf32, #tpu.memory_space<hbm>> -> memref<128x128xf32, #tpu.memory_space<hbm>>
          tpu.enqueue_dma source(%dma_start3A_87 : memref<128x128xf32, #tpu.memory_space<hbm>>) target(%arg14 : memref<128x128xf32, #tpu.memory_space<vmem>>) target_semaphore(%arg16 : memref<!tpu.dma_semaphore, #tpu.memory_space<semaphore_mem>>)
        } else {
        }
        %mul3A_76 = arith.constant 2 : i32
        %mul3A_77 = arith.muli %mul3A_76, %scan3A_45 : i32
        %add3A_78 = arith.constant 1 : i32
        %add3A_79 = arith.addi %mul3A_77, %add3A_78 : i32
        "tpu.region"() ({
          %run_scoped3A = tpu.sem_alloc : memref<!tpu.dma_semaphore, #tpu.memory_space<semaphore_mem>>
          %dma_start3A_80 = arith.constant 0 : i32
          %dma_start3A_81 = tpu.memref_slice %arg12[%add3A_79, %dma_start3A_80] : memref<80x128xi32, #tpu.memory_space<vmem>> -> memref<1x128xi32, #tpu.memory_space<vmem>>
          %dma_start3A_82 = tpu.memref_squeeze %dma_start3A_81 : memref<1x128xi32, #tpu.memory_space<vmem>> -> memref<128xi32, #tpu.memory_space<vmem>>
          %dma_start3A_83 = arith.constant 0 : i32
          %dma_start3A_84 = arith.constant 0 : i32
          %dma_start3A_85 = tpu.memref_slice %arg11[%dma_start3A_83, %dma_start3A_84] : memref<10112x128xf32, #tpu.memory_space<vmem_shared>> -> memref<10112x128xf32, #tpu.memory_space<vmem_shared>>
          tpu.enqueue_indirect_dma source(%arg15 : memref<128x128xf32, #tpu.memory_space<vmem>>) target(%dma_start3A_85 : memref<10112x128xf32, #tpu.memory_space<vmem_shared>>) offsets(%dma_start3A_82 : memref<128xi32, #tpu.memory_space<vmem>>) semaphore(%run_scoped3A : memref<!tpu.dma_semaphore, #tpu.memory_space<semaphore_mem>>) {add = true}
          %dma_wait3A_86 = arith.constant 0 : i32
          %dma_wait3A_87 = tpu.memref_slice %arg12[%add3A_79, %dma_wait3A_86] : memref<80x128xi32, #tpu.memory_space<vmem>> -> memref<1x128xi32, #tpu.memory_space<vmem>>
          %dma_wait3A_88 = tpu.memref_squeeze %dma_wait3A_87 : memref<1x128xi32, #tpu.memory_space<vmem>> -> memref<128xi32, #tpu.memory_space<vmem>>
          %dma_wait3A_89 = arith.constant 0 : i32
          %dma_wait3A_90 = arith.constant 0 : i32
          %dma_wait3A_91 = tpu.memref_slice %arg11[%dma_wait3A_89, %dma_wait3A_90] : memref<10112x128xf32, #tpu.memory_space<vmem_shared>> -> memref<10112x128xf32, #tpu.memory_space<vmem_shared>>
          tpu.wait_indirect_dma semaphore(%run_scoped3A : memref<!tpu.dma_semaphore, #tpu.memory_space<semaphore_mem>>) src(%arg15 : memref<128x128xf32, #tpu.memory_space<vmem>>) dst(%dma_wait3A_91 : memref<10112x128xf32, #tpu.memory_space<vmem_shared>>)
          tpu.yield
        }) : () -> ()
      }
      %scan3A_25 = arith.constant 40 : i32
      %barrier3A_26 = arith.constant 0 : index
      tpu.barrier barrier_id(%barrier3A_26)
      "tpu.region"() ({
        %run_scoped3A = tpu.sem_alloc : memref<!tpu.dma_semaphore, #tpu.memory_space<semaphore_mem>>
        %dma_start3A_45 = arith.constant 0 : i32
        %dma_start3A_46 = tpu.memref_slice %arg7[%mul3A_0, %dma_start3A_45] : memref<10112x128xf32, #tpu.memory_space<hbm>> -> memref<632x128xf32, #tpu.memory_space<hbm>>
        %dma_start3A_47 = arith.constant 0 : i32
        %dma_start3A_48 = tpu.memref_slice %arg11[%mul3A_0, %dma_start3A_47] : memref<10112x128xf32, #tpu.memory_space<vmem_shared>> -> memref<632x128xf32, #tpu.memory_space<vmem_shared>>
        tpu.enqueue_dma source(%dma_start3A_48 : memref<632x128xf32, #tpu.memory_space<vmem_shared>>) target(%dma_start3A_46 : memref<632x128xf32, #tpu.memory_space<hbm>>) target_semaphore(%run_scoped3A : memref<!tpu.dma_semaphore, #tpu.memory_space<semaphore_mem>>)
        %dma_wait3A = arith.constant 0 : i32
        %dma_wait3A_49 = tpu.memref_slice %arg7[%mul3A_0, %dma_wait3A] : memref<10112x128xf32, #tpu.memory_space<hbm>> -> memref<632x128xf32, #tpu.memory_space<hbm>>
        %dma_wait3A_50 = arith.constant 0 : i32
        %dma_wait3A_51 = tpu.memref_slice %arg11[%mul3A_0, %dma_wait3A_50] : memref<10112x128xf32, #tpu.memory_space<vmem_shared>> -> memref<632x128xf32, #tpu.memory_space<vmem_shared>>
        tpu.wait_dma2 semaphore(%run_scoped3A : memref<!tpu.dma_semaphore, #tpu.memory_space<semaphore_mem>>) src(%dma_wait3A_51 : memref<632x128xf32, #tpu.memory_space<vmem_shared>>) dst(%dma_wait3A_49 : memref<632x128xf32, #tpu.memory_space<hbm>>)
        tpu.yield
      }) : () -> ()
      %barrier3A_27 = arith.constant 0 : index
      tpu.barrier barrier_id(%barrier3A_27)
      %mul3A_28 = arith.constant 40 : i32
      %mul3A_29 = arith.muli %arg1, %mul3A_28 : i32
      "tpu.region"() ({
        %run_scoped3A = tpu.sem_alloc : memref<!tpu.dma_semaphore, #tpu.memory_space<semaphore_mem>>
        %dma_start3A_45 = arith.constant 0 : i32
        %dma_start3A_46 = tpu.memref_slice %arg11[%mul3A_0, %dma_start3A_45] : memref<10112x128xf32, #tpu.memory_space<vmem_shared>> -> memref<632x128xf32, #tpu.memory_space<vmem_shared>>
        %dma_start3A_47 = arith.constant 0 : i32
        %dma_start3A_48 = tpu.memref_slice %arg6[%mul3A_0, %dma_start3A_47] : memref<10112x128xf32, #tpu.memory_space<hbm>> -> memref<632x128xf32, #tpu.memory_space<hbm>>
        tpu.enqueue_dma source(%dma_start3A_48 : memref<632x128xf32, #tpu.memory_space<hbm>>) target(%dma_start3A_46 : memref<632x128xf32, #tpu.memory_space<vmem_shared>>) target_semaphore(%run_scoped3A : memref<!tpu.dma_semaphore, #tpu.memory_space<semaphore_mem>>)
        %dma_wait3A = arith.constant 0 : i32
        %dma_wait3A_49 = tpu.memref_slice %arg11[%mul3A_0, %dma_wait3A] : memref<10112x128xf32, #tpu.memory_space<vmem_shared>> -> memref<632x128xf32, #tpu.memory_space<vmem_shared>>
        %dma_wait3A_50 = arith.constant 0 : i32
        %dma_wait3A_51 = tpu.memref_slice %arg6[%mul3A_0, %dma_wait3A_50] : memref<10112x128xf32, #tpu.memory_space<hbm>> -> memref<632x128xf32, #tpu.memory_space<hbm>>
        tpu.wait_dma2 semaphore(%run_scoped3A : memref<!tpu.dma_semaphore, #tpu.memory_space<semaphore_mem>>) src(%dma_wait3A_51 : memref<632x128xf32, #tpu.memory_space<hbm>>) dst(%dma_wait3A_49 : memref<632x128xf32, #tpu.memory_space<vmem_shared>>)
        tpu.yield
      }) : () -> ()
      %barrier3A_30 = arith.constant 0 : index
      tpu.barrier barrier_id(%barrier3A_30)
      %mul3A_31 = arith.constant 128 : i32
      %mul3A_32 = arith.muli %mul3A_29, %mul3A_31 : i32
      %dma_start3A_33 = arith.constant 0 : i32
      %dma_start3A_34 = tpu.memref_slice %arg4[%mul3A_32, %dma_start3A_33] : memref<163840x128xf32, #tpu.memory_space<hbm>> -> memref<128x128xf32, #tpu.memory_space<hbm>>
      %dma_start3A_35 = arith.constant 0 : i32
      %dma_start3A_36 = tpu.memref_slice %arg4[%mul3A_32, %dma_start3A_35] : memref<163840x128xf32, #tpu.memory_space<hbm>> -> memref<128x128xf32, #tpu.memory_space<hbm>>
      tpu.enqueue_dma source(%dma_start3A_36 : memref<128x128xf32, #tpu.memory_space<hbm>>) target(%arg14 : memref<128x128xf32, #tpu.memory_space<vmem>>) target_semaphore(%arg16 : memref<!tpu.dma_semaphore, #tpu.memory_space<semaphore_mem>>)
      %scan3A_37 = arith.constant 0 : i32
      %scan3A_38 = arith.constant 0 : i32
      %scan3A_39 = arith.constant 20 : i32
      %scan3A_40 = arith.addi %scan3A_38, %scan3A_39 : i32
      %scan3A_41 = arith.constant 1 : i32
      scf.for %scan3A_45 = %scan3A_38 to %scan3A_40 step %scan3A_41  : i32 {
        %mul3A_46 = arith.constant 2 : i32
        %mul3A_47 = arith.muli %mul3A_46, %scan3A_45 : i32
        %add3A_48 = arith.addi %mul3A_29, %mul3A_47 : i32
        %mul3A_49 = arith.constant 128 : i32
        %mul3A_50 = arith.muli %add3A_48, %mul3A_49 : i32
        %dma_wait3A = arith.constant 0 : i32
        %dma_wait3A_51 = tpu.memref_slice %arg4[%mul3A_50, %dma_wait3A] : memref<163840x128xf32, #tpu.memory_space<hbm>> -> memref<128x128xf32, #tpu.memory_space<hbm>>
        %dma_wait3A_52 = arith.constant 0 : i32
        %dma_wait3A_53 = tpu.memref_slice %arg4[%mul3A_50, %dma_wait3A_52] : memref<163840x128xf32, #tpu.memory_space<hbm>> -> memref<128x128xf32, #tpu.memory_space<hbm>>
        tpu.wait_dma2 semaphore(%arg16 : memref<!tpu.dma_semaphore, #tpu.memory_space<semaphore_mem>>) src(%dma_wait3A_53 : memref<128x128xf32, #tpu.memory_space<hbm>>) dst(%arg14 : memref<128x128xf32, #tpu.memory_space<vmem>>)
        %add3A_54 = arith.constant 1 : i32
        %add3A_55 = arith.addi %add3A_48, %add3A_54 : i32
        %mul3A_56 = arith.constant 128 : i32
        %mul3A_57 = arith.muli %add3A_55, %mul3A_56 : i32
        %dma_start3A_58 = arith.constant 0 : i32
        %dma_start3A_59 = tpu.memref_slice %arg4[%mul3A_57, %dma_start3A_58] : memref<163840x128xf32, #tpu.memory_space<hbm>> -> memref<128x128xf32, #tpu.memory_space<hbm>>
        %dma_start3A_60 = arith.constant 0 : i32
        %dma_start3A_61 = tpu.memref_slice %arg4[%mul3A_57, %dma_start3A_60] : memref<163840x128xf32, #tpu.memory_space<hbm>> -> memref<128x128xf32, #tpu.memory_space<hbm>>
        tpu.enqueue_dma source(%dma_start3A_61 : memref<128x128xf32, #tpu.memory_space<hbm>>) target(%arg15 : memref<128x128xf32, #tpu.memory_space<vmem>>) target_semaphore(%arg17 : memref<!tpu.dma_semaphore, #tpu.memory_space<semaphore_mem>>)
        %mul3A_62 = arith.constant 2 : i32
        %mul3A_63 = arith.muli %mul3A_62, %scan3A_45 : i32
        "tpu.region"() ({
          %run_scoped3A = tpu.sem_alloc : memref<!tpu.dma_semaphore, #tpu.memory_space<semaphore_mem>>
          %dma_start3A_80 = arith.constant 0 : i32
          %dma_start3A_81 = tpu.memref_slice %arg13[%mul3A_63, %dma_start3A_80] : memref<40x128xi32, #tpu.memory_space<vmem>> -> memref<1x128xi32, #tpu.memory_space<vmem>>
          %dma_start3A_82 = tpu.memref_squeeze %dma_start3A_81 : memref<1x128xi32, #tpu.memory_space<vmem>> -> memref<128xi32, #tpu.memory_space<vmem>>
          %dma_start3A_83 = arith.constant 0 : i32
          %dma_start3A_84 = arith.constant 0 : i32
          %dma_start3A_85 = tpu.memref_slice %arg11[%dma_start3A_83, %dma_start3A_84] : memref<10112x128xf32, #tpu.memory_space<vmem_shared>> -> memref<10112x128xf32, #tpu.memory_space<vmem_shared>>
          tpu.enqueue_indirect_dma source(%arg14 : memref<128x128xf32, #tpu.memory_space<vmem>>) target(%dma_start3A_85 : memref<10112x128xf32, #tpu.memory_space<vmem_shared>>) offsets(%dma_start3A_82 : memref<128xi32, #tpu.memory_space<vmem>>) semaphore(%run_scoped3A : memref<!tpu.dma_semaphore, #tpu.memory_space<semaphore_mem>>) {add = true}
          %dma_wait3A_86 = arith.constant 0 : i32
          %dma_wait3A_87 = tpu.memref_slice %arg13[%mul3A_63, %dma_wait3A_86] : memref<40x128xi32, #tpu.memory_space<vmem>> -> memref<1x128xi32, #tpu.memory_space<vmem>>
          %dma_wait3A_88 = tpu.memref_squeeze %dma_wait3A_87 : memref<1x128xi32, #tpu.memory_space<vmem>> -> memref<128xi32, #tpu.memory_space<vmem>>
          %dma_wait3A_89 = arith.constant 0 : i32
          %dma_wait3A_90 = arith.constant 0 : i32
          %dma_wait3A_91 = tpu.memref_slice %arg11[%dma_wait3A_89, %dma_wait3A_90] : memref<10112x128xf32, #tpu.memory_space<vmem_shared>> -> memref<10112x128xf32, #tpu.memory_space<vmem_shared>>
          tpu.wait_indirect_dma semaphore(%run_scoped3A : memref<!tpu.dma_semaphore, #tpu.memory_space<semaphore_mem>>) src(%arg14 : memref<128x128xf32, #tpu.memory_space<vmem>>) dst(%dma_wait3A_91 : memref<10112x128xf32, #tpu.memory_space<vmem_shared>>)
          tpu.yield
        }) : () -> ()
        %add3A_64 = arith.constant 1 : i32
        %add3A_65 = arith.addi %add3A_48, %add3A_64 : i32
        %mul3A_66 = arith.constant 128 : i32
        %mul3A_67 = arith.muli %add3A_65, %mul3A_66 : i32
        %dma_wait3A_68 = arith.constant 0 : i32
        %dma_wait3A_69 = tpu.memref_slice %arg4[%mul3A_67, %dma_wait3A_68] : memref<163840x128xf32, #tpu.memory_space<hbm>> -> memref<128x128xf32, #tpu.memory_space<hbm>>
        %dma_wait3A_70 = arith.constant 0 : i32
        %dma_wait3A_71 = tpu.memref_slice %arg4[%mul3A_67, %dma_wait3A_70] : memref<163840x128xf32, #tpu.memory_space<hbm>> -> memref<128x128xf32, #tpu.memory_space<hbm>>
        tpu.wait_dma2 semaphore(%arg17 : memref<!tpu.dma_semaphore, #tpu.memory_space<semaphore_mem>>) src(%dma_wait3A_71 : memref<128x128xf32, #tpu.memory_space<hbm>>) dst(%arg15 : memref<128x128xf32, #tpu.memory_space<vmem>>)
        %lt3A = arith.constant 19 : i32
        %lt3A_72 = arith.cmpi slt, %scan3A_45, %lt3A : i32
        %convert_element_type3A_73 = arith.extui %lt3A_72 : i1 to i32
        %cond3A_74 = arith.constant 0 : i32
        %cond3A_75 = arith.cmpi ne, %convert_element_type3A_73, %cond3A_74 : i32
        scf.if %cond3A_75 {
          %add3A_80 = arith.constant 2 : i32
          %add3A_81 = arith.addi %add3A_48, %add3A_80 : i32
          %mul3A_82 = arith.constant 128 : i32
          %mul3A_83 = arith.muli %add3A_81, %mul3A_82 : i32
          %dma_start3A_84 = arith.constant 0 : i32
          %dma_start3A_85 = tpu.memref_slice %arg4[%mul3A_83, %dma_start3A_84] : memref<163840x128xf32, #tpu.memory_space<hbm>> -> memref<128x128xf32, #tpu.memory_space<hbm>>
          %dma_start3A_86 = arith.constant 0 : i32
          %dma_start3A_87 = tpu.memref_slice %arg4[%mul3A_83, %dma_start3A_86] : memref<163840x128xf32, #tpu.memory_space<hbm>> -> memref<128x128xf32, #tpu.memory_space<hbm>>
          tpu.enqueue_dma source(%dma_start3A_87 : memref<128x128xf32, #tpu.memory_space<hbm>>) target(%arg14 : memref<128x128xf32, #tpu.memory_space<vmem>>) target_semaphore(%arg16 : memref<!tpu.dma_semaphore, #tpu.memory_space<semaphore_mem>>)
        } else {
        }
        %mul3A_76 = arith.constant 2 : i32
        %mul3A_77 = arith.muli %mul3A_76, %scan3A_45 : i32
        %add3A_78 = arith.constant 1 : i32
        %add3A_79 = arith.addi %mul3A_77, %add3A_78 : i32
        "tpu.region"() ({
          %run_scoped3A = tpu.sem_alloc : memref<!tpu.dma_semaphore, #tpu.memory_space<semaphore_mem>>
          %dma_start3A_80 = arith.constant 0 : i32
          %dma_start3A_81 = tpu.memref_slice %arg13[%add3A_79, %dma_start3A_80] : memref<40x128xi32, #tpu.memory_space<vmem>> -> memref<1x128xi32, #tpu.memory_space<vmem>>
          %dma_start3A_82 = tpu.memref_squeeze %dma_start3A_81 : memref<1x128xi32, #tpu.memory_space<vmem>> -> memref<128xi32, #tpu.memory_space<vmem>>
          %dma_start3A_83 = arith.constant 0 : i32
          %dma_start3A_84 = arith.constant 0 : i32
          %dma_start3A_85 = tpu.memref_slice %arg11[%dma_start3A_83, %dma_start3A_84] : memref<10112x128xf32, #tpu.memory_space<vmem_shared>> -> memref<10112x128xf32, #tpu.memory_space<vmem_shared>>
          tpu.enqueue_indirect_dma source(%arg15 : memref<128x128xf32, #tpu.memory_space<vmem>>) target(%dma_start3A_85 : memref<10112x128xf32, #tpu.memory_space<vmem_shared>>) offsets(%dma_start3A_82 : memref<128xi32, #tpu.memory_space<vmem>>) semaphore(%run_scoped3A : memref<!tpu.dma_semaphore, #tpu.memory_space<semaphore_mem>>) {add = true}
          %dma_wait3A_86 = arith.constant 0 : i32
          %dma_wait3A_87 = tpu.memref_slice %arg13[%add3A_79, %dma_wait3A_86] : memref<40x128xi32, #tpu.memory_space<vmem>> -> memref<1x128xi32, #tpu.memory_space<vmem>>
          %dma_wait3A_88 = tpu.memref_squeeze %dma_wait3A_87 : memref<1x128xi32, #tpu.memory_space<vmem>> -> memref<128xi32, #tpu.memory_space<vmem>>
          %dma_wait3A_89 = arith.constant 0 : i32
          %dma_wait3A_90 = arith.constant 0 : i32
          %dma_wait3A_91 = tpu.memref_slice %arg11[%dma_wait3A_89, %dma_wait3A_90] : memref<10112x128xf32, #tpu.memory_space<vmem_shared>> -> memref<10112x128xf32, #tpu.memory_space<vmem_shared>>
          tpu.wait_indirect_dma semaphore(%run_scoped3A : memref<!tpu.dma_semaphore, #tpu.memory_space<semaphore_mem>>) src(%arg15 : memref<128x128xf32, #tpu.memory_space<vmem>>) dst(%dma_wait3A_91 : memref<10112x128xf32, #tpu.memory_space<vmem_shared>>)
          tpu.yield
        }) : () -> ()
      }
      %scan3A_42 = arith.constant 20 : i32
      %barrier3A_43 = arith.constant 0 : index
      tpu.barrier barrier_id(%barrier3A_43)
      "tpu.region"() ({
        %run_scoped3A = tpu.sem_alloc : memref<!tpu.dma_semaphore, #tpu.memory_space<semaphore_mem>>
        %dma_start3A_45 = arith.constant 0 : i32
        %dma_start3A_46 = tpu.memref_slice %arg9[%mul3A_0, %dma_start3A_45] : memref<10112x128xf32, #tpu.memory_space<hbm>> -> memref<632x128xf32, #tpu.memory_space<hbm>>
        %dma_start3A_47 = arith.constant 0 : i32
        %dma_start3A_48 = tpu.memref_slice %arg11[%mul3A_0, %dma_start3A_47] : memref<10112x128xf32, #tpu.memory_space<vmem_shared>> -> memref<632x128xf32, #tpu.memory_space<vmem_shared>>
        tpu.enqueue_dma source(%dma_start3A_48 : memref<632x128xf32, #tpu.memory_space<vmem_shared>>) target(%dma_start3A_46 : memref<632x128xf32, #tpu.memory_space<hbm>>) target_semaphore(%run_scoped3A : memref<!tpu.dma_semaphore, #tpu.memory_space<semaphore_mem>>)
        %dma_wait3A = arith.constant 0 : i32
        %dma_wait3A_49 = tpu.memref_slice %arg9[%mul3A_0, %dma_wait3A] : memref<10112x128xf32, #tpu.memory_space<hbm>> -> memref<632x128xf32, #tpu.memory_space<hbm>>
        %dma_wait3A_50 = arith.constant 0 : i32
        %dma_wait3A_51 = tpu.memref_slice %arg11[%mul3A_0, %dma_wait3A_50] : memref<10112x128xf32, #tpu.memory_space<vmem_shared>> -> memref<632x128xf32, #tpu.memory_space<vmem_shared>>
        tpu.wait_dma2 semaphore(%run_scoped3A : memref<!tpu.dma_semaphore, #tpu.memory_space<semaphore_mem>>) src(%dma_wait3A_51 : memref<632x128xf32, #tpu.memory_space<vmem_shared>>) dst(%dma_wait3A_49 : memref<632x128xf32, #tpu.memory_space<hbm>>)
        tpu.yield
      }) : () -> ()
      %barrier3A_44 = arith.constant 0 : index
      tpu.barrier barrier_id(%barrier3A_44)
    } else {
    }
    %eq3A_9 = arith.constant 1 : i32
    %eq3A_10 = arith.cmpi eq, %arg0, %eq3A_9 : i32
    %convert_element_type3A_11 = arith.extui %eq3A_10 : i1 to i32
    %cond3A_12 = arith.constant 0 : i32
    %cond3A_13 = arith.cmpi ne, %convert_element_type3A_11, %cond3A_12 : i32
    scf.if %cond3A_13 {
      %mul3A_14 = arith.constant 80 : i32
      %mul3A_15 = arith.muli %arg1, %mul3A_14 : i32
      "tpu.region"() ({
        %run_scoped3A = tpu.sem_alloc : memref<!tpu.dma_semaphore, #tpu.memory_space<semaphore_mem>>
        %dma_start3A_47 = arith.constant 0 : i32
        %dma_start3A_48 = tpu.memref_slice %arg11[%mul3A_0, %dma_start3A_47] : memref<10112x128xf32, #tpu.memory_space<vmem_shared>> -> memref<632x128xf32, #tpu.memory_space<vmem_shared>>
        %dma_start3A_49 = arith.constant 0 : i32
        %dma_start3A_50 = tpu.memref_slice %arg6[%mul3A_0, %dma_start3A_49] : memref<10112x128xf32, #tpu.memory_space<hbm>> -> memref<632x128xf32, #tpu.memory_space<hbm>>
        tpu.enqueue_dma source(%dma_start3A_50 : memref<632x128xf32, #tpu.memory_space<hbm>>) target(%dma_start3A_48 : memref<632x128xf32, #tpu.memory_space<vmem_shared>>) target_semaphore(%run_scoped3A : memref<!tpu.dma_semaphore, #tpu.memory_space<semaphore_mem>>)
        %dma_wait3A = arith.constant 0 : i32
        %dma_wait3A_51 = tpu.memref_slice %arg11[%mul3A_0, %dma_wait3A] : memref<10112x128xf32, #tpu.memory_space<vmem_shared>> -> memref<632x128xf32, #tpu.memory_space<vmem_shared>>
        %dma_wait3A_52 = arith.constant 0 : i32
        %dma_wait3A_53 = tpu.memref_slice %arg6[%mul3A_0, %dma_wait3A_52] : memref<10112x128xf32, #tpu.memory_space<hbm>> -> memref<632x128xf32, #tpu.memory_space<hbm>>
        tpu.wait_dma2 semaphore(%run_scoped3A : memref<!tpu.dma_semaphore, #tpu.memory_space<semaphore_mem>>) src(%dma_wait3A_53 : memref<632x128xf32, #tpu.memory_space<hbm>>) dst(%dma_wait3A_51 : memref<632x128xf32, #tpu.memory_space<vmem_shared>>)
        tpu.yield
      }) : () -> ()
      %barrier3A = arith.constant 0 : index
      tpu.barrier barrier_id(%barrier3A)
      %mul3A_16 = arith.constant 128 : i32
      %mul3A_17 = arith.muli %mul3A_15, %mul3A_16 : i32
      %dma_start3A = arith.constant 0 : i32
      %dma_start3A_18 = tpu.memref_slice %arg3[%mul3A_17, %dma_start3A] : memref<163840x128xf32, #tpu.memory_space<hbm>> -> memref<128x128xf32, #tpu.memory_space<hbm>>
      %dma_start3A_19 = arith.constant 0 : i32
      %dma_start3A_20 = tpu.memref_slice %arg3[%mul3A_17, %dma_start3A_19] : memref<163840x128xf32, #tpu.memory_space<hbm>> -> memref<128x128xf32, #tpu.memory_space<hbm>>
      tpu.enqueue_dma source(%dma_start3A_20 : memref<128x128xf32, #tpu.memory_space<hbm>>) target(%arg14 : memref<128x128xf32, #tpu.memory_space<vmem>>) target_semaphore(%arg16 : memref<!tpu.dma_semaphore, #tpu.memory_space<semaphore_mem>>)
      %scan3A = arith.constant 0 : i32
      %scan3A_21 = arith.constant 0 : i32
      %scan3A_22 = arith.constant 40 : i32
      %scan3A_23 = arith.addi %scan3A_21, %scan3A_22 : i32
      %scan3A_24 = arith.constant 1 : i32
      scf.for %scan3A_47 = %scan3A_21 to %scan3A_23 step %scan3A_24  : i32 {
        %mul3A_48 = arith.constant 2 : i32
        %mul3A_49 = arith.muli %mul3A_48, %scan3A_47 : i32
        %add3A_50 = arith.addi %mul3A_15, %mul3A_49 : i32
        %mul3A_51 = arith.constant 128 : i32
        %mul3A_52 = arith.muli %add3A_50, %mul3A_51 : i32
        %dma_wait3A = arith.constant 0 : i32
        %dma_wait3A_53 = tpu.memref_slice %arg3[%mul3A_52, %dma_wait3A] : memref<163840x128xf32, #tpu.memory_space<hbm>> -> memref<128x128xf32, #tpu.memory_space<hbm>>
        %dma_wait3A_54 = arith.constant 0 : i32
        %dma_wait3A_55 = tpu.memref_slice %arg3[%mul3A_52, %dma_wait3A_54] : memref<163840x128xf32, #tpu.memory_space<hbm>> -> memref<128x128xf32, #tpu.memory_space<hbm>>
        tpu.wait_dma2 semaphore(%arg16 : memref<!tpu.dma_semaphore, #tpu.memory_space<semaphore_mem>>) src(%dma_wait3A_55 : memref<128x128xf32, #tpu.memory_space<hbm>>) dst(%arg14 : memref<128x128xf32, #tpu.memory_space<vmem>>)
        %add3A_56 = arith.constant 1 : i32
        %add3A_57 = arith.addi %add3A_50, %add3A_56 : i32
        %mul3A_58 = arith.constant 128 : i32
        %mul3A_59 = arith.muli %add3A_57, %mul3A_58 : i32
        %dma_start3A_60 = arith.constant 0 : i32
        %dma_start3A_61 = tpu.memref_slice %arg3[%mul3A_59, %dma_start3A_60] : memref<163840x128xf32, #tpu.memory_space<hbm>> -> memref<128x128xf32, #tpu.memory_space<hbm>>
        %dma_start3A_62 = arith.constant 0 : i32
        %dma_start3A_63 = tpu.memref_slice %arg3[%mul3A_59, %dma_start3A_62] : memref<163840x128xf32, #tpu.memory_space<hbm>> -> memref<128x128xf32, #tpu.memory_space<hbm>>
        tpu.enqueue_dma source(%dma_start3A_63 : memref<128x128xf32, #tpu.memory_space<hbm>>) target(%arg15 : memref<128x128xf32, #tpu.memory_space<vmem>>) target_semaphore(%arg17 : memref<!tpu.dma_semaphore, #tpu.memory_space<semaphore_mem>>)
        %mul3A_64 = arith.constant 2 : i32
        %mul3A_65 = arith.muli %mul3A_64, %scan3A_47 : i32
        "tpu.region"() ({
          %run_scoped3A = tpu.sem_alloc : memref<!tpu.dma_semaphore, #tpu.memory_space<semaphore_mem>>
          %dma_start3A_82 = arith.constant 0 : i32
          %dma_start3A_83 = tpu.memref_slice %arg12[%mul3A_65, %dma_start3A_82] : memref<80x128xi32, #tpu.memory_space<vmem>> -> memref<1x128xi32, #tpu.memory_space<vmem>>
          %dma_start3A_84 = tpu.memref_squeeze %dma_start3A_83 : memref<1x128xi32, #tpu.memory_space<vmem>> -> memref<128xi32, #tpu.memory_space<vmem>>
          %dma_start3A_85 = arith.constant 0 : i32
          %dma_start3A_86 = arith.constant 0 : i32
          %dma_start3A_87 = tpu.memref_slice %arg11[%dma_start3A_85, %dma_start3A_86] : memref<10112x128xf32, #tpu.memory_space<vmem_shared>> -> memref<10112x128xf32, #tpu.memory_space<vmem_shared>>
          tpu.enqueue_indirect_dma source(%arg14 : memref<128x128xf32, #tpu.memory_space<vmem>>) target(%dma_start3A_87 : memref<10112x128xf32, #tpu.memory_space<vmem_shared>>) offsets(%dma_start3A_84 : memref<128xi32, #tpu.memory_space<vmem>>) semaphore(%run_scoped3A : memref<!tpu.dma_semaphore, #tpu.memory_space<semaphore_mem>>) {add = true}
          %dma_wait3A_88 = arith.constant 0 : i32
          %dma_wait3A_89 = tpu.memref_slice %arg12[%mul3A_65, %dma_wait3A_88] : memref<80x128xi32, #tpu.memory_space<vmem>> -> memref<1x128xi32, #tpu.memory_space<vmem>>
          %dma_wait3A_90 = tpu.memref_squeeze %dma_wait3A_89 : memref<1x128xi32, #tpu.memory_space<vmem>> -> memref<128xi32, #tpu.memory_space<vmem>>
          %dma_wait3A_91 = arith.constant 0 : i32
          %dma_wait3A_92 = arith.constant 0 : i32
          %dma_wait3A_93 = tpu.memref_slice %arg11[%dma_wait3A_91, %dma_wait3A_92] : memref<10112x128xf32, #tpu.memory_space<vmem_shared>> -> memref<10112x128xf32, #tpu.memory_space<vmem_shared>>
          tpu.wait_indirect_dma semaphore(%run_scoped3A : memref<!tpu.dma_semaphore, #tpu.memory_space<semaphore_mem>>) src(%arg14 : memref<128x128xf32, #tpu.memory_space<vmem>>) dst(%dma_wait3A_93 : memref<10112x128xf32, #tpu.memory_space<vmem_shared>>)
          tpu.yield
        }) : () -> ()
        %add3A_66 = arith.constant 1 : i32
        %add3A_67 = arith.addi %add3A_50, %add3A_66 : i32
        %mul3A_68 = arith.constant 128 : i32
        %mul3A_69 = arith.muli %add3A_67, %mul3A_68 : i32
        %dma_wait3A_70 = arith.constant 0 : i32
        %dma_wait3A_71 = tpu.memref_slice %arg3[%mul3A_69, %dma_wait3A_70] : memref<163840x128xf32, #tpu.memory_space<hbm>> -> memref<128x128xf32, #tpu.memory_space<hbm>>
        %dma_wait3A_72 = arith.constant 0 : i32
        %dma_wait3A_73 = tpu.memref_slice %arg3[%mul3A_69, %dma_wait3A_72] : memref<163840x128xf32, #tpu.memory_space<hbm>> -> memref<128x128xf32, #tpu.memory_space<hbm>>
        tpu.wait_dma2 semaphore(%arg17 : memref<!tpu.dma_semaphore, #tpu.memory_space<semaphore_mem>>) src(%dma_wait3A_73 : memref<128x128xf32, #tpu.memory_space<hbm>>) dst(%arg15 : memref<128x128xf32, #tpu.memory_space<vmem>>)
        %lt3A = arith.constant 39 : i32
        %lt3A_74 = arith.cmpi slt, %scan3A_47, %lt3A : i32
        %convert_element_type3A_75 = arith.extui %lt3A_74 : i1 to i32
        %cond3A_76 = arith.constant 0 : i32
        %cond3A_77 = arith.cmpi ne, %convert_element_type3A_75, %cond3A_76 : i32
        scf.if %cond3A_77 {
          %add3A_82 = arith.constant 2 : i32
          %add3A_83 = arith.addi %add3A_50, %add3A_82 : i32
          %mul3A_84 = arith.constant 128 : i32
          %mul3A_85 = arith.muli %add3A_83, %mul3A_84 : i32
          %dma_start3A_86 = arith.constant 0 : i32
          %dma_start3A_87 = tpu.memref_slice %arg3[%mul3A_85, %dma_start3A_86] : memref<163840x128xf32, #tpu.memory_space<hbm>> -> memref<128x128xf32, #tpu.memory_space<hbm>>
          %dma_start3A_88 = arith.constant 0 : i32
          %dma_start3A_89 = tpu.memref_slice %arg3[%mul3A_85, %dma_start3A_88] : memref<163840x128xf32, #tpu.memory_space<hbm>> -> memref<128x128xf32, #tpu.memory_space<hbm>>
          tpu.enqueue_dma source(%dma_start3A_89 : memref<128x128xf32, #tpu.memory_space<hbm>>) target(%arg14 : memref<128x128xf32, #tpu.memory_space<vmem>>) target_semaphore(%arg16 : memref<!tpu.dma_semaphore, #tpu.memory_space<semaphore_mem>>)
        } else {
        }
        %mul3A_78 = arith.constant 2 : i32
        %mul3A_79 = arith.muli %mul3A_78, %scan3A_47 : i32
        %add3A_80 = arith.constant 1 : i32
        %add3A_81 = arith.addi %mul3A_79, %add3A_80 : i32
        "tpu.region"() ({
          %run_scoped3A = tpu.sem_alloc : memref<!tpu.dma_semaphore, #tpu.memory_space<semaphore_mem>>
          %dma_start3A_82 = arith.constant 0 : i32
          %dma_start3A_83 = tpu.memref_slice %arg12[%add3A_81, %dma_start3A_82] : memref<80x128xi32, #tpu.memory_space<vmem>> -> memref<1x128xi32, #tpu.memory_space<vmem>>
          %dma_start3A_84 = tpu.memref_squeeze %dma_start3A_83 : memref<1x128xi32, #tpu.memory_space<vmem>> -> memref<128xi32, #tpu.memory_space<vmem>>
          %dma_start3A_85 = arith.constant 0 : i32
          %dma_start3A_86 = arith.constant 0 : i32
          %dma_start3A_87 = tpu.memref_slice %arg11[%dma_start3A_85, %dma_start3A_86] : memref<10112x128xf32, #tpu.memory_space<vmem_shared>> -> memref<10112x128xf32, #tpu.memory_space<vmem_shared>>
          tpu.enqueue_indirect_dma source(%arg15 : memref<128x128xf32, #tpu.memory_space<vmem>>) target(%dma_start3A_87 : memref<10112x128xf32, #tpu.memory_space<vmem_shared>>) offsets(%dma_start3A_84 : memref<128xi32, #tpu.memory_space<vmem>>) semaphore(%run_scoped3A : memref<!tpu.dma_semaphore, #tpu.memory_space<semaphore_mem>>) {add = true}
          %dma_wait3A_88 = arith.constant 0 : i32
          %dma_wait3A_89 = tpu.memref_slice %arg12[%add3A_81, %dma_wait3A_88] : memref<80x128xi32, #tpu.memory_space<vmem>> -> memref<1x128xi32, #tpu.memory_space<vmem>>
          %dma_wait3A_90 = tpu.memref_squeeze %dma_wait3A_89 : memref<1x128xi32, #tpu.memory_space<vmem>> -> memref<128xi32, #tpu.memory_space<vmem>>
          %dma_wait3A_91 = arith.constant 0 : i32
          %dma_wait3A_92 = arith.constant 0 : i32
          %dma_wait3A_93 = tpu.memref_slice %arg11[%dma_wait3A_91, %dma_wait3A_92] : memref<10112x128xf32, #tpu.memory_space<vmem_shared>> -> memref<10112x128xf32, #tpu.memory_space<vmem_shared>>
          tpu.wait_indirect_dma semaphore(%run_scoped3A : memref<!tpu.dma_semaphore, #tpu.memory_space<semaphore_mem>>) src(%arg15 : memref<128x128xf32, #tpu.memory_space<vmem>>) dst(%dma_wait3A_93 : memref<10112x128xf32, #tpu.memory_space<vmem_shared>>)
          tpu.yield
        }) : () -> ()
      }
      %scan3A_25 = arith.constant 40 : i32
      %barrier3A_26 = arith.constant 0 : index
      tpu.barrier barrier_id(%barrier3A_26)
      "tpu.region"() ({
        %run_scoped3A = tpu.sem_alloc : memref<!tpu.dma_semaphore, #tpu.memory_space<semaphore_mem>>
        %dma_start3A_47 = arith.constant 0 : i32
        %dma_start3A_48 = tpu.memref_slice %arg8[%mul3A_0, %dma_start3A_47] : memref<10112x128xf32, #tpu.memory_space<hbm>> -> memref<632x128xf32, #tpu.memory_space<hbm>>
        %dma_start3A_49 = arith.constant 0 : i32
        %dma_start3A_50 = tpu.memref_slice %arg11[%mul3A_0, %dma_start3A_49] : memref<10112x128xf32, #tpu.memory_space<vmem_shared>> -> memref<632x128xf32, #tpu.memory_space<vmem_shared>>
        tpu.enqueue_dma source(%dma_start3A_50 : memref<632x128xf32, #tpu.memory_space<vmem_shared>>) target(%dma_start3A_48 : memref<632x128xf32, #tpu.memory_space<hbm>>) target_semaphore(%run_scoped3A : memref<!tpu.dma_semaphore, #tpu.memory_space<semaphore_mem>>)
        %dma_wait3A = arith.constant 0 : i32
        %dma_wait3A_51 = tpu.memref_slice %arg8[%mul3A_0, %dma_wait3A] : memref<10112x128xf32, #tpu.memory_space<hbm>> -> memref<632x128xf32, #tpu.memory_space<hbm>>
        %dma_wait3A_52 = arith.constant 0 : i32
        %dma_wait3A_53 = tpu.memref_slice %arg11[%mul3A_0, %dma_wait3A_52] : memref<10112x128xf32, #tpu.memory_space<vmem_shared>> -> memref<632x128xf32, #tpu.memory_space<vmem_shared>>
        tpu.wait_dma2 semaphore(%run_scoped3A : memref<!tpu.dma_semaphore, #tpu.memory_space<semaphore_mem>>) src(%dma_wait3A_53 : memref<632x128xf32, #tpu.memory_space<vmem_shared>>) dst(%dma_wait3A_51 : memref<632x128xf32, #tpu.memory_space<hbm>>)
        tpu.yield
      }) : () -> ()
      %barrier3A_27 = arith.constant 0 : index
      tpu.barrier barrier_id(%barrier3A_27)
      %mul3A_28 = arith.constant 40 : i32
      %mul3A_29 = arith.muli %arg1, %mul3A_28 : i32
      %add3A_30 = arith.constant 640 : i32
      %add3A_31 = arith.addi %add3A_30, %mul3A_29 : i32
      "tpu.region"() ({
        %run_scoped3A = tpu.sem_alloc : memref<!tpu.dma_semaphore, #tpu.memory_space<semaphore_mem>>
        %dma_start3A_47 = arith.constant 0 : i32
        %dma_start3A_48 = tpu.memref_slice %arg11[%mul3A_0, %dma_start3A_47] : memref<10112x128xf32, #tpu.memory_space<vmem_shared>> -> memref<632x128xf32, #tpu.memory_space<vmem_shared>>
        %dma_start3A_49 = arith.constant 0 : i32
        %dma_start3A_50 = tpu.memref_slice %arg6[%mul3A_0, %dma_start3A_49] : memref<10112x128xf32, #tpu.memory_space<hbm>> -> memref<632x128xf32, #tpu.memory_space<hbm>>
        tpu.enqueue_dma source(%dma_start3A_50 : memref<632x128xf32, #tpu.memory_space<hbm>>) target(%dma_start3A_48 : memref<632x128xf32, #tpu.memory_space<vmem_shared>>) target_semaphore(%run_scoped3A : memref<!tpu.dma_semaphore, #tpu.memory_space<semaphore_mem>>)
        %dma_wait3A = arith.constant 0 : i32
        %dma_wait3A_51 = tpu.memref_slice %arg11[%mul3A_0, %dma_wait3A] : memref<10112x128xf32, #tpu.memory_space<vmem_shared>> -> memref<632x128xf32, #tpu.memory_space<vmem_shared>>
        %dma_wait3A_52 = arith.constant 0 : i32
        %dma_wait3A_53 = tpu.memref_slice %arg6[%mul3A_0, %dma_wait3A_52] : memref<10112x128xf32, #tpu.memory_space<hbm>> -> memref<632x128xf32, #tpu.memory_space<hbm>>
        tpu.wait_dma2 semaphore(%run_scoped3A : memref<!tpu.dma_semaphore, #tpu.memory_space<semaphore_mem>>) src(%dma_wait3A_53 : memref<632x128xf32, #tpu.memory_space<hbm>>) dst(%dma_wait3A_51 : memref<632x128xf32, #tpu.memory_space<vmem_shared>>)
        tpu.yield
      }) : () -> ()
      %barrier3A_32 = arith.constant 0 : index
      tpu.barrier barrier_id(%barrier3A_32)
      %mul3A_33 = arith.constant 128 : i32
      %mul3A_34 = arith.muli %add3A_31, %mul3A_33 : i32
      %dma_start3A_35 = arith.constant 0 : i32
      %dma_start3A_36 = tpu.memref_slice %arg4[%mul3A_34, %dma_start3A_35] : memref<163840x128xf32, #tpu.memory_space<hbm>> -> memref<128x128xf32, #tpu.memory_space<hbm>>
      %dma_start3A_37 = arith.constant 0 : i32
      %dma_start3A_38 = tpu.memref_slice %arg4[%mul3A_34, %dma_start3A_37] : memref<163840x128xf32, #tpu.memory_space<hbm>> -> memref<128x128xf32, #tpu.memory_space<hbm>>
      tpu.enqueue_dma source(%dma_start3A_38 : memref<128x128xf32, #tpu.memory_space<hbm>>) target(%arg14 : memref<128x128xf32, #tpu.memory_space<vmem>>) target_semaphore(%arg16 : memref<!tpu.dma_semaphore, #tpu.memory_space<semaphore_mem>>)
      %scan3A_39 = arith.constant 0 : i32
      %scan3A_40 = arith.constant 0 : i32
      %scan3A_41 = arith.constant 20 : i32
      %scan3A_42 = arith.addi %scan3A_40, %scan3A_41 : i32
      %scan3A_43 = arith.constant 1 : i32
      scf.for %scan3A_47 = %scan3A_40 to %scan3A_42 step %scan3A_43  : i32 {
        %mul3A_48 = arith.constant 2 : i32
        %mul3A_49 = arith.muli %mul3A_48, %scan3A_47 : i32
        %add3A_50 = arith.addi %add3A_31, %mul3A_49 : i32
        %mul3A_51 = arith.constant 128 : i32
        %mul3A_52 = arith.muli %add3A_50, %mul3A_51 : i32
        %dma_wait3A = arith.constant 0 : i32
        %dma_wait3A_53 = tpu.memref_slice %arg4[%mul3A_52, %dma_wait3A] : memref<163840x128xf32, #tpu.memory_space<hbm>> -> memref<128x128xf32, #tpu.memory_space<hbm>>
        %dma_wait3A_54 = arith.constant 0 : i32
        %dma_wait3A_55 = tpu.memref_slice %arg4[%mul3A_52, %dma_wait3A_54] : memref<163840x128xf32, #tpu.memory_space<hbm>> -> memref<128x128xf32, #tpu.memory_space<hbm>>
        tpu.wait_dma2 semaphore(%arg16 : memref<!tpu.dma_semaphore, #tpu.memory_space<semaphore_mem>>) src(%dma_wait3A_55 : memref<128x128xf32, #tpu.memory_space<hbm>>) dst(%arg14 : memref<128x128xf32, #tpu.memory_space<vmem>>)
        %add3A_56 = arith.constant 1 : i32
        %add3A_57 = arith.addi %add3A_50, %add3A_56 : i32
        %mul3A_58 = arith.constant 128 : i32
        %mul3A_59 = arith.muli %add3A_57, %mul3A_58 : i32
        %dma_start3A_60 = arith.constant 0 : i32
        %dma_start3A_61 = tpu.memref_slice %arg4[%mul3A_59, %dma_start3A_60] : memref<163840x128xf32, #tpu.memory_space<hbm>> -> memref<128x128xf32, #tpu.memory_space<hbm>>
        %dma_start3A_62 = arith.constant 0 : i32
        %dma_start3A_63 = tpu.memref_slice %arg4[%mul3A_59, %dma_start3A_62] : memref<163840x128xf32, #tpu.memory_space<hbm>> -> memref<128x128xf32, #tpu.memory_space<hbm>>
        tpu.enqueue_dma source(%dma_start3A_63 : memref<128x128xf32, #tpu.memory_space<hbm>>) target(%arg15 : memref<128x128xf32, #tpu.memory_space<vmem>>) target_semaphore(%arg17 : memref<!tpu.dma_semaphore, #tpu.memory_space<semaphore_mem>>)
        %mul3A_64 = arith.constant 2 : i32
        %mul3A_65 = arith.muli %mul3A_64, %scan3A_47 : i32
        "tpu.region"() ({
          %run_scoped3A = tpu.sem_alloc : memref<!tpu.dma_semaphore, #tpu.memory_space<semaphore_mem>>
          %dma_start3A_82 = arith.constant 0 : i32
          %dma_start3A_83 = tpu.memref_slice %arg13[%mul3A_65, %dma_start3A_82] : memref<40x128xi32, #tpu.memory_space<vmem>> -> memref<1x128xi32, #tpu.memory_space<vmem>>
          %dma_start3A_84 = tpu.memref_squeeze %dma_start3A_83 : memref<1x128xi32, #tpu.memory_space<vmem>> -> memref<128xi32, #tpu.memory_space<vmem>>
          %dma_start3A_85 = arith.constant 0 : i32
          %dma_start3A_86 = arith.constant 0 : i32
          %dma_start3A_87 = tpu.memref_slice %arg11[%dma_start3A_85, %dma_start3A_86] : memref<10112x128xf32, #tpu.memory_space<vmem_shared>> -> memref<10112x128xf32, #tpu.memory_space<vmem_shared>>
          tpu.enqueue_indirect_dma source(%arg14 : memref<128x128xf32, #tpu.memory_space<vmem>>) target(%dma_start3A_87 : memref<10112x128xf32, #tpu.memory_space<vmem_shared>>) offsets(%dma_start3A_84 : memref<128xi32, #tpu.memory_space<vmem>>) semaphore(%run_scoped3A : memref<!tpu.dma_semaphore, #tpu.memory_space<semaphore_mem>>) {add = true}
          %dma_wait3A_88 = arith.constant 0 : i32
          %dma_wait3A_89 = tpu.memref_slice %arg13[%mul3A_65, %dma_wait3A_88] : memref<40x128xi32, #tpu.memory_space<vmem>> -> memref<1x128xi32, #tpu.memory_space<vmem>>
          %dma_wait3A_90 = tpu.memref_squeeze %dma_wait3A_89 : memref<1x128xi32, #tpu.memory_space<vmem>> -> memref<128xi32, #tpu.memory_space<vmem>>
          %dma_wait3A_91 = arith.constant 0 : i32
          %dma_wait3A_92 = arith.constant 0 : i32
          %dma_wait3A_93 = tpu.memref_slice %arg11[%dma_wait3A_91, %dma_wait3A_92] : memref<10112x128xf32, #tpu.memory_space<vmem_shared>> -> memref<10112x128xf32, #tpu.memory_space<vmem_shared>>
          tpu.wait_indirect_dma semaphore(%run_scoped3A : memref<!tpu.dma_semaphore, #tpu.memory_space<semaphore_mem>>) src(%arg14 : memref<128x128xf32, #tpu.memory_space<vmem>>) dst(%dma_wait3A_93 : memref<10112x128xf32, #tpu.memory_space<vmem_shared>>)
          tpu.yield
        }) : () -> ()
        %add3A_66 = arith.constant 1 : i32
        %add3A_67 = arith.addi %add3A_50, %add3A_66 : i32
        %mul3A_68 = arith.constant 128 : i32
        %mul3A_69 = arith.muli %add3A_67, %mul3A_68 : i32
        %dma_wait3A_70 = arith.constant 0 : i32
        %dma_wait3A_71 = tpu.memref_slice %arg4[%mul3A_69, %dma_wait3A_70] : memref<163840x128xf32, #tpu.memory_space<hbm>> -> memref<128x128xf32, #tpu.memory_space<hbm>>
        %dma_wait3A_72 = arith.constant 0 : i32
        %dma_wait3A_73 = tpu.memref_slice %arg4[%mul3A_69, %dma_wait3A_72] : memref<163840x128xf32, #tpu.memory_space<hbm>> -> memref<128x128xf32, #tpu.memory_space<hbm>>
        tpu.wait_dma2 semaphore(%arg17 : memref<!tpu.dma_semaphore, #tpu.memory_space<semaphore_mem>>) src(%dma_wait3A_73 : memref<128x128xf32, #tpu.memory_space<hbm>>) dst(%arg15 : memref<128x128xf32, #tpu.memory_space<vmem>>)
        %lt3A = arith.constant 19 : i32
        %lt3A_74 = arith.cmpi slt, %scan3A_47, %lt3A : i32
        %convert_element_type3A_75 = arith.extui %lt3A_74 : i1 to i32
        %cond3A_76 = arith.constant 0 : i32
        %cond3A_77 = arith.cmpi ne, %convert_element_type3A_75, %cond3A_76 : i32
        scf.if %cond3A_77 {
          %add3A_82 = arith.constant 2 : i32
          %add3A_83 = arith.addi %add3A_50, %add3A_82 : i32
          %mul3A_84 = arith.constant 128 : i32
          %mul3A_85 = arith.muli %add3A_83, %mul3A_84 : i32
          %dma_start3A_86 = arith.constant 0 : i32
          %dma_start3A_87 = tpu.memref_slice %arg4[%mul3A_85, %dma_start3A_86] : memref<163840x128xf32, #tpu.memory_space<hbm>> -> memref<128x128xf32, #tpu.memory_space<hbm>>
          %dma_start3A_88 = arith.constant 0 : i32
          %dma_start3A_89 = tpu.memref_slice %arg4[%mul3A_85, %dma_start3A_88] : memref<163840x128xf32, #tpu.memory_space<hbm>> -> memref<128x128xf32, #tpu.memory_space<hbm>>
          tpu.enqueue_dma source(%dma_start3A_89 : memref<128x128xf32, #tpu.memory_space<hbm>>) target(%arg14 : memref<128x128xf32, #tpu.memory_space<vmem>>) target_semaphore(%arg16 : memref<!tpu.dma_semaphore, #tpu.memory_space<semaphore_mem>>)
        } else {
        }
        %mul3A_78 = arith.constant 2 : i32
        %mul3A_79 = arith.muli %mul3A_78, %scan3A_47 : i32
        %add3A_80 = arith.constant 1 : i32
        %add3A_81 = arith.addi %mul3A_79, %add3A_80 : i32
        "tpu.region"() ({
          %run_scoped3A = tpu.sem_alloc : memref<!tpu.dma_semaphore, #tpu.memory_space<semaphore_mem>>
          %dma_start3A_82 = arith.constant 0 : i32
          %dma_start3A_83 = tpu.memref_slice %arg13[%add3A_81, %dma_start3A_82] : memref<40x128xi32, #tpu.memory_space<vmem>> -> memref<1x128xi32, #tpu.memory_space<vmem>>
          %dma_start3A_84 = tpu.memref_squeeze %dma_start3A_83 : memref<1x128xi32, #tpu.memory_space<vmem>> -> memref<128xi32, #tpu.memory_space<vmem>>
          %dma_start3A_85 = arith.constant 0 : i32
          %dma_start3A_86 = arith.constant 0 : i32
          %dma_start3A_87 = tpu.memref_slice %arg11[%dma_start3A_85, %dma_start3A_86] : memref<10112x128xf32, #tpu.memory_space<vmem_shared>> -> memref<10112x128xf32, #tpu.memory_space<vmem_shared>>
          tpu.enqueue_indirect_dma source(%arg15 : memref<128x128xf32, #tpu.memory_space<vmem>>) target(%dma_start3A_87 : memref<10112x128xf32, #tpu.memory_space<vmem_shared>>) offsets(%dma_start3A_84 : memref<128xi32, #tpu.memory_space<vmem>>) semaphore(%run_scoped3A : memref<!tpu.dma_semaphore, #tpu.memory_space<semaphore_mem>>) {add = true}
          %dma_wait3A_88 = arith.constant 0 : i32
          %dma_wait3A_89 = tpu.memref_slice %arg13[%add3A_81, %dma_wait3A_88] : memref<40x128xi32, #tpu.memory_space<vmem>> -> memref<1x128xi32, #tpu.memory_space<vmem>>
          %dma_wait3A_90 = tpu.memref_squeeze %dma_wait3A_89 : memref<1x128xi32, #tpu.memory_space<vmem>> -> memref<128xi32, #tpu.memory_space<vmem>>
          %dma_wait3A_91 = arith.constant 0 : i32
          %dma_wait3A_92 = arith.constant 0 : i32
          %dma_wait3A_93 = tpu.memref_slice %arg11[%dma_wait3A_91, %dma_wait3A_92] : memref<10112x128xf32, #tpu.memory_space<vmem_shared>> -> memref<10112x128xf32, #tpu.memory_space<vmem_shared>>
          tpu.wait_indirect_dma semaphore(%run_scoped3A : memref<!tpu.dma_semaphore, #tpu.memory_space<semaphore_mem>>) src(%arg15 : memref<128x128xf32, #tpu.memory_space<vmem>>) dst(%dma_wait3A_93 : memref<10112x128xf32, #tpu.memory_space<vmem_shared>>)
          tpu.yield
        }) : () -> ()
      }
      %scan3A_44 = arith.constant 20 : i32
      %barrier3A_45 = arith.constant 0 : index
      tpu.barrier barrier_id(%barrier3A_45)
      "tpu.region"() ({
        %run_scoped3A = tpu.sem_alloc : memref<!tpu.dma_semaphore, #tpu.memory_space<semaphore_mem>>
        %dma_start3A_47 = arith.constant 0 : i32
        %dma_start3A_48 = tpu.memref_slice %arg10[%mul3A_0, %dma_start3A_47] : memref<10112x128xf32, #tpu.memory_space<hbm>> -> memref<632x128xf32, #tpu.memory_space<hbm>>
        %dma_start3A_49 = arith.constant 0 : i32
        %dma_start3A_50 = tpu.memref_slice %arg11[%mul3A_0, %dma_start3A_49] : memref<10112x128xf32, #tpu.memory_space<vmem_shared>> -> memref<632x128xf32, #tpu.memory_space<vmem_shared>>
        tpu.enqueue_dma source(%dma_start3A_50 : memref<632x128xf32, #tpu.memory_space<vmem_shared>>) target(%dma_start3A_48 : memref<632x128xf32, #tpu.memory_space<hbm>>) target_semaphore(%run_scoped3A : memref<!tpu.dma_semaphore, #tpu.memory_space<semaphore_mem>>)
        %dma_wait3A = arith.constant 0 : i32
        %dma_wait3A_51 = tpu.memref_slice %arg10[%mul3A_0, %dma_wait3A] : memref<10112x128xf32, #tpu.memory_space<hbm>> -> memref<632x128xf32, #tpu.memory_space<hbm>>
        %dma_wait3A_52 = arith.constant 0 : i32
        %dma_wait3A_53 = tpu.memref_slice %arg11[%mul3A_0, %dma_wait3A_52] : memref<10112x128xf32, #tpu.memory_space<vmem_shared>> -> memref<632x128xf32, #tpu.memory_space<vmem_shared>>
        tpu.wait_dma2 semaphore(%run_scoped3A : memref<!tpu.dma_semaphore, #tpu.memory_space<semaphore_mem>>) src(%dma_wait3A_53 : memref<632x128xf32, #tpu.memory_space<vmem_shared>>) dst(%dma_wait3A_51 : memref<632x128xf32, #tpu.memory_space<hbm>>)
        tpu.yield
      }) : () -> ()
      %barrier3A_46 = arith.constant 0 : index
      tpu.barrier barrier_id(%barrier3A_46)
    } else {
    }
    return
  }
}

#map = affine_map<(d0, d1) -> (0)>
module attributes {stable_mosaic.version = 14 : i64} {
  func.func @_gather_body(%arg0: i32, %arg1: i32, %arg2: memref<10000xf32, #tpu.memory_space<hbm>>, %arg3: memref<10000xf32, #tpu.memory_space<hbm>>, %arg4: memref<10000xf32, #tpu.memory_space<hbm>>, %arg5: memref<10000xi32, #tpu.memory_space<hbm>>, %arg6: memref<163840xi32, #tpu.memory_space<hbm>>, %arg7: memref<163840xi32, #tpu.memory_space<hbm>>, %arg8: memref<163840xf32, #tpu.memory_space<hbm>>, %arg9: memref<163840xf32, #tpu.memory_space<hbm>>, %arg10: memref<163840xf32, #tpu.memory_space<hbm>>, %arg11: memref<163840xi32, #tpu.memory_space<hbm>>, %arg12: memref<163840xi32, #tpu.memory_space<hbm>>, %arg13: memref<10000xf32, #tpu.memory_space<vmem>>, %arg14: memref<10000xf32, #tpu.memory_space<vmem>>, %arg15: memref<10000xf32, #tpu.memory_space<vmem>>, %arg16: memref<10000xi32, #tpu.memory_space<vmem>>, %arg17: memref<5120xi32, #tpu.memory_space<vmem>>, %arg18: memref<5120xi32, #tpu.memory_space<vmem>>, %arg19: memref<5120xf32, #tpu.memory_space<vmem>>, %arg20: memref<5120xf32, #tpu.memory_space<vmem>>, %arg21: memref<5120xf32, #tpu.memory_space<vmem>>, %arg22: memref<5120xi32, #tpu.memory_space<vmem>>, %arg23: memref<5120xi32, #tpu.memory_space<vmem>>) attributes {dimension_semantics = [#tpu.dimension_semantics<core_parallel>, #tpu.dimension_semantics<subcore_parallel>], iteration_bounds = array<i64: 2, 16>, scalar_prefetch = 0 : i64, scratch_operands = 11 : i64, tpu.core_type = #tpu.core_type<sc_vector_subcore>, window_params = [{transform_indices = #map}, {transform_indices = #map}, {transform_indices = #map}, {transform_indices = #map}, {transform_indices = #map}, {transform_indices = #map}, {transform_indices = #map}, {transform_indices = #map}, {transform_indices = #map}, {transform_indices = #map}, {transform_indices = #map}]} {
    %mul3A = arith.constant 2 : i32
    %mul3A_0 = arith.muli %arg1, %mul3A : i32
    %add3A = arith.addi %mul3A_0, %arg0 : i32
    %mul3A_1 = arith.constant 5120 : i32
    %mul3A_2 = arith.muli %add3A, %mul3A_1 : i32
    "tpu.region"() ({
      %run_scoped3A = tpu.sem_alloc : memref<!tpu.dma_semaphore, #tpu.memory_space<semaphore_mem>>
      tpu.enqueue_dma source(%arg2 : memref<10000xf32, #tpu.memory_space<hbm>>) target(%arg13 : memref<10000xf32, #tpu.memory_space<vmem>>) target_semaphore(%run_scoped3A : memref<!tpu.dma_semaphore, #tpu.memory_space<semaphore_mem>>)
      tpu.wait_dma2 semaphore(%run_scoped3A : memref<!tpu.dma_semaphore, #tpu.memory_space<semaphore_mem>>) src(%arg2 : memref<10000xf32, #tpu.memory_space<hbm>>) dst(%arg13 : memref<10000xf32, #tpu.memory_space<vmem>>)
      tpu.yield
    }) : () -> ()
    "tpu.region"() ({
      %run_scoped3A = tpu.sem_alloc : memref<!tpu.dma_semaphore, #tpu.memory_space<semaphore_mem>>
      tpu.enqueue_dma source(%arg3 : memref<10000xf32, #tpu.memory_space<hbm>>) target(%arg14 : memref<10000xf32, #tpu.memory_space<vmem>>) target_semaphore(%run_scoped3A : memref<!tpu.dma_semaphore, #tpu.memory_space<semaphore_mem>>)
      tpu.wait_dma2 semaphore(%run_scoped3A : memref<!tpu.dma_semaphore, #tpu.memory_space<semaphore_mem>>) src(%arg3 : memref<10000xf32, #tpu.memory_space<hbm>>) dst(%arg14 : memref<10000xf32, #tpu.memory_space<vmem>>)
      tpu.yield
    }) : () -> ()
    "tpu.region"() ({
      %run_scoped3A = tpu.sem_alloc : memref<!tpu.dma_semaphore, #tpu.memory_space<semaphore_mem>>
      tpu.enqueue_dma source(%arg4 : memref<10000xf32, #tpu.memory_space<hbm>>) target(%arg15 : memref<10000xf32, #tpu.memory_space<vmem>>) target_semaphore(%run_scoped3A : memref<!tpu.dma_semaphore, #tpu.memory_space<semaphore_mem>>)
      tpu.wait_dma2 semaphore(%run_scoped3A : memref<!tpu.dma_semaphore, #tpu.memory_space<semaphore_mem>>) src(%arg4 : memref<10000xf32, #tpu.memory_space<hbm>>) dst(%arg15 : memref<10000xf32, #tpu.memory_space<vmem>>)
      tpu.yield
    }) : () -> ()
    "tpu.region"() ({
      %run_scoped3A = tpu.sem_alloc : memref<!tpu.dma_semaphore, #tpu.memory_space<semaphore_mem>>
      tpu.enqueue_dma source(%arg5 : memref<10000xi32, #tpu.memory_space<hbm>>) target(%arg16 : memref<10000xi32, #tpu.memory_space<vmem>>) target_semaphore(%run_scoped3A : memref<!tpu.dma_semaphore, #tpu.memory_space<semaphore_mem>>)
      tpu.wait_dma2 semaphore(%run_scoped3A : memref<!tpu.dma_semaphore, #tpu.memory_space<semaphore_mem>>) src(%arg5 : memref<10000xi32, #tpu.memory_space<hbm>>) dst(%arg16 : memref<10000xi32, #tpu.memory_space<vmem>>)
      tpu.yield
    }) : () -> ()
    "tpu.region"() ({
      %run_scoped3A = tpu.sem_alloc : memref<!tpu.dma_semaphore, #tpu.memory_space<semaphore_mem>>
      %dma_start3A = tpu.memref_slice %arg6[%mul3A_2] : memref<163840xi32, #tpu.memory_space<hbm>> -> memref<5120xi32, #tpu.memory_space<hbm>>
      %dma_start3A_8 = tpu.memref_slice %arg6[%mul3A_2] : memref<163840xi32, #tpu.memory_space<hbm>> -> memref<5120xi32, #tpu.memory_space<hbm>>
      tpu.enqueue_dma source(%dma_start3A_8 : memref<5120xi32, #tpu.memory_space<hbm>>) target(%arg17 : memref<5120xi32, #tpu.memory_space<vmem>>) target_semaphore(%run_scoped3A : memref<!tpu.dma_semaphore, #tpu.memory_space<semaphore_mem>>)
      %dma_wait3A = tpu.memref_slice %arg6[%mul3A_2] : memref<163840xi32, #tpu.memory_space<hbm>> -> memref<5120xi32, #tpu.memory_space<hbm>>
      %dma_wait3A_9 = tpu.memref_slice %arg6[%mul3A_2] : memref<163840xi32, #tpu.memory_space<hbm>> -> memref<5120xi32, #tpu.memory_space<hbm>>
      tpu.wait_dma2 semaphore(%run_scoped3A : memref<!tpu.dma_semaphore, #tpu.memory_space<semaphore_mem>>) src(%dma_wait3A_9 : memref<5120xi32, #tpu.memory_space<hbm>>) dst(%arg17 : memref<5120xi32, #tpu.memory_space<vmem>>)
      tpu.yield
    }) : () -> ()
    "tpu.region"() ({
      %run_scoped3A = tpu.sem_alloc : memref<!tpu.dma_semaphore, #tpu.memory_space<semaphore_mem>>
      %dma_start3A = tpu.memref_slice %arg7[%mul3A_2] : memref<163840xi32, #tpu.memory_space<hbm>> -> memref<5120xi32, #tpu.memory_space<hbm>>
      %dma_start3A_8 = tpu.memref_slice %arg7[%mul3A_2] : memref<163840xi32, #tpu.memory_space<hbm>> -> memref<5120xi32, #tpu.memory_space<hbm>>
      tpu.enqueue_dma source(%dma_start3A_8 : memref<5120xi32, #tpu.memory_space<hbm>>) target(%arg18 : memref<5120xi32, #tpu.memory_space<vmem>>) target_semaphore(%run_scoped3A : memref<!tpu.dma_semaphore, #tpu.memory_space<semaphore_mem>>)
      %dma_wait3A = tpu.memref_slice %arg7[%mul3A_2] : memref<163840xi32, #tpu.memory_space<hbm>> -> memref<5120xi32, #tpu.memory_space<hbm>>
      %dma_wait3A_9 = tpu.memref_slice %arg7[%mul3A_2] : memref<163840xi32, #tpu.memory_space<hbm>> -> memref<5120xi32, #tpu.memory_space<hbm>>
      tpu.wait_dma2 semaphore(%run_scoped3A : memref<!tpu.dma_semaphore, #tpu.memory_space<semaphore_mem>>) src(%dma_wait3A_9 : memref<5120xi32, #tpu.memory_space<hbm>>) dst(%arg18 : memref<5120xi32, #tpu.memory_space<vmem>>)
      tpu.yield
    }) : () -> ()
    %scan3A = arith.constant 0 : i32
    %scan3A_3 = arith.constant 0 : i32
    %scan3A_4 = arith.constant 320 : i32
    %scan3A_5 = arith.addi %scan3A_3, %scan3A_4 : i32
    %scan3A_6 = arith.constant 1 : i32
    scf.for %scan3A_8 = %scan3A_3 to %scan3A_5 step %scan3A_6  : i32 {
      %mul3A_9 = arith.constant 16 : i32
      %mul3A_10 = arith.muli %scan3A_8, %mul3A_9 : i32
      %get3A = arith.index_cast %mul3A_10 : i32 to index
      %get3A_11 = tpu.vector_load %arg17[%get3A] {strides = array<i32>} : memref<5120xi32, #tpu.memory_space<vmem>>, vector<16xi32>,
      %get3A_12 = arith.index_cast %mul3A_10 : i32 to index
      %get3A_13 = tpu.vector_load %arg18[%get3A_12] {strides = array<i32>} : memref<5120xi32, #tpu.memory_space<vmem>>, vector<16xi32>,
      %gather3A = tpu.vector_load_idx %arg13[%get3A_11] : memref<10000xf32, #tpu.memory_space<vmem>>[vector<16xi32>], vector<16xf32>,
      %gather3A_14 = tpu.vector_load_idx %arg13[%get3A_13] : memref<10000xf32, #tpu.memory_space<vmem>>[vector<16xi32>], vector<16xf32>,
      %sub3A = arith.subf %gather3A, %gather3A_14 : vector<16xf32>
      %swap3A = arith.index_cast %mul3A_10 : i32 to index
      %swap3A_15 = tpu.vector_load %arg19[%swap3A] {strides = array<i32>} : memref<5120xf32, #tpu.memory_space<vmem>>, vector<16xf32>,
      tpu.vector_store %arg19[%swap3A], %sub3A {strides = array<i32>} : memref<5120xf32, #tpu.memory_space<vmem>>, vector<16xf32>,
      %gather3A_16 = tpu.vector_load_idx %arg14[%get3A_11] : memref<10000xf32, #tpu.memory_space<vmem>>[vector<16xi32>], vector<16xf32>,
      %gather3A_17 = tpu.vector_load_idx %arg14[%get3A_13] : memref<10000xf32, #tpu.memory_space<vmem>>[vector<16xi32>], vector<16xf32>,
      %sub3A_18 = arith.subf %gather3A_16, %gather3A_17 : vector<16xf32>
      %swap3A_19 = arith.index_cast %mul3A_10 : i32 to index
      %swap3A_20 = tpu.vector_load %arg20[%swap3A_19] {strides = array<i32>} : memref<5120xf32, #tpu.memory_space<vmem>>, vector<16xf32>,
      tpu.vector_store %arg20[%swap3A_19], %sub3A_18 {strides = array<i32>} : memref<5120xf32, #tpu.memory_space<vmem>>, vector<16xf32>,
      %gather3A_21 = tpu.vector_load_idx %arg15[%get3A_11] : memref<10000xf32, #tpu.memory_space<vmem>>[vector<16xi32>], vector<16xf32>,
      %gather3A_22 = tpu.vector_load_idx %arg15[%get3A_13] : memref<10000xf32, #tpu.memory_space<vmem>>[vector<16xi32>], vector<16xf32>,
      %sub3A_23 = arith.subf %gather3A_21, %gather3A_22 : vector<16xf32>
      %swap3A_24 = arith.index_cast %mul3A_10 : i32 to index
      %swap3A_25 = tpu.vector_load %arg21[%swap3A_24] {strides = array<i32>} : memref<5120xf32, #tpu.memory_space<vmem>>, vector<16xf32>,
      tpu.vector_store %arg21[%swap3A_24], %sub3A_23 {strides = array<i32>} : memref<5120xf32, #tpu.memory_space<vmem>>, vector<16xf32>,
      %gather3A_26 = tpu.vector_load_idx %arg16[%get3A_11] : memref<10000xi32, #tpu.memory_space<vmem>>[vector<16xi32>], vector<16xi32>,
      %swap3A_27 = arith.index_cast %mul3A_10 : i32 to index
      %swap3A_28 = tpu.vector_load %arg22[%swap3A_27] {strides = array<i32>} : memref<5120xi32, #tpu.memory_space<vmem>>, vector<16xi32>,
      tpu.vector_store %arg22[%swap3A_27], %gather3A_26 {strides = array<i32>} : memref<5120xi32, #tpu.memory_space<vmem>>, vector<16xi32>,
      %gather3A_29 = tpu.vector_load_idx %arg16[%get3A_13] : memref<10000xi32, #tpu.memory_space<vmem>>[vector<16xi32>], vector<16xi32>,
      %swap3A_30 = arith.index_cast %mul3A_10 : i32 to index
      %swap3A_31 = tpu.vector_load %arg23[%swap3A_30] {strides = array<i32>} : memref<5120xi32, #tpu.memory_space<vmem>>, vector<16xi32>,
      tpu.vector_store %arg23[%swap3A_30], %gather3A_29 {strides = array<i32>} : memref<5120xi32, #tpu.memory_space<vmem>>, vector<16xi32>,
    }
    %scan3A_7 = arith.constant 320 : i32
    "tpu.region"() ({
      %run_scoped3A = tpu.sem_alloc : memref<!tpu.dma_semaphore, #tpu.memory_space<semaphore_mem>>
      %dma_start3A = tpu.memref_slice %arg8[%mul3A_2] : memref<163840xf32, #tpu.memory_space<hbm>> -> memref<5120xf32, #tpu.memory_space<hbm>>
      %dma_start3A_8 = tpu.memref_slice %arg8[%mul3A_2] : memref<163840xf32, #tpu.memory_space<hbm>> -> memref<5120xf32, #tpu.memory_space<hbm>>
      tpu.enqueue_dma source(%arg19 : memref<5120xf32, #tpu.memory_space<vmem>>) target(%dma_start3A_8 : memref<5120xf32, #tpu.memory_space<hbm>>) target_semaphore(%run_scoped3A : memref<!tpu.dma_semaphore, #tpu.memory_space<semaphore_mem>>)
      %dma_wait3A = tpu.memref_slice %arg8[%mul3A_2] : memref<163840xf32, #tpu.memory_space<hbm>> -> memref<5120xf32, #tpu.memory_space<hbm>>
      %dma_wait3A_9 = tpu.memref_slice %arg8[%mul3A_2] : memref<163840xf32, #tpu.memory_space<hbm>> -> memref<5120xf32, #tpu.memory_space<hbm>>
      tpu.wait_dma2 semaphore(%run_scoped3A : memref<!tpu.dma_semaphore, #tpu.memory_space<semaphore_mem>>) src(%arg19 : memref<5120xf32, #tpu.memory_space<vmem>>) dst(%dma_wait3A_9 : memref<5120xf32, #tpu.memory_space<hbm>>)
      tpu.yield
    }) : () -> ()
    "tpu.region"() ({
      %run_scoped3A = tpu.sem_alloc : memref<!tpu.dma_semaphore, #tpu.memory_space<semaphore_mem>>
      %dma_start3A = tpu.memref_slice %arg9[%mul3A_2] : memref<163840xf32, #tpu.memory_space<hbm>> -> memref<5120xf32, #tpu.memory_space<hbm>>
      %dma_start3A_8 = tpu.memref_slice %arg9[%mul3A_2] : memref<163840xf32, #tpu.memory_space<hbm>> -> memref<5120xf32, #tpu.memory_space<hbm>>
      tpu.enqueue_dma source(%arg20 : memref<5120xf32, #tpu.memory_space<vmem>>) target(%dma_start3A_8 : memref<5120xf32, #tpu.memory_space<hbm>>) target_semaphore(%run_scoped3A : memref<!tpu.dma_semaphore, #tpu.memory_space<semaphore_mem>>)
      %dma_wait3A = tpu.memref_slice %arg9[%mul3A_2] : memref<163840xf32, #tpu.memory_space<hbm>> -> memref<5120xf32, #tpu.memory_space<hbm>>
      %dma_wait3A_9 = tpu.memref_slice %arg9[%mul3A_2] : memref<163840xf32, #tpu.memory_space<hbm>> -> memref<5120xf32, #tpu.memory_space<hbm>>
      tpu.wait_dma2 semaphore(%run_scoped3A : memref<!tpu.dma_semaphore, #tpu.memory_space<semaphore_mem>>) src(%arg20 : memref<5120xf32, #tpu.memory_space<vmem>>) dst(%dma_wait3A_9 : memref<5120xf32, #tpu.memory_space<hbm>>)
      tpu.yield
    }) : () -> ()
    "tpu.region"() ({
      %run_scoped3A = tpu.sem_alloc : memref<!tpu.dma_semaphore, #tpu.memory_space<semaphore_mem>>
      %dma_start3A = tpu.memref_slice %arg10[%mul3A_2] : memref<163840xf32, #tpu.memory_space<hbm>> -> memref<5120xf32, #tpu.memory_space<hbm>>
      %dma_start3A_8 = tpu.memref_slice %arg10[%mul3A_2] : memref<163840xf32, #tpu.memory_space<hbm>> -> memref<5120xf32, #tpu.memory_space<hbm>>
      tpu.enqueue_dma source(%arg21 : memref<5120xf32, #tpu.memory_space<vmem>>) target(%dma_start3A_8 : memref<5120xf32, #tpu.memory_space<hbm>>) target_semaphore(%run_scoped3A : memref<!tpu.dma_semaphore, #tpu.memory_space<semaphore_mem>>)
      %dma_wait3A = tpu.memref_slice %arg10[%mul3A_2] : memref<163840xf32, #tpu.memory_space<hbm>> -> memref<5120xf32, #tpu.memory_space<hbm>>
      %dma_wait3A_9 = tpu.memref_slice %arg10[%mul3A_2] : memref<163840xf32, #tpu.memory_space<hbm>> -> memref<5120xf32, #tpu.memory_space<hbm>>
      tpu.wait_dma2 semaphore(%run_scoped3A : memref<!tpu.dma_semaphore, #tpu.memory_space<semaphore_mem>>) src(%arg21 : memref<5120xf32, #tpu.memory_space<vmem>>) dst(%dma_wait3A_9 : memref<5120xf32, #tpu.memory_space<hbm>>)
      tpu.yield
    }) : () -> ()
    "tpu.region"() ({
      %run_scoped3A = tpu.sem_alloc : memref<!tpu.dma_semaphore, #tpu.memory_space<semaphore_mem>>
      %dma_start3A = tpu.memref_slice %arg11[%mul3A_2] : memref<163840xi32, #tpu.memory_space<hbm>> -> memref<5120xi32, #tpu.memory_space<hbm>>
      %dma_start3A_8 = tpu.memref_slice %arg11[%mul3A_2] : memref<163840xi32, #tpu.memory_space<hbm>> -> memref<5120xi32, #tpu.memory_space<hbm>>
      tpu.enqueue_dma source(%arg22 : memref<5120xi32, #tpu.memory_space<vmem>>) target(%dma_start3A_8 : memref<5120xi32, #tpu.memory_space<hbm>>) target_semaphore(%run_scoped3A : memref<!tpu.dma_semaphore, #tpu.memory_space<semaphore_mem>>)
      %dma_wait3A = tpu.memref_slice %arg11[%mul3A_2] : memref<163840xi32, #tpu.memory_space<hbm>> -> memref<5120xi32, #tpu.memory_space<hbm>>
      %dma_wait3A_9 = tpu.memref_slice %arg11[%mul3A_2] : memref<163840xi32, #tpu.memory_space<hbm>> -> memref<5120xi32, #tpu.memory_space<hbm>>
      tpu.wait_dma2 semaphore(%run_scoped3A : memref<!tpu.dma_semaphore, #tpu.memory_space<semaphore_mem>>) src(%arg22 : memref<5120xi32, #tpu.memory_space<vmem>>) dst(%dma_wait3A_9 : memref<5120xi32, #tpu.memory_space<hbm>>)
      tpu.yield
    }) : () -> ()
    "tpu.region"() ({
      %run_scoped3A = tpu.sem_alloc : memref<!tpu.dma_semaphore, #tpu.memory_space<semaphore_mem>>
      %dma_start3A = tpu.memref_slice %arg12[%mul3A_2] : memref<163840xi32, #tpu.memory_space<hbm>> -> memref<5120xi32, #tpu.memory_space<hbm>>
      %dma_start3A_8 = tpu.memref_slice %arg12[%mul3A_2] : memref<163840xi32, #tpu.memory_space<hbm>> -> memref<5120xi32, #tpu.memory_space<hbm>>
      tpu.enqueue_dma source(%arg23 : memref<5120xi32, #tpu.memory_space<vmem>>) target(%dma_start3A_8 : memref<5120xi32, #tpu.memory_space<hbm>>) target_semaphore(%run_scoped3A : memref<!tpu.dma_semaphore, #tpu.memory_space<semaphore_mem>>)
      %dma_wait3A = tpu.memref_slice %arg12[%mul3A_2] : memref<163840xi32, #tpu.memory_space<hbm>> -> memref<5120xi32, #tpu.memory_space<hbm>>
      %dma_wait3A_9 = tpu.memref_slice %arg12[%mul3A_2] : memref<163840xi32, #tpu.memory_space<hbm>> -> memref<5120xi32, #tpu.memory_space<hbm>>
      tpu.wait_dma2 semaphore(%run_scoped3A : memref<!tpu.dma_semaphore, #tpu.memory_space<semaphore_mem>>) src(%arg23 : memref<5120xi32, #tpu.memory_space<vmem>>) dst(%dma_wait3A_9 : memref<5120xi32, #tpu.memory_space<hbm>>)
      tpu.yield
    }) : () -> ()
    return
  }
}

module attributes {stable_mosaic.version = 14 : i64} {
  func.func @_msg_body(%arg0: i32, %arg1: memref<1x1x2048xf32, #tpu.memory_space<vmem>>, %arg2: memref<1x1x2048xf32, #tpu.memory_space<vmem>>, %arg3: memref<1x1x2048xf32, #tpu.memory_space<vmem>>, %arg4: memref<1x1x2048xi32, #tpu.memory_space<vmem>>, %arg5: memref<1x1x2048xi32, #tpu.memory_space<vmem>>, %arg6: memref<128x32xf32, #tpu.memory_space<vmem>>, %arg7: memref<32x128xf32, #tpu.memory_space<vmem>>, %arg8: memref<32x128xf32, #tpu.memory_space<vmem>>, %arg9: memref<1x128xf32, #tpu.memory_space<vmem>>, %arg10: memref<32x128xf32, #tpu.memory_space<vmem>>, %arg11: memref<1x128xf32, #tpu.memory_space<vmem>>, %arg12: memref<32x128xf32, #tpu.memory_space<vmem>>, %arg13: memref<1x128xf32, #tpu.memory_space<vmem>>, %arg14: memref<2048x128xf32, #tpu.memory_space<vmem>>, %arg15: memref<2048x128xf32, #tpu.memory_space<vmem>>, %arg16: memref<2048x128xf32, #tpu.memory_space<vmem>>) attributes {dimension_semantics = [#tpu.dimension_semantics<arbitrary>], iteration_bounds = array<i64: 80>, scalar_prefetch = 0 : i64, scratch_operands = 0 : i64, tpu.core_type = #tpu.core_type<tc>, window_params = [{transform_indices = @transform_0, window_bounds = array<i64: 1, 1, 2048>}, {transform_indices = @transform_1, window_bounds = array<i64: 1, 1, 2048>}, {transform_indices = @transform_2, window_bounds = array<i64: 1, 1, 2048>}, {transform_indices = @transform_3, window_bounds = array<i64: 1, 1, 2048>}, {transform_indices = @transform_4, window_bounds = array<i64: 1, 1, 2048>}, {pipeline_mode = #tpu.pipeline_mode<synchronous>, transform_indices = @transform_5, window_bounds = array<i64: 128, 32>}, {pipeline_mode = #tpu.pipeline_mode<synchronous>, transform_indices = @transform_6, window_bounds = array<i64: 32, 128>}, {pipeline_mode = #tpu.pipeline_mode<synchronous>, transform_indices = @transform_7, window_bounds = array<i64: 32, 128>}, {pipeline_mode = #tpu.pipeline_mode<synchronous>, transform_indices = @transform_8, window_bounds = array<i64: 1, 128>}, {pipeline_mode = #tpu.pipeline_mode<synchronous>, transform_indices = @transform_9, window_bounds = array<i64: 32, 128>}, {pipeline_mode = #tpu.pipeline_mode<synchronous>, transform_indices = @transform_10, window_bounds = array<i64: 1, 128>}, {pipeline_mode = #tpu.pipeline_mode<synchronous>, transform_indices = @transform_11, window_bounds = array<i64: 32, 128>}, {pipeline_mode = #tpu.pipeline_mode<synchronous>, transform_indices = @transform_12, window_bounds = array<i64: 1, 128>}, {transform_indices = @transform_13, window_bounds = array<i64: 2048, 128>}, {transform_indices = @transform_14, window_bounds = array<i64: 2048, 128>}, {transform_indices = @transform_15, window_bounds = array<i64: 2048, 128>}]} {
    %get3A = arith.constant 0 : index
    %get3A_0 = arith.constant 0 : index
    %get3A_1 = arith.constant 0 : index
    %get3A_2 = vector.load %arg1[%get3A, %get3A_0, %get3A_1] : memref<1x1x2048xf32, #tpu.memory_space<vmem>>, vector<1x1x2048xf32>
    %get3A_3 = vector.shape_cast %get3A_2 : vector<1x1x2048xf32> to vector<1x2048xf32>
    %get3A_4 = arith.constant 0 : index
    %get3A_5 = arith.constant 0 : index
    %get3A_6 = arith.constant 0 : index
    %get3A_7 = vector.load %arg2[%get3A_4, %get3A_5, %get3A_6] : memref<1x1x2048xf32, #tpu.memory_space<vmem>>, vector<1x1x2048xf32>
    %get3A_8 = vector.shape_cast %get3A_7 : vector<1x1x2048xf32> to vector<1x2048xf32>
    %get3A_9 = arith.constant 0 : index
    %get3A_10 = arith.constant 0 : index
    %get3A_11 = arith.constant 0 : index
    %get3A_12 = vector.load %arg3[%get3A_9, %get3A_10, %get3A_11] : memref<1x1x2048xf32, #tpu.memory_space<vmem>>, vector<1x1x2048xf32>
    %get3A_13 = vector.shape_cast %get3A_12 : vector<1x1x2048xf32> to vector<1x2048xf32>
    %mul3A = arith.mulf %get3A_3, %get3A_3 : vector<1x2048xf32>
    %mul3A_14 = arith.mulf %get3A_8, %get3A_8 : vector<1x2048xf32>
    %add3A = arith.addf %mul3A, %mul3A_14 : vector<1x2048xf32>
    %mul3A_15 = arith.mulf %get3A_13, %get3A_13 : vector<1x2048xf32>
    %add3A_16 = arith.addf %add3A, %mul3A_15 : vector<1x2048xf32>
    %add3A_17 = arith.constant 9.99999996E-13 : f32
    %add3A_18 = vector.broadcast %add3A_17 : f32 to vector<1x2048xf32>
    %add3A_19 = arith.addf %add3A_16, %add3A_18 : vector<1x2048xf32>
    %rsqrt3A = math.rsqrt %add3A_19 : vector<1x2048xf32>
    %mul3A_20 = arith.constant 5.000000e-01 : f32
    %mul3A_21 = vector.broadcast %mul3A_20 : f32 to vector<1x2048xf32>
    %mul3A_22 = arith.mulf %mul3A_21, %add3A_19 : vector<1x2048xf32>
    %mul3A_23 = arith.mulf %mul3A_22, %rsqrt3A : vector<1x2048xf32>
    %mul3A_24 = arith.mulf %mul3A_23, %rsqrt3A : vector<1x2048xf32>
    %sub3A = arith.constant 1.500000e+00 : f32
    %sub3A_25 = vector.broadcast %sub3A : f32 to vector<1x2048xf32>
    %sub3A_26 = arith.subf %sub3A_25, %mul3A_24 : vector<1x2048xf32>
    %mul3A_27 = arith.mulf %rsqrt3A, %sub3A_26 : vector<1x2048xf32>
    %mul3A_28 = arith.mulf %add3A_19, %mul3A_27 : vector<1x2048xf32>
    %add3A_29 = arith.constant 9.99999971E-10 : f32
    %add3A_30 = vector.broadcast %add3A_29 : f32 to vector<1x2048xf32>
    %add3A_31 = arith.addf %mul3A_28, %add3A_30 : vector<1x2048xf32>
    %rsqrt3A_32 = math.rsqrt %add3A_31 : vector<1x2048xf32>
    %mul3A_33 = arith.constant 5.000000e-01 : f32
    %mul3A_34 = vector.broadcast %mul3A_33 : f32 to vector<1x2048xf32>
    %mul3A_35 = arith.mulf %mul3A_34, %add3A_31 : vector<1x2048xf32>
    %mul3A_36 = arith.mulf %mul3A_35, %rsqrt3A_32 : vector<1x2048xf32>
    %mul3A_37 = arith.mulf %mul3A_36, %rsqrt3A_32 : vector<1x2048xf32>
    %sub3A_38 = arith.constant 1.500000e+00 : f32
    %sub3A_39 = vector.broadcast %sub3A_38 : f32 to vector<1x2048xf32>
    %sub3A_40 = arith.subf %sub3A_39, %mul3A_37 : vector<1x2048xf32>
    %mul3A_41 = arith.mulf %rsqrt3A_32, %sub3A_40 : vector<1x2048xf32>
    %mul3A_42 = arith.mulf %mul3A_41, %mul3A_41 : vector<1x2048xf32>
    %mul3A_43 = arith.mulf %get3A_3, %mul3A_42 : vector<1x2048xf32>
    %mul3A_44 = arith.mulf %get3A_8, %mul3A_42 : vector<1x2048xf32>
    %mul3A_45 = arith.mulf %get3A_13, %mul3A_42 : vector<1x2048xf32>
    %mul3A_46 = arith.constant 0.34906584 : f32
    %mul3A_47 = vector.broadcast %mul3A_46 : f32 to vector<1x2048xf32>
    %mul3A_48 = arith.mulf %mul3A_28, %mul3A_47 : vector<1x2048xf32>
    %mul3A_49 = arith.mulf %mul3A_48, %mul3A_48 : vector<1x2048xf32>
    %mul3A_50 = arith.constant 2.08767559E-9 : f32
    %mul3A_51 = vector.broadcast %mul3A_50 : f32 to vector<1x2048xf32>
    %mul3A_52 = arith.mulf %mul3A_49, %mul3A_51 : vector<1x2048xf32>
    %add3A_53 = arith.constant -2.755732E-7 : f32
    %add3A_54 = vector.broadcast %add3A_53 : f32 to vector<1x2048xf32>
    %add3A_55 = arith.addf %add3A_54, %mul3A_52 : vector<1x2048xf32>
    %mul3A_56 = arith.mulf %mul3A_49, %add3A_55 : vector<1x2048xf32>
    %add3A_57 = arith.constant 2.48015876E-5 : f32
    %add3A_58 = vector.broadcast %add3A_57 : f32 to vector<1x2048xf32>
    %add3A_59 = arith.addf %add3A_58, %mul3A_56 : vector<1x2048xf32>
    %mul3A_60 = arith.mulf %mul3A_49, %add3A_59 : vector<1x2048xf32>
    %add3A_61 = arith.constant -0.00138888892 : f32
    %add3A_62 = vector.broadcast %add3A_61 : f32 to vector<1x2048xf32>
    %add3A_63 = arith.addf %add3A_62, %mul3A_60 : vector<1x2048xf32>
    %mul3A_64 = arith.mulf %mul3A_49, %add3A_63 : vector<1x2048xf32>
    %add3A_65 = arith.constant 0.0416666679 : f32
    %add3A_66 = vector.broadcast %add3A_65 : f32 to vector<1x2048xf32>
    %add3A_67 = arith.addf %add3A_66, %mul3A_64 : vector<1x2048xf32>
    %mul3A_68 = arith.mulf %mul3A_49, %add3A_67 : vector<1x2048xf32>
    %add3A_69 = arith.constant -5.000000e-01 : f32
    %add3A_70 = vector.broadcast %add3A_69 : f32 to vector<1x2048xf32>
    %add3A_71 = arith.addf %add3A_70, %mul3A_68 : vector<1x2048xf32>
    %mul3A_72 = arith.mulf %mul3A_49, %add3A_71 : vector<1x2048xf32>
    %add3A_73 = arith.constant 1.000000e+00 : f32
    %add3A_74 = vector.broadcast %add3A_73 : f32 to vector<1x2048xf32>
    %add3A_75 = arith.addf %add3A_74, %mul3A_72 : vector<1x2048xf32>
    %lt3A = arith.constant 4.500000e+00 : f32
    %lt3A_76 = vector.broadcast %lt3A : f32 to vector<1x2048xf32>
    %lt3A_77 = arith.cmpf olt, %mul3A_28, %lt3A_76 : vector<1x2048xf32>
    %mul3A_78 = arith.mulf %add3A_75, %add3A_75 : vector<1x2048xf32>
    %jit3A = arith.constant 0.000000e+00 : f32
    %broadcast_in_dim3A = vector.broadcast %jit3A : f32 to vector<1x2048xf32>
    %select_n3A = arith.select %lt3A_77, %mul3A_78, %broadcast_in_dim3A : vector<1x2048xi1>, vector<1x2048xf32>
    %mul3A_79 = arith.mulf %mul3A_43, %mul3A_43 : vector<1x2048xf32>
    %mul3A_80 = arith.mulf %mul3A_44, %mul3A_44 : vector<1x2048xf32>
    %add3A_81 = arith.addf %mul3A_79, %mul3A_80 : vector<1x2048xf32>
    %mul3A_82 = arith.mulf %mul3A_45, %mul3A_45 : vector<1x2048xf32>
    %add3A_83 = arith.addf %add3A_81, %mul3A_82 : vector<1x2048xf32>
    %mul3A_84 = arith.constant 0.333333343 : f32
    %mul3A_85 = vector.broadcast %mul3A_84 : f32 to vector<1x2048xf32>
    %mul3A_86 = arith.mulf %add3A_83, %mul3A_85 : vector<1x2048xf32>
    %mul3A_87 = arith.mulf %select_n3A, %mul3A_42 : vector<1x2048xf32>
    %mul3A_88 = arith.constant -1.11111116 : f32
    %mul3A_89 = vector.broadcast %mul3A_88 : f32 to vector<1x2048xf32>
    %mul3A_90 = arith.mulf %mul3A_89, %mul3A_28 : vector<1x2048xf32>
    %jit3A_91 = arith.constant -8.700000e+01 : f32
    %jit3A_92 = arith.constant 8.800000e+01 : f32
    %max3A = vector.broadcast %jit3A_91 : f32 to vector<1x2048xf32>
    %max3A_93 = arith.maximumf %max3A, %mul3A_90 : vector<1x2048xf32>
    %min3A = vector.broadcast %jit3A_92 : f32 to vector<1x2048xf32>
    %min3A_94 = arith.minimumf %min3A, %max3A_93 : vector<1x2048xf32>
    %mul3A_95 = arith.constant 1.44269502 : f32
    %mul3A_96 = vector.broadcast %mul3A_95 : f32 to vector<1x2048xf32>
    %mul3A_97 = arith.mulf %min3A_94, %mul3A_96 : vector<1x2048xf32>
    %add3A_98 = arith.constant 5.000000e-01 : f32
    %add3A_99 = vector.broadcast %add3A_98 : f32 to vector<1x2048xf32>
    %add3A_100 = arith.addf %mul3A_97, %add3A_99 : vector<1x2048xf32>
    %floor3A = math.floor %add3A_100 : vector<1x2048xf32>
    %mul3A_101 = arith.constant 0.693359375 : f32
    %mul3A_102 = vector.broadcast %mul3A_101 : f32 to vector<1x2048xf32>
    %mul3A_103 = arith.mulf %floor3A, %mul3A_102 : vector<1x2048xf32>
    %sub3A_104 = arith.subf %min3A_94, %mul3A_103 : vector<1x2048xf32>
    %mul3A_105 = arith.constant -2.12194442E-4 : f32
    %mul3A_106 = vector.broadcast %mul3A_105 : f32 to vector<1x2048xf32>
    %mul3A_107 = arith.mulf %floor3A, %mul3A_106 : vector<1x2048xf32>
    %sub3A_108 = arith.subf %sub3A_104, %mul3A_107 : vector<1x2048xf32>
    %mul3A_109 = arith.constant 1.98412701E-4 : f32
    %mul3A_110 = vector.broadcast %mul3A_109 : f32 to vector<1x2048xf32>
    %mul3A_111 = arith.mulf %sub3A_108, %mul3A_110 : vector<1x2048xf32>
    %add3A_112 = arith.constant 0.00138888892 : f32
    %add3A_113 = vector.broadcast %add3A_112 : f32 to vector<1x2048xf32>
    %add3A_114 = arith.addf %add3A_113, %mul3A_111 : vector<1x2048xf32>
    %mul3A_115 = arith.mulf %sub3A_108, %add3A_114 : vector<1x2048xf32>
    %add3A_116 = arith.constant 0.00833333377 : f32
    %add3A_117 = vector.broadcast %add3A_116 : f32 to vector<1x2048xf32>
    %add3A_118 = arith.addf %add3A_117, %mul3A_115 : vector<1x2048xf32>
    %mul3A_119 = arith.mulf %sub3A_108, %add3A_118 : vector<1x2048xf32>
    %add3A_120 = arith.constant 0.0416666679 : f32
    %add3A_121 = vector.broadcast %add3A_120 : f32 to vector<1x2048xf32>
    %add3A_122 = arith.addf %add3A_121, %mul3A_119 : vector<1x2048xf32>
    %mul3A_123 = arith.mulf %sub3A_108, %add3A_122 : vector<1x2048xf32>
    %add3A_124 = arith.constant 0.166666672 : f32
    %add3A_125 = vector.broadcast %add3A_124 : f32 to vector<1x2048xf32>
    %add3A_126 = arith.addf %add3A_125, %mul3A_123 : vector<1x2048xf32>
    %mul3A_127 = arith.mulf %sub3A_108, %add3A_126 : vector<1x2048xf32>
    %add3A_128 = arith.constant 5.000000e-01 : f32
    %add3A_129 = vector.broadcast %add3A_128 : f32 to vector<1x2048xf32>
    %add3A_130 = arith.addf %add3A_129, %mul3A_127 : vector<1x2048xf32>
    %mul3A_131 = arith.mulf %sub3A_108, %add3A_130 : vector<1x2048xf32>
    %add3A_132 = arith.constant 1.000000e+00 : f32
    %add3A_133 = vector.broadcast %add3A_132 : f32 to vector<1x2048xf32>
    %add3A_134 = arith.addf %add3A_133, %mul3A_131 : vector<1x2048xf32>
    %mul3A_135 = arith.mulf %sub3A_108, %add3A_134 : vector<1x2048xf32>
    %add3A_136 = arith.constant 1.000000e+00 : f32
    %add3A_137 = vector.broadcast %add3A_136 : f32 to vector<1x2048xf32>
    %add3A_138 = arith.addf %add3A_137, %mul3A_135 : vector<1x2048xf32>
    %convert_element_type3A = arith.fptosi %floor3A : vector<1x2048xf32> to vector<1x2048xi32>
    %add3A_139 = arith.constant 127 : i32
    %add3A_140 = vector.broadcast %add3A_139 : i32 to vector<1x2048xi32>
    %add3A_141 = arith.addi %convert_element_type3A, %add3A_140 : vector<1x2048xi32>
    %shift_left3A = arith.constant 23 : i32
    %shift_left3A_142 = vector.broadcast %shift_left3A : i32 to vector<1x2048xi32>
    %shift_left3A_143 = arith.shli %add3A_141, %shift_left3A_142 : vector<1x2048xi32>
    %bitcast_convert_type3A = tpu.bitcast %shift_left3A_143 : vector<1x2048xi32> -> vector<1x2048xf32>
    %mul3A_144 = arith.mulf %add3A_138, %bitcast_convert_type3A : vector<1x2048xf32>
    %mul3A_145 = arith.mulf %get3A_3, %mul3A_87 : vector<1x2048xf32>
    %mul3A_146 = arith.mulf %get3A_8, %mul3A_87 : vector<1x2048xf32>
    %mul3A_147 = arith.mulf %get3A_13, %mul3A_87 : vector<1x2048xf32>
    %mul3A_148 = arith.mulf %mul3A_43, %mul3A_43 : vector<1x2048xf32>
    %sub3A_149 = arith.subf %mul3A_148, %mul3A_86 : vector<1x2048xf32>
    %mul3A_150 = arith.mulf %select_n3A, %sub3A_149 : vector<1x2048xf32>
    %mul3A_151 = arith.mulf %mul3A_44, %mul3A_44 : vector<1x2048xf32>
    %sub3A_152 = arith.subf %mul3A_151, %mul3A_86 : vector<1x2048xf32>
    %mul3A_153 = arith.mulf %select_n3A, %sub3A_152 : vector<1x2048xf32>
    %mul3A_154 = arith.mulf %mul3A_45, %mul3A_45 : vector<1x2048xf32>
    %sub3A_155 = arith.subf %mul3A_154, %mul3A_86 : vector<1x2048xf32>
    %mul3A_156 = arith.mulf %select_n3A, %sub3A_155 : vector<1x2048xf32>
    %mul3A_157 = arith.mulf %mul3A_43, %mul3A_44 : vector<1x2048xf32>
    %mul3A_158 = arith.mulf %select_n3A, %mul3A_157 : vector<1x2048xf32>
    %mul3A_159 = arith.mulf %mul3A_43, %mul3A_45 : vector<1x2048xf32>
    %mul3A_160 = arith.mulf %select_n3A, %mul3A_159 : vector<1x2048xf32>
    %mul3A_161 = arith.mulf %mul3A_44, %mul3A_45 : vector<1x2048xf32>
    %mul3A_162 = arith.mulf %select_n3A, %mul3A_161 : vector<1x2048xf32>
    %get3A_163 = arith.constant 0 : index
    %get3A_164 = arith.constant 0 : index
    %get3A_165 = arith.constant 0 : index
    %get3A_166 = vector.load %arg4[%get3A_163, %get3A_164, %get3A_165] : memref<1x1x2048xi32, #tpu.memory_space<vmem>>, vector<1x1x2048xi32>
    %get3A_167 = vector.shape_cast %get3A_166 : vector<1x1x2048xi32> to vector<1x2048xi32>
    %convert_element_type3A_168 = arith.sitofp %get3A_167 : vector<1x2048xi32> to vector<1x2048xf32>
    %get3A_169 = arith.constant 0 : index
    %get3A_170 = arith.constant 0 : index
    %get3A_171 = arith.constant 0 : index
    %get3A_172 = vector.load %arg5[%get3A_169, %get3A_170, %get3A_171] : memref<1x1x2048xi32, #tpu.memory_space<vmem>>, vector<1x1x2048xi32>
    %get3A_173 = vector.shape_cast %get3A_172 : vector<1x1x2048xi32> to vector<1x2048xi32>
    %convert_element_type3A_174 = arith.sitofp %get3A_173 : vector<1x2048xi32> to vector<1x2048xf32>
    %broadcast_in_dim3A_175 = arith.constant 0.000000e+00 : f32
    %broadcast_in_dim3A_176 = vector.broadcast %broadcast_in_dim3A_175 : f32 to vector<1x2048xf32>
    %broadcast_in_dim3A_177 = arith.constant 0.000000e+00 : f32
    %broadcast_in_dim3A_178 = vector.broadcast %broadcast_in_dim3A_177 : f32 to vector<1x2048xf32>
    %broadcast_in_dim3A_179 = arith.constant 0.000000e+00 : f32
    %broadcast_in_dim3A_180 = vector.broadcast %broadcast_in_dim3A_179 : f32 to vector<1x2048xf32>
    %concatenate3A = tpu.concatenate %select_n3A, %mul3A_145, %mul3A_146, %mul3A_147, %mul3A_150, %mul3A_153, %mul3A_156, %mul3A_158, %mul3A_160, %mul3A_162, %mul3A_144, %convert_element_type3A_168, %convert_element_type3A_174, %broadcast_in_dim3A_176, %broadcast_in_dim3A_178, %broadcast_in_dim3A_180 in 0 : vector<1x2048xf32>, vector<1x2048xf32>, vector<1x2048xf32>, vector<1x2048xf32>, vector<1x2048xf32>, vector<1x2048xf32>, vector<1x2048xf32>, vector<1x2048xf32>, vector<1x2048xf32>, vector<1x2048xf32>, vector<1x2048xf32>, vector<1x2048xf32>, vector<1x2048xf32>, vector<1x2048xf32>, vector<1x2048xf32>, vector<1x2048xf32> -> vector<16x2048xf32>
    %transpose3A = tpu.transpose %concatenate3A, [1, 0] : vector<16x2048xf32> -> vector<2048x16xf32>
    %slice3A = vector.extract_strided_slice %transpose3A {offsets = [0, 10], sizes = [2048, 1], strides = [1, 1]} : vector<2048x16xf32> to vector<2048x1xf32>
    %iota3A = tpu.iota {dimensions = array<i32: 1>} : vector<1x32xi32>
    %convert_element_type3A_181 = arith.sitofp %iota3A : vector<1x32xi32> to vector<1x32xf32>
    %mul3A_182 = arith.constant 0.0318997093 : f32
    %mul3A_183 = vector.broadcast %mul3A_182 : f32 to vector<1x32xf32>
    %mul3A_184 = arith.mulf %convert_element_type3A_181, %mul3A_183 : vector<1x32xf32>
    %add3A_185 = arith.constant 0.0111089963 : f32
    %add3A_186 = vector.broadcast %add3A_185 : f32 to vector<1x32xf32>
    %add3A_187 = arith.addf %add3A_186, %mul3A_184 : vector<1x32xf32>
    %sub3A_188 = vector.broadcast %slice3A : vector<2048x1xf32> to vector<2048x32xf32>
    %sub3A_189 = vector.broadcast %add3A_187 : vector<1x32xf32> to vector<2048x32xf32>
    %sub3A_190 = arith.subf %sub3A_188, %sub3A_189 : vector<2048x32xf32>
    %slice3A_191 = vector.extract_strided_slice %transpose3A {offsets = [0, 0], sizes = [2048, 1], strides = [1, 1]} : vector<2048x16xf32> to vector<2048x1xf32>
    %mul3A_192 = arith.constant -2.617840e+02 : f32
    %mul3A_193 = vector.broadcast %mul3A_192 : f32 to vector<2048x32xf32>
    %mul3A_194 = arith.mulf %mul3A_193, %sub3A_190 : vector<2048x32xf32>
    %mul3A_195 = arith.mulf %mul3A_194, %sub3A_190 : vector<2048x32xf32>
    %jit3A_196 = arith.constant -8.700000e+01 : f32
    %jit3A_197 = arith.constant 8.800000e+01 : f32
    %max3A_198 = vector.broadcast %jit3A_196 : f32 to vector<2048x32xf32>
    %max3A_199 = arith.maximumf %max3A_198, %mul3A_195 : vector<2048x32xf32>
    %min3A_200 = vector.broadcast %jit3A_197 : f32 to vector<2048x32xf32>
    %min3A_201 = arith.minimumf %min3A_200, %max3A_199 : vector<2048x32xf32>
    %mul3A_202 = arith.constant 1.44269502 : f32
    %mul3A_203 = vector.broadcast %mul3A_202 : f32 to vector<2048x32xf32>
    %mul3A_204 = arith.mulf %min3A_201, %mul3A_203 : vector<2048x32xf32>
    %add3A_205 = arith.constant 5.000000e-01 : f32
    %add3A_206 = vector.broadcast %add3A_205 : f32 to vector<2048x32xf32>
    %add3A_207 = arith.addf %mul3A_204, %add3A_206 : vector<2048x32xf32>
    %floor3A_208 = math.floor %add3A_207 : vector<2048x32xf32>
    %mul3A_209 = arith.constant 0.693359375 : f32
    %mul3A_210 = vector.broadcast %mul3A_209 : f32 to vector<2048x32xf32>
    %mul3A_211 = arith.mulf %floor3A_208, %mul3A_210 : vector<2048x32xf32>
    %sub3A_212 = arith.subf %min3A_201, %mul3A_211 : vector<2048x32xf32>
    %mul3A_213 = arith.constant -2.12194442E-4 : f32
    %mul3A_214 = vector.broadcast %mul3A_213 : f32 to vector<2048x32xf32>
    %mul3A_215 = arith.mulf %floor3A_208, %mul3A_214 : vector<2048x32xf32>
    %sub3A_216 = arith.subf %sub3A_212, %mul3A_215 : vector<2048x32xf32>
    %mul3A_217 = arith.constant 1.98412701E-4 : f32
    %mul3A_218 = vector.broadcast %mul3A_217 : f32 to vector<2048x32xf32>
    %mul3A_219 = arith.mulf %sub3A_216, %mul3A_218 : vector<2048x32xf32>
    %add3A_220 = arith.constant 0.00138888892 : f32
    %add3A_221 = vector.broadcast %add3A_220 : f32 to vector<2048x32xf32>
    %add3A_222 = arith.addf %add3A_221, %mul3A_219 : vector<2048x32xf32>
    %mul3A_223 = arith.mulf %sub3A_216, %add3A_222 : vector<2048x32xf32>
    %add3A_224 = arith.constant 0.00833333377 : f32
    %add3A_225 = vector.broadcast %add3A_224 : f32 to vector<2048x32xf32>
    %add3A_226 = arith.addf %add3A_225, %mul3A_223 : vector<2048x32xf32>
    %mul3A_227 = arith.mulf %sub3A_216, %add3A_226 : vector<2048x32xf32>
    %add3A_228 = arith.constant 0.0416666679 : f32
    %add3A_229 = vector.broadcast %add3A_228 : f32 to vector<2048x32xf32>
    %add3A_230 = arith.addf %add3A_229, %mul3A_227 : vector<2048x32xf32>
    %mul3A_231 = arith.mulf %sub3A_216, %add3A_230 : vector<2048x32xf32>
    %add3A_232 = arith.constant 0.166666672 : f32
    %add3A_233 = vector.broadcast %add3A_232 : f32 to vector<2048x32xf32>
    %add3A_234 = arith.addf %add3A_233, %mul3A_231 : vector<2048x32xf32>
    %mul3A_235 = arith.mulf %sub3A_216, %add3A_234 : vector<2048x32xf32>
    %add3A_236 = arith.constant 5.000000e-01 : f32
    %add3A_237 = vector.broadcast %add3A_236 : f32 to vector<2048x32xf32>
    %add3A_238 = arith.addf %add3A_237, %mul3A_235 : vector<2048x32xf32>
    %mul3A_239 = arith.mulf %sub3A_216, %add3A_238 : vector<2048x32xf32>
    %add3A_240 = arith.constant 1.000000e+00 : f32
    %add3A_241 = vector.broadcast %add3A_240 : f32 to vector<2048x32xf32>
    %add3A_242 = arith.addf %add3A_241, %mul3A_239 : vector<2048x32xf32>
    %mul3A_243 = arith.mulf %sub3A_216, %add3A_242 : vector<2048x32xf32>
    %add3A_244 = arith.constant 1.000000e+00 : f32
    %add3A_245 = vector.broadcast %add3A_244 : f32 to vector<2048x32xf32>
    %add3A_246 = arith.addf %add3A_245, %mul3A_243 : vector<2048x32xf32>
    %convert_element_type3A_247 = arith.fptosi %floor3A_208 : vector<2048x32xf32> to vector<2048x32xi32>
    %add3A_248 = arith.constant 127 : i32
    %add3A_249 = vector.broadcast %add3A_248 : i32 to vector<2048x32xi32>
    %add3A_250 = arith.addi %convert_element_type3A_247, %add3A_249 : vector<2048x32xi32>
    %shift_left3A_251 = arith.constant 23 : i32
    %shift_left3A_252 = vector.broadcast %shift_left3A_251 : i32 to vector<2048x32xi32>
    %shift_left3A_253 = arith.shli %add3A_250, %shift_left3A_252 : vector<2048x32xi32>
    %bitcast_convert_type3A_254 = tpu.bitcast %shift_left3A_253 : vector<2048x32xi32> -> vector<2048x32xf32>
    %mul3A_255 = arith.mulf %add3A_246, %bitcast_convert_type3A_254 : vector<2048x32xf32>
    %mul3A_256 = vector.broadcast %slice3A_191 : vector<2048x1xf32> to vector<2048x32xf32>
    %mul3A_257 = arith.mulf %mul3A_256, %mul3A_255 : vector<2048x32xf32>
    %slice3A_258 = vector.extract_strided_slice %transpose3A {offsets = [0, 11], sizes = [2048, 1], strides = [1, 1]} : vector<2048x16xf32> to vector<2048x1xf32>
    %slice3A_259 = vector.extract_strided_slice %transpose3A {offsets = [0, 12], sizes = [2048, 1], strides = [1, 1]} : vector<2048x16xf32> to vector<2048x1xf32>
    %iota3A_260 = tpu.iota {dimensions = array<i32: 1>} : vector<2048x128xi32>
    %convert_element_type3A_261 = arith.sitofp %iota3A_260 : vector<2048x128xi32> to vector<2048x128xf32>
    %eq3A = vector.broadcast %slice3A_258 : vector<2048x1xf32> to vector<2048x128xf32>
    %eq3A_262 = arith.cmpf oeq, %eq3A, %convert_element_type3A_261 : vector<2048x128xf32>
    %convert_element_type3A_263 = arith.extui %eq3A_262 : vector<2048x128xi1> to vector<2048x128xi32>
    %convert_element_type3A_264 = arith.sitofp %convert_element_type3A_263 : vector<2048x128xi32> to vector<2048x128xf32>
    %eq3A_265 = vector.broadcast %slice3A_259 : vector<2048x1xf32> to vector<2048x128xf32>
    %eq3A_266 = arith.cmpf oeq, %eq3A_265, %convert_element_type3A_261 : vector<2048x128xf32>
    %convert_element_type3A_267 = arith.extui %eq3A_266 : vector<2048x128xi1> to vector<2048x128xi32>
    %convert_element_type3A_268 = arith.sitofp %convert_element_type3A_267 : vector<2048x128xi32> to vector<2048x128xf32>
    %get3A_269 = arith.constant 0 : index
    %get3A_270 = arith.constant 0 : index
    %get3A_271 = vector.load %arg6[%get3A_269, %get3A_270] : memref<128x32xf32, #tpu.memory_space<vmem>>, vector<128x32xf32>
    %get3A_272 = arith.constant 0 : index
    %get3A_273 = arith.constant 0 : index
    %get3A_274 = vector.load %arg7[%get3A_272, %get3A_273] : memref<32x128xf32, #tpu.memory_space<vmem>>, vector<32x128xf32>
    %convert_element_type3A_275 = arith.truncf %get3A_271 : vector<128x32xf32> to vector<128x32xbf16>
    %convert_element_type3A_276 = arith.truncf %get3A_274 : vector<32x128xf32> to vector<32x128xbf16>
    %dot_general3A = arith.constant dense<0.000000e+00> : vector<128x128xf32>
    %dot_general3A_277 = tpu.matmul %convert_element_type3A_275, %convert_element_type3A_276, %dot_general3A {dimension_numbers = #tpu.dot_dimension_numbers<[1], [0], [0], [1], [0, 0, 1, 1], [], []>, transpose_lhs_hint = false} : vector<128x32xbf16>, vector<32x128xbf16>, vector<128x128xf32> -> vector<128x128xf32>
    %get3A_278 = arith.constant 0 : index
    %get3A_279 = arith.constant 0 : index
    %get3A_280 = vector.load %arg6[%get3A_278, %get3A_279] : memref<128x32xf32, #tpu.memory_space<vmem>>, vector<128x32xf32>
    %get3A_281 = arith.constant 0 : index
    %get3A_282 = arith.constant 0 : index
    %get3A_283 = vector.load %arg8[%get3A_281, %get3A_282] : memref<32x128xf32, #tpu.memory_space<vmem>>, vector<32x128xf32>
    %convert_element_type3A_284 = arith.truncf %get3A_280 : vector<128x32xf32> to vector<128x32xbf16>
    %convert_element_type3A_285 = arith.truncf %get3A_283 : vector<32x128xf32> to vector<32x128xbf16>
    %dot_general3A_286 = arith.constant dense<0.000000e+00> : vector<128x128xf32>
    %dot_general3A_287 = tpu.matmul %convert_element_type3A_284, %convert_element_type3A_285, %dot_general3A_286 {dimension_numbers = #tpu.dot_dimension_numbers<[1], [0], [0], [1], [0, 0, 1, 1], [], []>, transpose_lhs_hint = false} : vector<128x32xbf16>, vector<32x128xbf16>, vector<128x128xf32> -> vector<128x128xf32>
    %dot_general3A_288 = arith.constant dense<0.000000e+00> : vector<2048x128xf32>
    %dot_general3A_289 = tpu.matmul %convert_element_type3A_264, %dot_general3A_277, %dot_general3A_288 {dimension_numbers = #tpu.dot_dimension_numbers<[1], [0], [0], [1], [0, 0, 1, 1], [], []>, precision = #tpu.contract_precision<fp32>, transpose_lhs_hint = false} : vector<2048x128xf32>, vector<128x128xf32>, vector<2048x128xf32> -> vector<2048x128xf32>
    %dot_general3A_290 = arith.constant dense<0.000000e+00> : vector<2048x128xf32>
    %dot_general3A_291 = tpu.matmul %convert_element_type3A_268, %dot_general3A_287, %dot_general3A_290 {dimension_numbers = #tpu.dot_dimension_numbers<[1], [0], [0], [1], [0, 0, 1, 1], [], []>, precision = #tpu.contract_precision<fp32>, transpose_lhs_hint = false} : vector<2048x128xf32>, vector<128x128xf32>, vector<2048x128xf32> -> vector<2048x128xf32>
    %add3A_292 = arith.addf %dot_general3A_289, %dot_general3A_291 : vector<2048x128xf32>
    %get3A_293 = arith.constant 0 : index
    %get3A_294 = arith.constant 0 : index
    %get3A_295 = vector.load %arg9[%get3A_293, %get3A_294] : memref<1x128xf32, #tpu.memory_space<vmem>>, vector<1x128xf32>
    %add3A_296 = vector.broadcast %get3A_295 : vector<1x128xf32> to vector<2048x128xf32>
    %add3A_297 = arith.addf %add3A_292, %add3A_296 : vector<2048x128xf32>
    %get3A_298 = arith.constant 0 : index
    %get3A_299 = arith.constant 0 : index
    %get3A_300 = vector.load %arg10[%get3A_298, %get3A_299] : memref<32x128xf32, #tpu.memory_space<vmem>>, vector<32x128xf32>
    %convert_element_type3A_301 = arith.truncf %mul3A_257 : vector<2048x32xf32> to vector<2048x32xbf16>
    %convert_element_type3A_302 = arith.truncf %get3A_300 : vector<32x128xf32> to vector<32x128xbf16>
    %dot_general3A_303 = arith.constant dense<0.000000e+00> : vector<2048x128xf32>
    %dot_general3A_304 = tpu.matmul %convert_element_type3A_301, %convert_element_type3A_302, %dot_general3A_303 {dimension_numbers = #tpu.dot_dimension_numbers<[1], [0], [0], [1], [0, 0, 1, 1], [], []>, transpose_lhs_hint = false} : vector<2048x32xbf16>, vector<32x128xbf16>, vector<2048x128xf32> -> vector<2048x128xf32>
    %get3A_305 = arith.constant 0 : index
    %get3A_306 = arith.constant 0 : index
    %get3A_307 = vector.load %arg11[%get3A_305, %get3A_306] : memref<1x128xf32, #tpu.memory_space<vmem>>, vector<1x128xf32>
    %add3A_308 = vector.broadcast %get3A_307 : vector<1x128xf32> to vector<2048x128xf32>
    %add3A_309 = arith.addf %dot_general3A_304, %add3A_308 : vector<2048x128xf32>
    %get3A_310 = arith.constant 0 : index
    %get3A_311 = arith.constant 0 : index
    %get3A_312 = vector.load %arg12[%get3A_310, %get3A_311] : memref<32x128xf32, #tpu.memory_space<vmem>>, vector<32x128xf32>
    %convert_element_type3A_313 = arith.truncf %mul3A_257 : vector<2048x32xf32> to vector<2048x32xbf16>
    %convert_element_type3A_314 = arith.truncf %get3A_312 : vector<32x128xf32> to vector<32x128xbf16>
    %dot_general3A_315 = arith.constant dense<0.000000e+00> : vector<2048x128xf32>
    %dot_general3A_316 = tpu.matmul %convert_element_type3A_313, %convert_element_type3A_314, %dot_general3A_315 {dimension_numbers = #tpu.dot_dimension_numbers<[1], [0], [0], [1], [0, 0, 1, 1], [], []>, transpose_lhs_hint = false} : vector<2048x32xbf16>, vector<32x128xbf16>, vector<2048x128xf32> -> vector<2048x128xf32>
    %get3A_317 = arith.constant 0 : index
    %get3A_318 = arith.constant 0 : index
    %get3A_319 = vector.load %arg13[%get3A_317, %get3A_318] : memref<1x128xf32, #tpu.memory_space<vmem>>, vector<1x128xf32>
    %add3A_320 = vector.broadcast %get3A_319 : vector<1x128xf32> to vector<2048x128xf32>
    %add3A_321 = arith.addf %dot_general3A_316, %add3A_320 : vector<2048x128xf32>
    %slice3A_322 = vector.extract_strided_slice %transpose3A {offsets = [0, 0], sizes = [2048, 12], strides = [1, 1]} : vector<2048x16xf32> to vector<2048x12xf32>
    %iota3A_323 = tpu.iota {dimensions = array<i32: 0>} : vector<12x128xi32>
    %iota3A_324 = tpu.iota {dimensions = array<i32: 1>} : vector<12x128xi32>
    %jit3A_325 = arith.constant 32 : i32
    %div3A = vector.broadcast %jit3A_325 : i32 to vector<12x128xi32>
    %div3A_326 = arith.divsi %iota3A_324, %div3A : vector<12x128xi32>
    %sign3A = arith.constant 0 : i32
    %sign3A_327 = vector.broadcast %sign3A : i32 to vector<12x128xi32>
    %sign3A_328 = arith.cmpi sgt, %iota3A_324, %sign3A_327 : vector<12x128xi32>
    %sign3A_329 = arith.extui %sign3A_328 : vector<12x128xi1> to vector<12x128xi32>
    %sign3A_330 = arith.constant 0 : i32
    %sign3A_331 = vector.broadcast %sign3A_330 : i32 to vector<12x128xi32>
    %sign3A_332 = arith.cmpi slt, %iota3A_324, %sign3A_331 : vector<12x128xi32>
    %sign3A_333 = arith.extui %sign3A_332 : vector<12x128xi1> to vector<12x128xi32>
    %sign3A_334 = arith.subi %sign3A_329, %sign3A_333 : vector<12x128xi32>
    %sign3A_335 = arith.constant 0 : i32
    %sign3A_336 = arith.cmpi sgt, %jit3A_325, %sign3A_335 : i32
    %sign3A_337 = arith.extui %sign3A_336 : i1 to i32
    %sign3A_338 = arith.constant 0 : i32
    %sign3A_339 = arith.cmpi slt, %jit3A_325, %sign3A_338 : i32
    %sign3A_340 = arith.extui %sign3A_339 : i1 to i32
    %sign3A_341 = arith.subi %sign3A_337, %sign3A_340 : i32
    %ne3A = vector.broadcast %sign3A_341 : i32 to vector<12x128xi32>
    %ne3A_342 = arith.cmpi ne, %sign3A_334, %ne3A : vector<12x128xi32>
    %rem3A = vector.broadcast %jit3A_325 : i32 to vector<12x128xi32>
    %rem3A_343 = arith.remsi %iota3A_324, %rem3A : vector<12x128xi32>
    %ne3A_344 = arith.constant 0 : i32
    %ne3A_345 = vector.broadcast %ne3A_344 : i32 to vector<12x128xi32>
    %ne3A_346 = arith.cmpi ne, %rem3A_343, %ne3A_345 : vector<12x128xi32>
    %and3A = arith.andi %ne3A_342, %ne3A_346 : vector<12x128xi1>
    %sub3A_347 = arith.constant 1 : i32
    %sub3A_348 = vector.broadcast %sub3A_347 : i32 to vector<12x128xi32>
    %sub3A_349 = arith.subi %div3A_326, %sub3A_348 : vector<12x128xi32>
    %select_n3A_350 = arith.select %and3A, %sub3A_349, %div3A_326 : vector<12x128xi1>, vector<12x128xi32>
    %eq3A_351 = arith.cmpi eq, %iota3A_323, %select_n3A_350 : vector<12x128xi32>
    %convert_element_type3A_352 = arith.extui %eq3A_351 : vector<12x128xi1> to vector<12x128xi32>
    %convert_element_type3A_353 = arith.sitofp %convert_element_type3A_352 : vector<12x128xi32> to vector<12x128xf32>
    %add3A_354 = arith.constant 4 : i32
    %add3A_355 = vector.broadcast %add3A_354 : i32 to vector<12x128xi32>
    %add3A_356 = arith.addi %select_n3A_350, %add3A_355 : vector<12x128xi32>
    %eq3A_357 = arith.cmpi eq, %iota3A_323, %add3A_356 : vector<12x128xi32>
    %convert_element_type3A_358 = arith.extui %eq3A_357 : vector<12x128xi1> to vector<12x128xi32>
    %convert_element_type3A_359 = arith.sitofp %convert_element_type3A_358 : vector<12x128xi32> to vector<12x128xf32>
    %add3A_360 = arith.constant 8 : i32
    %add3A_361 = vector.broadcast %add3A_360 : i32 to vector<12x128xi32>
    %add3A_362 = arith.addi %select_n3A_350, %add3A_361 : vector<12x128xi32>
    %eq3A_363 = arith.cmpi eq, %iota3A_323, %add3A_362 : vector<12x128xi32>
    %lt3A_364 = arith.constant 2 : i32
    %lt3A_365 = vector.broadcast %lt3A_364 : i32 to vector<12x128xi32>
    %lt3A_366 = arith.cmpi slt, %select_n3A_350, %lt3A_365 : vector<12x128xi32>
    %and3A_367 = arith.andi %eq3A_363, %lt3A_366 : vector<12x128xi1>
    %convert_element_type3A_368 = arith.extui %and3A_367 : vector<12x128xi1> to vector<12x128xi32>
    %convert_element_type3A_369 = arith.sitofp %convert_element_type3A_368 : vector<12x128xi32> to vector<12x128xf32>
    %dot_general3A_370 = arith.constant dense<0.000000e+00> : vector<2048x128xf32>
    %dot_general3A_371 = tpu.matmul %slice3A_322, %convert_element_type3A_353, %dot_general3A_370 {dimension_numbers = #tpu.dot_dimension_numbers<[1], [0], [0], [1], [0, 0, 1, 1], [], []>, precision = #tpu.contract_precision<fp32>, transpose_lhs_hint = false} : vector<2048x12xf32>, vector<12x128xf32>, vector<2048x128xf32> -> vector<2048x128xf32>
    %dot_general3A_372 = arith.constant dense<0.000000e+00> : vector<2048x128xf32>
    %dot_general3A_373 = tpu.matmul %slice3A_322, %convert_element_type3A_359, %dot_general3A_372 {dimension_numbers = #tpu.dot_dimension_numbers<[1], [0], [0], [1], [0, 0, 1, 1], [], []>, precision = #tpu.contract_precision<fp32>, transpose_lhs_hint = false} : vector<2048x12xf32>, vector<12x128xf32>, vector<2048x128xf32> -> vector<2048x128xf32>
    %dot_general3A_374 = arith.constant dense<0.000000e+00> : vector<2048x128xf32>
    %dot_general3A_375 = tpu.matmul %slice3A_322, %convert_element_type3A_369, %dot_general3A_374 {dimension_numbers = #tpu.dot_dimension_numbers<[1], [0], [0], [1], [0, 0, 1, 1], [], []>, precision = #tpu.contract_precision<fp32>, transpose_lhs_hint = false} : vector<2048x12xf32>, vector<12x128xf32>, vector<2048x128xf32> -> vector<2048x128xf32>
    %mul3A_376 = arith.mulf %add3A_309, %add3A_297 : vector<2048x128xf32>
    %mul3A_377 = arith.mulf %mul3A_376, %dot_general3A_371 : vector<2048x128xf32>
    %swap3A = arith.constant 0 : index
    %swap3A_378 = arith.constant 0 : index
    %swap3A_379 = vector.load %arg14[%swap3A, %swap3A_378] : memref<2048x128xf32, #tpu.memory_space<vmem>>, vector<2048x128xf32>
    tpu.vector_store %arg14[%swap3A, %swap3A_378], %mul3A_377 {strides = array<i32>} : memref<2048x128xf32, #tpu.memory_space<vmem>>, vector<2048x128xf32>,
    %mul3A_380 = arith.mulf %add3A_321, %add3A_297 : vector<2048x128xf32>
    %mul3A_381 = arith.mulf %mul3A_380, %dot_general3A_373 : vector<2048x128xf32>
    %swap3A_382 = arith.constant 0 : index
    %swap3A_383 = arith.constant 0 : index
    %swap3A_384 = vector.load %arg15[%swap3A_382, %swap3A_383] : memref<2048x128xf32, #tpu.memory_space<vmem>>, vector<2048x128xf32>
    tpu.vector_store %arg15[%swap3A_382, %swap3A_383], %mul3A_381 {strides = array<i32>} : memref<2048x128xf32, #tpu.memory_space<vmem>>, vector<2048x128xf32>,
    %mul3A_385 = arith.mulf %add3A_321, %add3A_297 : vector<2048x128xf32>
    %mul3A_386 = arith.mulf %mul3A_385, %dot_general3A_375 : vector<2048x128xf32>
    %swap3A_387 = arith.constant 0 : index
    %swap3A_388 = arith.constant 0 : index
    %swap3A_389 = vector.load %arg16[%swap3A_387, %swap3A_388] : memref<2048x128xf32, #tpu.memory_space<vmem>>, vector<2048x128xf32>
    tpu.vector_store %arg16[%swap3A_387, %swap3A_388], %mul3A_386 {strides = array<i32>} : memref<2048x128xf32, #tpu.memory_space<vmem>>, vector<2048x128xf32>,
    return
  }
  func.func @transform_0(%arg0: i32) -> (i32, i32, i32) {
    %c0_i32 = arith.constant 0 : i32
    %c0_i32_0 = arith.constant 0 : i32
    %c0_i32_1 = arith.constant 0 : i32
    return %arg0, %c0_i32, %c0_i32_0 : i32, i32, i32
  }
  func.func @transform_1(%arg0: i32) -> (i32, i32, i32) {
    %c0_i32 = arith.constant 0 : i32
    %c0_i32_0 = arith.constant 0 : i32
    %c0_i32_1 = arith.constant 0 : i32
    return %arg0, %c0_i32, %c0_i32_0 : i32, i32, i32
  }
  func.func @transform_2(%arg0: i32) -> (i32, i32, i32) {
    %c0_i32 = arith.constant 0 : i32
    %c0_i32_0 = arith.constant 0 : i32
    %c0_i32_1 = arith.constant 0 : i32
    return %arg0, %c0_i32, %c0_i32_0 : i32, i32, i32
  }
  func.func @transform_3(%arg0: i32) -> (i32, i32, i32) {
    %c0_i32 = arith.constant 0 : i32
    %c0_i32_0 = arith.constant 0 : i32
    %c0_i32_1 = arith.constant 0 : i32
    return %arg0, %c0_i32, %c0_i32_0 : i32, i32, i32
  }
  func.func @transform_4(%arg0: i32) -> (i32, i32, i32) {
    %c0_i32 = arith.constant 0 : i32
    %c0_i32_0 = arith.constant 0 : i32
    %c0_i32_1 = arith.constant 0 : i32
    return %arg0, %c0_i32, %c0_i32_0 : i32, i32, i32
  }
  func.func @transform_5(%arg0: i32) -> (i32, i32) {
    %c0_i32 = arith.constant 0 : i32
    %c0_i32_0 = arith.constant 0 : i32
    %c0_i32_1 = arith.constant 0 : i32
    return %c0_i32, %c0_i32_0 : i32, i32
  }
  func.func @transform_6(%arg0: i32) -> (i32, i32) {
    %c0_i32 = arith.constant 0 : i32
    %c0_i32_0 = arith.constant 0 : i32
    %c0_i32_1 = arith.constant 0 : i32
    return %c0_i32, %c0_i32_0 : i32, i32
  }
  func.func @transform_7(%arg0: i32) -> (i32, i32) {
    %c0_i32 = arith.constant 0 : i32
    %c0_i32_0 = arith.constant 0 : i32
    %c0_i32_1 = arith.constant 0 : i32
    return %c0_i32, %c0_i32_0 : i32, i32
  }
  func.func @transform_8(%arg0: i32) -> (i32, i32) {
    %c0_i32 = arith.constant 0 : i32
    %c0_i32_0 = arith.constant 0 : i32
    %c0_i32_1 = arith.constant 0 : i32
    return %c0_i32, %c0_i32_0 : i32, i32
  }
  func.func @transform_9(%arg0: i32) -> (i32, i32) {
    %c0_i32 = arith.constant 0 : i32
    %c0_i32_0 = arith.constant 0 : i32
    %c0_i32_1 = arith.constant 0 : i32
    return %c0_i32, %c0_i32_0 : i32, i32
  }
  func.func @transform_10(%arg0: i32) -> (i32, i32) {
    %c0_i32 = arith.constant 0 : i32
    %c0_i32_0 = arith.constant 0 : i32
    %c0_i32_1 = arith.constant 0 : i32
    return %c0_i32, %c0_i32_0 : i32, i32
  }
  func.func @transform_11(%arg0: i32) -> (i32, i32) {
    %c0_i32 = arith.constant 0 : i32
    %c0_i32_0 = arith.constant 0 : i32
    %c0_i32_1 = arith.constant 0 : i32
    return %c0_i32, %c0_i32_0 : i32, i32
  }
  func.func @transform_12(%arg0: i32) -> (i32, i32) {
    %c0_i32 = arith.constant 0 : i32
    %c0_i32_0 = arith.constant 0 : i32
    %c0_i32_1 = arith.constant 0 : i32
    return %c0_i32, %c0_i32_0 : i32, i32
  }
  func.func @transform_13(%arg0: i32) -> (i32, i32) {
    %c0_i32 = arith.constant 0 : i32
    %c0_i32_0 = arith.constant 0 : i32
    return %arg0, %c0_i32 : i32, i32
  }
  func.func @transform_14(%arg0: i32) -> (i32, i32) {
    %c0_i32 = arith.constant 0 : i32
    %c0_i32_0 = arith.constant 0 : i32
    return %arg0, %c0_i32 : i32, i32
  }
  func.func @transform_15(%arg0: i32) -> (i32, i32) {
    %c0_i32 = arith.constant 0 : i32
    %c0_i32_0 = arith.constant 0 : i32
    return %arg0, %c0_i32 : i32, i32
  }
}

module attributes {stable_mosaic.version = 14 : i64} {
  func.func @_node_body(%arg0: i32, %arg1: memref<1000x128xf32, #tpu.memory_space<vmem>>, %arg2: memref<1000x128xf32, #tpu.memory_space<vmem>>, %arg3: memref<1000x128xf32, #tpu.memory_space<vmem>>, %arg4: memref<1000x128xf32, #tpu.memory_space<vmem>>, %arg5: memref<32x32xf32, #tpu.memory_space<vmem>>, %arg6: memref<32x32xf32, #tpu.memory_space<vmem>>, %arg7: memref<32x32xf32, #tpu.memory_space<vmem>>, %arg8: memref<32x64xf32, #tpu.memory_space<vmem>>, %arg9: memref<1x64xf32, #tpu.memory_space<vmem>>, %arg10: memref<64x96xf32, #tpu.memory_space<vmem>>, %arg11: memref<1x96xf32, #tpu.memory_space<vmem>>, %arg12: memref<1x32xf32, #tpu.memory_space<vmem>>, %arg13: memref<1x32xf32, #tpu.memory_space<vmem>>, %arg14: memref<1x96xf32, #tpu.memory_space<vmem>>, %arg15: memref<1x96xf32, #tpu.memory_space<vmem>>, %arg16: memref<96x32xf32, #tpu.memory_space<vmem>>, %arg17: memref<1x32xf32, #tpu.memory_space<vmem>>, %arg18: memref<32x16xf32, #tpu.memory_space<vmem>>, %arg19: memref<1x16xf32, #tpu.memory_space<vmem>>, %arg20: memref<16x1xf32, #tpu.memory_space<vmem>>, %arg21: memref<1x1xf32, #tpu.memory_space<vmem>>, %arg22: memref<1000x1xf32, #tpu.memory_space<vmem>>) attributes {dimension_semantics = [#tpu.dimension_semantics<arbitrary>], iteration_bounds = array<i64: 10>, scalar_prefetch = 0 : i64, scratch_operands = 0 : i64, tpu.core_type = #tpu.core_type<tc>, window_params = [{transform_indices = @transform_0, window_bounds = array<i64: 1000, 128>}, {transform_indices = @transform_1, window_bounds = array<i64: 1000, 128>}, {transform_indices = @transform_2, window_bounds = array<i64: 1000, 128>}, {transform_indices = @transform_3, window_bounds = array<i64: 1000, 128>}, {pipeline_mode = #tpu.pipeline_mode<synchronous>, transform_indices = @transform_4, window_bounds = array<i64: 32, 32>}, {pipeline_mode = #tpu.pipeline_mode<synchronous>, transform_indices = @transform_5, window_bounds = array<i64: 32, 32>}, {pipeline_mode = #tpu.pipeline_mode<synchronous>, transform_indices = @transform_6, window_bounds = array<i64: 32, 32>}, {pipeline_mode = #tpu.pipeline_mode<synchronous>, transform_indices = @transform_7, window_bounds = array<i64: 32, 64>}, {pipeline_mode = #tpu.pipeline_mode<synchronous>, transform_indices = @transform_8, window_bounds = array<i64: 1, 64>}, {pipeline_mode = #tpu.pipeline_mode<synchronous>, transform_indices = @transform_9, window_bounds = array<i64: 64, 96>}, {pipeline_mode = #tpu.pipeline_mode<synchronous>, transform_indices = @transform_10, window_bounds = array<i64: 1, 96>}, {pipeline_mode = #tpu.pipeline_mode<synchronous>, transform_indices = @transform_11, window_bounds = array<i64: 1, 32>}, {pipeline_mode = #tpu.pipeline_mode<synchronous>, transform_indices = @transform_12, window_bounds = array<i64: 1, 32>}, {pipeline_mode = #tpu.pipeline_mode<synchronous>, transform_indices = @transform_13, window_bounds = array<i64: 1, 96>}, {pipeline_mode = #tpu.pipeline_mode<synchronous>, transform_indices = @transform_14, window_bounds = array<i64: 1, 96>}, {pipeline_mode = #tpu.pipeline_mode<synchronous>, transform_indices = @transform_15, window_bounds = array<i64: 96, 32>}, {pipeline_mode = #tpu.pipeline_mode<synchronous>, transform_indices = @transform_16, window_bounds = array<i64: 1, 32>}, {pipeline_mode = #tpu.pipeline_mode<synchronous>, transform_indices = @transform_17, window_bounds = array<i64: 32, 16>}, {pipeline_mode = #tpu.pipeline_mode<synchronous>, transform_indices = @transform_18, window_bounds = array<i64: 1, 16>}, {pipeline_mode = #tpu.pipeline_mode<synchronous>, transform_indices = @transform_19, window_bounds = array<i64: 16, 1>}, {pipeline_mode = #tpu.pipeline_mode<synchronous>, transform_indices = @transform_20, window_bounds = array<i64: 1, 1>}, {transform_indices = @transform_21, window_bounds = array<i64: 1000, 1>}]} {
    %get3A = arith.constant 0 : index
    %get3A_0 = arith.constant 0 : index
    %get3A_1 = vector.load %arg1[%get3A, %get3A_0] : memref<1000x128xf32, #tpu.memory_space<vmem>>, vector<1000x128xf32>
    %get3A_2 = arith.constant 0 : index
    %get3A_3 = arith.constant 0 : index
    %get3A_4 = vector.load %arg2[%get3A_2, %get3A_3] : memref<1000x128xf32, #tpu.memory_space<vmem>>, vector<1000x128xf32>
    %get3A_5 = arith.constant 0 : index
    %get3A_6 = arith.constant 0 : index
    %get3A_7 = vector.load %arg3[%get3A_5, %get3A_6] : memref<1000x128xf32, #tpu.memory_space<vmem>>, vector<1000x128xf32>
    %get3A_8 = arith.constant 0 : index
    %get3A_9 = arith.constant 0 : index
    %get3A_10 = vector.load %arg4[%get3A_8, %get3A_9] : memref<1000x128xf32, #tpu.memory_space<vmem>>, vector<1000x128xf32>
    %add3A = arith.addf %get3A_7, %get3A_10 : vector<1000x128xf32>
    %concatenate3A = tpu.concatenate %get3A_1, %get3A_4, %add3A in 1 : vector<1000x128xf32>, vector<1000x128xf32>, vector<1000x128xf32> -> vector<1000x384xf32>
    %slice3A = vector.extract_strided_slice %concatenate3A {offsets = [0, 0], sizes = [1000, 32], strides = [1, 1]} : vector<1000x384xf32> to vector<1000x32xf32>
    %slice3A_11 = vector.extract_strided_slice %concatenate3A {offsets = [0, 32], sizes = [1000, 32], strides = [1, 1]} : vector<1000x384xf32> to vector<1000x32xf32>
    %slice3A_12 = vector.extract_strided_slice %concatenate3A {offsets = [0, 64], sizes = [1000, 32], strides = [1, 1]} : vector<1000x384xf32> to vector<1000x32xf32>
    %slice3A_13 = vector.extract_strided_slice %concatenate3A {offsets = [0, 96], sizes = [1000, 32], strides = [1, 1]} : vector<1000x384xf32> to vector<1000x32xf32>
    %slice3A_14 = vector.extract_strided_slice %concatenate3A {offsets = [0, 128], sizes = [1000, 32], strides = [1, 1]} : vector<1000x384xf32> to vector<1000x32xf32>
    %slice3A_15 = vector.extract_strided_slice %concatenate3A {offsets = [0, 160], sizes = [1000, 32], strides = [1, 1]} : vector<1000x384xf32> to vector<1000x32xf32>
    %slice3A_16 = vector.extract_strided_slice %concatenate3A {offsets = [0, 192], sizes = [1000, 32], strides = [1, 1]} : vector<1000x384xf32> to vector<1000x32xf32>
    %slice3A_17 = vector.extract_strided_slice %concatenate3A {offsets = [0, 224], sizes = [1000, 32], strides = [1, 1]} : vector<1000x384xf32> to vector<1000x32xf32>
    %slice3A_18 = vector.extract_strided_slice %concatenate3A {offsets = [0, 256], sizes = [1000, 32], strides = [1, 1]} : vector<1000x384xf32> to vector<1000x32xf32>
    %slice3A_19 = vector.extract_strided_slice %concatenate3A {offsets = [0, 288], sizes = [1000, 32], strides = [1, 1]} : vector<1000x384xf32> to vector<1000x32xf32>
    %mul3A = arith.constant 3.000000e+00 : f32
    %mul3A_20 = vector.broadcast %mul3A : f32 to vector<1000x32xf32>
    %mul3A_21 = arith.mulf %mul3A_20, %slice3A : vector<1000x32xf32>
    %mul3A_22 = arith.mulf %mul3A_21, %slice3A : vector<1000x32xf32>
    %mul3A_23 = arith.mulf %slice3A_11, %slice3A_11 : vector<1000x32xf32>
    %mul3A_24 = arith.mulf %slice3A_12, %slice3A_12 : vector<1000x32xf32>
    %add3A_25 = arith.addf %mul3A_23, %mul3A_24 : vector<1000x32xf32>
    %mul3A_26 = arith.mulf %slice3A_13, %slice3A_13 : vector<1000x32xf32>
    %add3A_27 = arith.addf %add3A_25, %mul3A_26 : vector<1000x32xf32>
    %mul3A_28 = arith.constant 2.000000e+00 : f32
    %mul3A_29 = vector.broadcast %mul3A_28 : f32 to vector<1000x32xf32>
    %mul3A_30 = arith.mulf %mul3A_29, %add3A_27 : vector<1000x32xf32>
    %add3A_31 = arith.addf %mul3A_22, %mul3A_30 : vector<1000x32xf32>
    %mul3A_32 = arith.mulf %slice3A_14, %slice3A_14 : vector<1000x32xf32>
    %mul3A_33 = arith.mulf %slice3A_15, %slice3A_15 : vector<1000x32xf32>
    %add3A_34 = arith.addf %mul3A_32, %mul3A_33 : vector<1000x32xf32>
    %mul3A_35 = arith.mulf %slice3A_16, %slice3A_16 : vector<1000x32xf32>
    %add3A_36 = arith.addf %add3A_34, %mul3A_35 : vector<1000x32xf32>
    %add3A_37 = arith.addf %add3A_31, %add3A_36 : vector<1000x32xf32>
    %mul3A_38 = arith.mulf %slice3A_17, %slice3A_17 : vector<1000x32xf32>
    %mul3A_39 = arith.mulf %slice3A_18, %slice3A_18 : vector<1000x32xf32>
    %add3A_40 = arith.addf %mul3A_38, %mul3A_39 : vector<1000x32xf32>
    %mul3A_41 = arith.mulf %slice3A_19, %slice3A_19 : vector<1000x32xf32>
    %add3A_42 = arith.addf %add3A_40, %mul3A_41 : vector<1000x32xf32>
    %mul3A_43 = arith.constant 2.000000e+00 : f32
    %mul3A_44 = vector.broadcast %mul3A_43 : f32 to vector<1000x32xf32>
    %mul3A_45 = arith.mulf %mul3A_44, %add3A_42 : vector<1000x32xf32>
    %add3A_46 = arith.addf %add3A_37, %mul3A_45 : vector<1000x32xf32>
    %get3A_47 = arith.constant 0 : index
    %get3A_48 = arith.constant 0 : index
    %get3A_49 = vector.load %arg12[%get3A_47, %get3A_48] : memref<1x32xf32, #tpu.memory_space<vmem>>, vector<1x32xf32>
    %get3A_50 = arith.constant 0 : index
    %get3A_51 = arith.constant 0 : index
    %get3A_52 = vector.load %arg13[%get3A_50, %get3A_51] : memref<1x32xf32, #tpu.memory_space<vmem>>, vector<1x32xf32>
    %reduce_sum3A = arith.constant dense<0.000000e+00> : vector<1000xf32>
    %reduce_sum3A_53 = vector.multi_reduction <add>, %add3A_46, %reduce_sum3A [1] : vector<1000x32xf32> to vector<1000xf32>
    %broadcast_in_dim3A = vector.shape_cast %reduce_sum3A_53 : vector<1000xf32> to vector<1000x1xf32>
    %div3A = arith.constant 3.200000e+01 : f32
    %div3A_54 = vector.broadcast %div3A : f32 to vector<1000x1xf32>
    %div3A_55 = arith.divf %broadcast_in_dim3A, %div3A_54 : vector<1000x1xf32>
    %sub3A = vector.broadcast %div3A_55 : vector<1000x1xf32> to vector<1000x32xf32>
    %sub3A_56 = arith.subf %add3A_46, %sub3A : vector<1000x32xf32>
    %mul3A_57 = arith.mulf %sub3A_56, %sub3A_56 : vector<1000x32xf32>
    %reduce_sum3A_58 = arith.constant dense<0.000000e+00> : vector<1000xf32>
    %reduce_sum3A_59 = vector.multi_reduction <add>, %mul3A_57, %reduce_sum3A_58 [1] : vector<1000x32xf32> to vector<1000xf32>
    %broadcast_in_dim3A_60 = vector.shape_cast %reduce_sum3A_59 : vector<1000xf32> to vector<1000x1xf32>
    %div3A_61 = arith.constant 3.200000e+01 : f32
    %div3A_62 = vector.broadcast %div3A_61 : f32 to vector<1000x1xf32>
    %div3A_63 = arith.divf %broadcast_in_dim3A_60, %div3A_62 : vector<1000x1xf32>
    %add3A_64 = arith.constant 9.99999974E-6 : f32
    %add3A_65 = vector.broadcast %add3A_64 : f32 to vector<1000x1xf32>
    %add3A_66 = arith.addf %div3A_63, %add3A_65 : vector<1000x1xf32>
    %rsqrt3A = math.rsqrt %add3A_66 : vector<1000x1xf32>
    %mul3A_67 = arith.constant 5.000000e-01 : f32
    %mul3A_68 = vector.broadcast %mul3A_67 : f32 to vector<1000x1xf32>
    %mul3A_69 = arith.mulf %mul3A_68, %add3A_66 : vector<1000x1xf32>
    %mul3A_70 = arith.mulf %mul3A_69, %rsqrt3A : vector<1000x1xf32>
    %mul3A_71 = arith.mulf %mul3A_70, %rsqrt3A : vector<1000x1xf32>
    %sub3A_72 = arith.constant 1.500000e+00 : f32
    %sub3A_73 = vector.broadcast %sub3A_72 : f32 to vector<1000x1xf32>
    %sub3A_74 = arith.subf %sub3A_73, %mul3A_71 : vector<1000x1xf32>
    %mul3A_75 = arith.mulf %rsqrt3A, %sub3A_74 : vector<1000x1xf32>
    %mul3A_76 = vector.broadcast %mul3A_75 : vector<1000x1xf32> to vector<1000x32xf32>
    %mul3A_77 = arith.mulf %sub3A_56, %mul3A_76 : vector<1000x32xf32>
    %mul3A_78 = vector.broadcast %get3A_49 : vector<1x32xf32> to vector<1000x32xf32>
    %mul3A_79 = arith.mulf %mul3A_77, %mul3A_78 : vector<1000x32xf32>
    %add3A_80 = vector.broadcast %get3A_52 : vector<1x32xf32> to vector<1000x32xf32>
    %add3A_81 = arith.addf %mul3A_79, %add3A_80 : vector<1000x32xf32>
    %get3A_82 = arith.constant 0 : index
    %get3A_83 = arith.constant 0 : index
    %get3A_84 = vector.load %arg8[%get3A_82, %get3A_83] : memref<32x64xf32, #tpu.memory_space<vmem>>, vector<32x64xf32>
    %convert_element_type3A = arith.truncf %add3A_81 : vector<1000x32xf32> to vector<1000x32xbf16>
    %convert_element_type3A_85 = arith.truncf %get3A_84 : vector<32x64xf32> to vector<32x64xbf16>
    %dot_general3A = arith.constant dense<0.000000e+00> : vector<1000x64xf32>
    %dot_general3A_86 = tpu.matmul %convert_element_type3A, %convert_element_type3A_85, %dot_general3A {dimension_numbers = #tpu.dot_dimension_numbers<[1], [0], [0], [1], [0, 0, 1, 1], [], []>, transpose_lhs_hint = false} : vector<1000x32xbf16>, vector<32x64xbf16>, vector<1000x64xf32> -> vector<1000x64xf32>
    %get3A_87 = arith.constant 0 : index
    %get3A_88 = arith.constant 0 : index
    %get3A_89 = vector.load %arg9[%get3A_87, %get3A_88] : memref<1x64xf32, #tpu.memory_space<vmem>>, vector<1x64xf32>
    %add3A_90 = vector.broadcast %get3A_89 : vector<1x64xf32> to vector<1000x64xf32>
    %add3A_91 = arith.addf %dot_general3A_86, %add3A_90 : vector<1000x64xf32>
    %neg3A = arith.constant 0.000000e+00 : f32
    %neg3A_92 = vector.broadcast %neg3A : f32 to vector<1000x64xf32>
    %neg3A_93 = arith.subf %neg3A_92, %add3A_91 : vector<1000x64xf32>
    %jit3A = arith.constant -8.700000e+01 : f32
    %jit3A_94 = arith.constant 8.800000e+01 : f32
    %max3A = vector.broadcast %jit3A : f32 to vector<1000x64xf32>
    %max3A_95 = arith.maximumf %max3A, %neg3A_93 : vector<1000x64xf32>
    %min3A = vector.broadcast %jit3A_94 : f32 to vector<1000x64xf32>
    %min3A_96 = arith.minimumf %min3A, %max3A_95 : vector<1000x64xf32>
    %mul3A_97 = arith.constant 1.44269502 : f32
    %mul3A_98 = vector.broadcast %mul3A_97 : f32 to vector<1000x64xf32>
    %mul3A_99 = arith.mulf %min3A_96, %mul3A_98 : vector<1000x64xf32>
    %add3A_100 = arith.constant 5.000000e-01 : f32
    %add3A_101 = vector.broadcast %add3A_100 : f32 to vector<1000x64xf32>
    %add3A_102 = arith.addf %mul3A_99, %add3A_101 : vector<1000x64xf32>
    %floor3A = math.floor %add3A_102 : vector<1000x64xf32>
    %mul3A_103 = arith.constant 0.693359375 : f32
    %mul3A_104 = vector.broadcast %mul3A_103 : f32 to vector<1000x64xf32>
    %mul3A_105 = arith.mulf %floor3A, %mul3A_104 : vector<1000x64xf32>
    %sub3A_106 = arith.subf %min3A_96, %mul3A_105 : vector<1000x64xf32>
    %mul3A_107 = arith.constant -2.12194442E-4 : f32
    %mul3A_108 = vector.broadcast %mul3A_107 : f32 to vector<1000x64xf32>
    %mul3A_109 = arith.mulf %floor3A, %mul3A_108 : vector<1000x64xf32>
    %sub3A_110 = arith.subf %sub3A_106, %mul3A_109 : vector<1000x64xf32>
    %mul3A_111 = arith.constant 1.98412701E-4 : f32
    %mul3A_112 = vector.broadcast %mul3A_111 : f32 to vector<1000x64xf32>
    %mul3A_113 = arith.mulf %sub3A_110, %mul3A_112 : vector<1000x64xf32>
    %add3A_114 = arith.constant 0.00138888892 : f32
    %add3A_115 = vector.broadcast %add3A_114 : f32 to vector<1000x64xf32>
    %add3A_116 = arith.addf %add3A_115, %mul3A_113 : vector<1000x64xf32>
    %mul3A_117 = arith.mulf %sub3A_110, %add3A_116 : vector<1000x64xf32>
    %add3A_118 = arith.constant 0.00833333377 : f32
    %add3A_119 = vector.broadcast %add3A_118 : f32 to vector<1000x64xf32>
    %add3A_120 = arith.addf %add3A_119, %mul3A_117 : vector<1000x64xf32>
    %mul3A_121 = arith.mulf %sub3A_110, %add3A_120 : vector<1000x64xf32>
    %add3A_122 = arith.constant 0.0416666679 : f32
    %add3A_123 = vector.broadcast %add3A_122 : f32 to vector<1000x64xf32>
    %add3A_124 = arith.addf %add3A_123, %mul3A_121 : vector<1000x64xf32>
    %mul3A_125 = arith.mulf %sub3A_110, %add3A_124 : vector<1000x64xf32>
    %add3A_126 = arith.constant 0.166666672 : f32
    %add3A_127 = vector.broadcast %add3A_126 : f32 to vector<1000x64xf32>
    %add3A_128 = arith.addf %add3A_127, %mul3A_125 : vector<1000x64xf32>
    %mul3A_129 = arith.mulf %sub3A_110, %add3A_128 : vector<1000x64xf32>
    %add3A_130 = arith.constant 5.000000e-01 : f32
    %add3A_131 = vector.broadcast %add3A_130 : f32 to vector<1000x64xf32>
    %add3A_132 = arith.addf %add3A_131, %mul3A_129 : vector<1000x64xf32>
    %mul3A_133 = arith.mulf %sub3A_110, %add3A_132 : vector<1000x64xf32>
    %add3A_134 = arith.constant 1.000000e+00 : f32
    %add3A_135 = vector.broadcast %add3A_134 : f32 to vector<1000x64xf32>
    %add3A_136 = arith.addf %add3A_135, %mul3A_133 : vector<1000x64xf32>
    %mul3A_137 = arith.mulf %sub3A_110, %add3A_136 : vector<1000x64xf32>
    %add3A_138 = arith.constant 1.000000e+00 : f32
    %add3A_139 = vector.broadcast %add3A_138 : f32 to vector<1000x64xf32>
    %add3A_140 = arith.addf %add3A_139, %mul3A_137 : vector<1000x64xf32>
    %convert_element_type3A_141 = arith.fptosi %floor3A : vector<1000x64xf32> to vector<1000x64xi32>
    %add3A_142 = arith.constant 127 : i32
    %add3A_143 = vector.broadcast %add3A_142 : i32 to vector<1000x64xi32>
    %add3A_144 = arith.addi %convert_element_type3A_141, %add3A_143 : vector<1000x64xi32>
    %shift_left3A = arith.constant 23 : i32
    %shift_left3A_145 = vector.broadcast %shift_left3A : i32 to vector<1000x64xi32>
    %shift_left3A_146 = arith.shli %add3A_144, %shift_left3A_145 : vector<1000x64xi32>
    %bitcast_convert_type3A = tpu.bitcast %shift_left3A_146 : vector<1000x64xi32> -> vector<1000x64xf32>
    %mul3A_147 = arith.mulf %add3A_140, %bitcast_convert_type3A : vector<1000x64xf32>
    %add3A_148 = arith.constant 1.000000e+00 : f32
    %add3A_149 = vector.broadcast %add3A_148 : f32 to vector<1000x64xf32>
    %add3A_150 = arith.addf %add3A_149, %mul3A_147 : vector<1000x64xf32>
    %rsqrt3A_151 = math.rsqrt %add3A_150 : vector<1000x64xf32>
    %mul3A_152 = arith.constant 5.000000e-01 : f32
    %mul3A_153 = vector.broadcast %mul3A_152 : f32 to vector<1000x64xf32>
    %mul3A_154 = arith.mulf %mul3A_153, %add3A_150 : vector<1000x64xf32>
    %mul3A_155 = arith.mulf %mul3A_154, %rsqrt3A_151 : vector<1000x64xf32>
    %mul3A_156 = arith.mulf %mul3A_155, %rsqrt3A_151 : vector<1000x64xf32>
    %sub3A_157 = arith.constant 1.500000e+00 : f32
    %sub3A_158 = vector.broadcast %sub3A_157 : f32 to vector<1000x64xf32>
    %sub3A_159 = arith.subf %sub3A_158, %mul3A_156 : vector<1000x64xf32>
    %mul3A_160 = arith.mulf %rsqrt3A_151, %sub3A_159 : vector<1000x64xf32>
    %mul3A_161 = arith.mulf %mul3A_160, %mul3A_160 : vector<1000x64xf32>
    %mul3A_162 = arith.mulf %add3A_91, %mul3A_161 : vector<1000x64xf32>
    %get3A_163 = arith.constant 0 : index
    %get3A_164 = arith.constant 0 : index
    %get3A_165 = vector.load %arg10[%get3A_163, %get3A_164] : memref<64x96xf32, #tpu.memory_space<vmem>>, vector<64x96xf32>
    %convert_element_type3A_166 = arith.truncf %mul3A_162 : vector<1000x64xf32> to vector<1000x64xbf16>
    %convert_element_type3A_167 = arith.truncf %get3A_165 : vector<64x96xf32> to vector<64x96xbf16>
    %dot_general3A_168 = arith.constant dense<0.000000e+00> : vector<1000x96xf32>
    %dot_general3A_169 = tpu.matmul %convert_element_type3A_166, %convert_element_type3A_167, %dot_general3A_168 {dimension_numbers = #tpu.dot_dimension_numbers<[1], [0], [0], [1], [0, 0, 1, 1], [], []>, transpose_lhs_hint = false} : vector<1000x64xbf16>, vector<64x96xbf16>, vector<1000x96xf32> -> vector<1000x96xf32>
    %get3A_170 = arith.constant 0 : index
    %get3A_171 = arith.constant 0 : index
    %get3A_172 = vector.load %arg11[%get3A_170, %get3A_171] : memref<1x96xf32, #tpu.memory_space<vmem>>, vector<1x96xf32>
    %add3A_173 = vector.broadcast %get3A_172 : vector<1x96xf32> to vector<1000x96xf32>
    %add3A_174 = arith.addf %dot_general3A_169, %add3A_173 : vector<1000x96xf32>
    %neg3A_175 = arith.constant 0.000000e+00 : f32
    %neg3A_176 = vector.broadcast %neg3A_175 : f32 to vector<1000x96xf32>
    %neg3A_177 = arith.subf %neg3A_176, %add3A_174 : vector<1000x96xf32>
    %jit3A_178 = arith.constant -8.700000e+01 : f32
    %jit3A_179 = arith.constant 8.800000e+01 : f32
    %max3A_180 = vector.broadcast %jit3A_178 : f32 to vector<1000x96xf32>
    %max3A_181 = arith.maximumf %max3A_180, %neg3A_177 : vector<1000x96xf32>
    %min3A_182 = vector.broadcast %jit3A_179 : f32 to vector<1000x96xf32>
    %min3A_183 = arith.minimumf %min3A_182, %max3A_181 : vector<1000x96xf32>
    %mul3A_184 = arith.constant 1.44269502 : f32
    %mul3A_185 = vector.broadcast %mul3A_184 : f32 to vector<1000x96xf32>
    %mul3A_186 = arith.mulf %min3A_183, %mul3A_185 : vector<1000x96xf32>
    %add3A_187 = arith.constant 5.000000e-01 : f32
    %add3A_188 = vector.broadcast %add3A_187 : f32 to vector<1000x96xf32>
    %add3A_189 = arith.addf %mul3A_186, %add3A_188 : vector<1000x96xf32>
    %floor3A_190 = math.floor %add3A_189 : vector<1000x96xf32>
    %mul3A_191 = arith.constant 0.693359375 : f32
    %mul3A_192 = vector.broadcast %mul3A_191 : f32 to vector<1000x96xf32>
    %mul3A_193 = arith.mulf %floor3A_190, %mul3A_192 : vector<1000x96xf32>
    %sub3A_194 = arith.subf %min3A_183, %mul3A_193 : vector<1000x96xf32>
    %mul3A_195 = arith.constant -2.12194442E-4 : f32
    %mul3A_196 = vector.broadcast %mul3A_195 : f32 to vector<1000x96xf32>
    %mul3A_197 = arith.mulf %floor3A_190, %mul3A_196 : vector<1000x96xf32>
    %sub3A_198 = arith.subf %sub3A_194, %mul3A_197 : vector<1000x96xf32>
    %mul3A_199 = arith.constant 1.98412701E-4 : f32
    %mul3A_200 = vector.broadcast %mul3A_199 : f32 to vector<1000x96xf32>
    %mul3A_201 = arith.mulf %sub3A_198, %mul3A_200 : vector<1000x96xf32>
    %add3A_202 = arith.constant 0.00138888892 : f32
    %add3A_203 = vector.broadcast %add3A_202 : f32 to vector<1000x96xf32>
    %add3A_204 = arith.addf %add3A_203, %mul3A_201 : vector<1000x96xf32>
    %mul3A_205 = arith.mulf %sub3A_198, %add3A_204 : vector<1000x96xf32>
    %add3A_206 = arith.constant 0.00833333377 : f32
    %add3A_207 = vector.broadcast %add3A_206 : f32 to vector<1000x96xf32>
    %add3A_208 = arith.addf %add3A_207, %mul3A_205 : vector<1000x96xf32>
    %mul3A_209 = arith.mulf %sub3A_198, %add3A_208 : vector<1000x96xf32>
    %add3A_210 = arith.constant 0.0416666679 : f32
    %add3A_211 = vector.broadcast %add3A_210 : f32 to vector<1000x96xf32>
    %add3A_212 = arith.addf %add3A_211, %mul3A_209 : vector<1000x96xf32>
    %mul3A_213 = arith.mulf %sub3A_198, %add3A_212 : vector<1000x96xf32>
    %add3A_214 = arith.constant 0.166666672 : f32
    %add3A_215 = vector.broadcast %add3A_214 : f32 to vector<1000x96xf32>
    %add3A_216 = arith.addf %add3A_215, %mul3A_213 : vector<1000x96xf32>
    %mul3A_217 = arith.mulf %sub3A_198, %add3A_216 : vector<1000x96xf32>
    %add3A_218 = arith.constant 5.000000e-01 : f32
    %add3A_219 = vector.broadcast %add3A_218 : f32 to vector<1000x96xf32>
    %add3A_220 = arith.addf %add3A_219, %mul3A_217 : vector<1000x96xf32>
    %mul3A_221 = arith.mulf %sub3A_198, %add3A_220 : vector<1000x96xf32>
    %add3A_222 = arith.constant 1.000000e+00 : f32
    %add3A_223 = vector.broadcast %add3A_222 : f32 to vector<1000x96xf32>
    %add3A_224 = arith.addf %add3A_223, %mul3A_221 : vector<1000x96xf32>
    %mul3A_225 = arith.mulf %sub3A_198, %add3A_224 : vector<1000x96xf32>
    %add3A_226 = arith.constant 1.000000e+00 : f32
    %add3A_227 = vector.broadcast %add3A_226 : f32 to vector<1000x96xf32>
    %add3A_228 = arith.addf %add3A_227, %mul3A_225 : vector<1000x96xf32>
    %convert_element_type3A_229 = arith.fptosi %floor3A_190 : vector<1000x96xf32> to vector<1000x96xi32>
    %add3A_230 = arith.constant 127 : i32
    %add3A_231 = vector.broadcast %add3A_230 : i32 to vector<1000x96xi32>
    %add3A_232 = arith.addi %convert_element_type3A_229, %add3A_231 : vector<1000x96xi32>
    %shift_left3A_233 = arith.constant 23 : i32
    %shift_left3A_234 = vector.broadcast %shift_left3A_233 : i32 to vector<1000x96xi32>
    %shift_left3A_235 = arith.shli %add3A_232, %shift_left3A_234 : vector<1000x96xi32>
    %bitcast_convert_type3A_236 = tpu.bitcast %shift_left3A_235 : vector<1000x96xi32> -> vector<1000x96xf32>
    %mul3A_237 = arith.mulf %add3A_228, %bitcast_convert_type3A_236 : vector<1000x96xf32>
    %add3A_238 = arith.constant 1.000000e+00 : f32
    %add3A_239 = vector.broadcast %add3A_238 : f32 to vector<1000x96xf32>
    %add3A_240 = arith.addf %add3A_239, %mul3A_237 : vector<1000x96xf32>
    %rsqrt3A_241 = math.rsqrt %add3A_240 : vector<1000x96xf32>
    %mul3A_242 = arith.constant 5.000000e-01 : f32
    %mul3A_243 = vector.broadcast %mul3A_242 : f32 to vector<1000x96xf32>
    %mul3A_244 = arith.mulf %mul3A_243, %add3A_240 : vector<1000x96xf32>
    %mul3A_245 = arith.mulf %mul3A_244, %rsqrt3A_241 : vector<1000x96xf32>
    %mul3A_246 = arith.mulf %mul3A_245, %rsqrt3A_241 : vector<1000x96xf32>
    %sub3A_247 = arith.constant 1.500000e+00 : f32
    %sub3A_248 = vector.broadcast %sub3A_247 : f32 to vector<1000x96xf32>
    %sub3A_249 = arith.subf %sub3A_248, %mul3A_246 : vector<1000x96xf32>
    %mul3A_250 = arith.mulf %rsqrt3A_241, %sub3A_249 : vector<1000x96xf32>
    %mul3A_251 = arith.mulf %mul3A_250, %mul3A_250 : vector<1000x96xf32>
    %mul3A_252 = arith.mulf %add3A_174, %mul3A_251 : vector<1000x96xf32>
    %iota3A = tpu.iota {dimensions = array<i32: 0>} : vector<96x32xi32>
    %iota3A_253 = tpu.iota {dimensions = array<i32: 1>} : vector<96x32xi32>
    %mul3A_254 = arith.constant 3 : i32
    %mul3A_255 = vector.broadcast %mul3A_254 : i32 to vector<96x32xi32>
    %mul3A_256 = arith.muli %mul3A_255, %iota3A_253 : vector<96x32xi32>
    %eq3A = arith.cmpi eq, %iota3A, %mul3A_256 : vector<96x32xi32>
    %convert_element_type3A_257 = arith.extui %eq3A : vector<96x32xi1> to vector<96x32xi32>
    %convert_element_type3A_258 = arith.sitofp %convert_element_type3A_257 : vector<96x32xi32> to vector<96x32xf32>
    %mul3A_259 = arith.constant 3 : i32
    %mul3A_260 = vector.broadcast %mul3A_259 : i32 to vector<96x32xi32>
    %mul3A_261 = arith.muli %mul3A_260, %iota3A_253 : vector<96x32xi32>
    %add3A_262 = arith.constant 1 : i32
    %add3A_263 = vector.broadcast %add3A_262 : i32 to vector<96x32xi32>
    %add3A_264 = arith.addi %mul3A_261, %add3A_263 : vector<96x32xi32>
    %eq3A_265 = arith.cmpi eq, %iota3A, %add3A_264 : vector<96x32xi32>
    %convert_element_type3A_266 = arith.extui %eq3A_265 : vector<96x32xi1> to vector<96x32xi32>
    %convert_element_type3A_267 = arith.sitofp %convert_element_type3A_266 : vector<96x32xi32> to vector<96x32xf32>
    %mul3A_268 = arith.constant 3 : i32
    %mul3A_269 = vector.broadcast %mul3A_268 : i32 to vector<96x32xi32>
    %mul3A_270 = arith.muli %mul3A_269, %iota3A_253 : vector<96x32xi32>
    %add3A_271 = arith.constant 2 : i32
    %add3A_272 = vector.broadcast %add3A_271 : i32 to vector<96x32xi32>
    %add3A_273 = arith.addi %mul3A_270, %add3A_272 : vector<96x32xi32>
    %eq3A_274 = arith.cmpi eq, %iota3A, %add3A_273 : vector<96x32xi32>
    %convert_element_type3A_275 = arith.extui %eq3A_274 : vector<96x32xi1> to vector<96x32xi32>
    %convert_element_type3A_276 = arith.sitofp %convert_element_type3A_275 : vector<96x32xi32> to vector<96x32xf32>
    %dot_general3A_277 = arith.constant dense<0.000000e+00> : vector<1000x32xf32>
    %dot_general3A_278 = tpu.matmul %mul3A_252, %convert_element_type3A_258, %dot_general3A_277 {dimension_numbers = #tpu.dot_dimension_numbers<[1], [0], [0], [1], [0, 0, 1, 1], [], []>, precision = #tpu.contract_precision<fp32>, transpose_lhs_hint = false} : vector<1000x96xf32>, vector<96x32xf32>, vector<1000x32xf32> -> vector<1000x32xf32>
    %dot_general3A_279 = arith.constant dense<0.000000e+00> : vector<1000x32xf32>
    %dot_general3A_280 = tpu.matmul %mul3A_252, %convert_element_type3A_267, %dot_general3A_279 {dimension_numbers = #tpu.dot_dimension_numbers<[1], [0], [0], [1], [0, 0, 1, 1], [], []>, precision = #tpu.contract_precision<fp32>, transpose_lhs_hint = false} : vector<1000x96xf32>, vector<96x32xf32>, vector<1000x32xf32> -> vector<1000x32xf32>
    %dot_general3A_281 = arith.constant dense<0.000000e+00> : vector<1000x32xf32>
    %dot_general3A_282 = tpu.matmul %mul3A_252, %convert_element_type3A_276, %dot_general3A_281 {dimension_numbers = #tpu.dot_dimension_numbers<[1], [0], [0], [1], [0, 0, 1, 1], [], []>, precision = #tpu.contract_precision<fp32>, transpose_lhs_hint = false} : vector<1000x96xf32>, vector<96x32xf32>, vector<1000x32xf32> -> vector<1000x32xf32>
    %get3A_283 = arith.constant 0 : index
    %get3A_284 = arith.constant 0 : index
    %get3A_285 = vector.load %arg5[%get3A_283, %get3A_284] : memref<32x32xf32, #tpu.memory_space<vmem>>, vector<32x32xf32>
    %convert_element_type3A_286 = arith.truncf %slice3A : vector<1000x32xf32> to vector<1000x32xbf16>
    %convert_element_type3A_287 = arith.truncf %get3A_285 : vector<32x32xf32> to vector<32x32xbf16>
    %dot_general3A_288 = arith.constant dense<0.000000e+00> : vector<1000x32xf32>
    %dot_general3A_289 = tpu.matmul %convert_element_type3A_286, %convert_element_type3A_287, %dot_general3A_288 {dimension_numbers = #tpu.dot_dimension_numbers<[1], [0], [0], [1], [0, 0, 1, 1], [], []>, transpose_lhs_hint = false} : vector<1000x32xbf16>, vector<32x32xbf16>, vector<1000x32xf32> -> vector<1000x32xf32>
    %mul3A_290 = arith.mulf %dot_general3A_289, %dot_general3A_278 : vector<1000x32xf32>
    %get3A_291 = arith.constant 0 : index
    %get3A_292 = arith.constant 0 : index
    %get3A_293 = vector.load %arg6[%get3A_291, %get3A_292] : memref<32x32xf32, #tpu.memory_space<vmem>>, vector<32x32xf32>
    %convert_element_type3A_294 = arith.truncf %slice3A_11 : vector<1000x32xf32> to vector<1000x32xbf16>
    %convert_element_type3A_295 = arith.truncf %get3A_293 : vector<32x32xf32> to vector<32x32xbf16>
    %dot_general3A_296 = arith.constant dense<0.000000e+00> : vector<1000x32xf32>
    %dot_general3A_297 = tpu.matmul %convert_element_type3A_294, %convert_element_type3A_295, %dot_general3A_296 {dimension_numbers = #tpu.dot_dimension_numbers<[1], [0], [0], [1], [0, 0, 1, 1], [], []>, transpose_lhs_hint = false} : vector<1000x32xbf16>, vector<32x32xbf16>, vector<1000x32xf32> -> vector<1000x32xf32>
    %mul3A_298 = arith.mulf %dot_general3A_297, %dot_general3A_280 : vector<1000x32xf32>
    %get3A_299 = arith.constant 0 : index
    %get3A_300 = arith.constant 0 : index
    %get3A_301 = vector.load %arg6[%get3A_299, %get3A_300] : memref<32x32xf32, #tpu.memory_space<vmem>>, vector<32x32xf32>
    %convert_element_type3A_302 = arith.truncf %slice3A_12 : vector<1000x32xf32> to vector<1000x32xbf16>
    %convert_element_type3A_303 = arith.truncf %get3A_301 : vector<32x32xf32> to vector<32x32xbf16>
    %dot_general3A_304 = arith.constant dense<0.000000e+00> : vector<1000x32xf32>
    %dot_general3A_305 = tpu.matmul %convert_element_type3A_302, %convert_element_type3A_303, %dot_general3A_304 {dimension_numbers = #tpu.dot_dimension_numbers<[1], [0], [0], [1], [0, 0, 1, 1], [], []>, transpose_lhs_hint = false} : vector<1000x32xbf16>, vector<32x32xbf16>, vector<1000x32xf32> -> vector<1000x32xf32>
    %mul3A_306 = arith.mulf %dot_general3A_305, %dot_general3A_280 : vector<1000x32xf32>
    %get3A_307 = arith.constant 0 : index
    %get3A_308 = arith.constant 0 : index
    %get3A_309 = vector.load %arg6[%get3A_307, %get3A_308] : memref<32x32xf32, #tpu.memory_space<vmem>>, vector<32x32xf32>
    %convert_element_type3A_310 = arith.truncf %slice3A_13 : vector<1000x32xf32> to vector<1000x32xbf16>
    %convert_element_type3A_311 = arith.truncf %get3A_309 : vector<32x32xf32> to vector<32x32xbf16>
    %dot_general3A_312 = arith.constant dense<0.000000e+00> : vector<1000x32xf32>
    %dot_general3A_313 = tpu.matmul %convert_element_type3A_310, %convert_element_type3A_311, %dot_general3A_312 {dimension_numbers = #tpu.dot_dimension_numbers<[1], [0], [0], [1], [0, 0, 1, 1], [], []>, transpose_lhs_hint = false} : vector<1000x32xbf16>, vector<32x32xbf16>, vector<1000x32xf32> -> vector<1000x32xf32>
    %mul3A_314 = arith.mulf %dot_general3A_313, %dot_general3A_280 : vector<1000x32xf32>
    %get3A_315 = arith.constant 0 : index
    %get3A_316 = arith.constant 0 : index
    %get3A_317 = vector.load %arg7[%get3A_315, %get3A_316] : memref<32x32xf32, #tpu.memory_space<vmem>>, vector<32x32xf32>
    %convert_element_type3A_318 = arith.truncf %slice3A_14 : vector<1000x32xf32> to vector<1000x32xbf16>
    %convert_element_type3A_319 = arith.truncf %get3A_317 : vector<32x32xf32> to vector<32x32xbf16>
    %dot_general3A_320 = arith.constant dense<0.000000e+00> : vector<1000x32xf32>
    %dot_general3A_321 = tpu.matmul %convert_element_type3A_318, %convert_element_type3A_319, %dot_general3A_320 {dimension_numbers = #tpu.dot_dimension_numbers<[1], [0], [0], [1], [0, 0, 1, 1], [], []>, transpose_lhs_hint = false} : vector<1000x32xbf16>, vector<32x32xbf16>, vector<1000x32xf32> -> vector<1000x32xf32>
    %mul3A_322 = arith.mulf %dot_general3A_321, %dot_general3A_282 : vector<1000x32xf32>
    %get3A_323 = arith.constant 0 : index
    %get3A_324 = arith.constant 0 : index
    %get3A_325 = vector.load %arg7[%get3A_323, %get3A_324] : memref<32x32xf32, #tpu.memory_space<vmem>>, vector<32x32xf32>
    %convert_element_type3A_326 = arith.truncf %slice3A_15 : vector<1000x32xf32> to vector<1000x32xbf16>
    %convert_element_type3A_327 = arith.truncf %get3A_325 : vector<32x32xf32> to vector<32x32xbf16>
    %dot_general3A_328 = arith.constant dense<0.000000e+00> : vector<1000x32xf32>
    %dot_general3A_329 = tpu.matmul %convert_element_type3A_326, %convert_element_type3A_327, %dot_general3A_328 {dimension_numbers = #tpu.dot_dimension_numbers<[1], [0], [0], [1], [0, 0, 1, 1], [], []>, transpose_lhs_hint = false} : vector<1000x32xbf16>, vector<32x32xbf16>, vector<1000x32xf32> -> vector<1000x32xf32>
    %mul3A_330 = arith.mulf %dot_general3A_329, %dot_general3A_282 : vector<1000x32xf32>
    %get3A_331 = arith.constant 0 : index
    %get3A_332 = arith.constant 0 : index
    %get3A_333 = vector.load %arg7[%get3A_331, %get3A_332] : memref<32x32xf32, #tpu.memory_space<vmem>>, vector<32x32xf32>
    %convert_element_type3A_334 = arith.truncf %slice3A_16 : vector<1000x32xf32> to vector<1000x32xbf16>
    %convert_element_type3A_335 = arith.truncf %get3A_333 : vector<32x32xf32> to vector<32x32xbf16>
    %dot_general3A_336 = arith.constant dense<0.000000e+00> : vector<1000x32xf32>
    %dot_general3A_337 = tpu.matmul %convert_element_type3A_334, %convert_element_type3A_335, %dot_general3A_336 {dimension_numbers = #tpu.dot_dimension_numbers<[1], [0], [0], [1], [0, 0, 1, 1], [], []>, transpose_lhs_hint = false} : vector<1000x32xbf16>, vector<32x32xbf16>, vector<1000x32xf32> -> vector<1000x32xf32>
    %mul3A_338 = arith.mulf %dot_general3A_337, %dot_general3A_282 : vector<1000x32xf32>
    %get3A_339 = arith.constant 0 : index
    %get3A_340 = arith.constant 0 : index
    %get3A_341 = vector.load %arg7[%get3A_339, %get3A_340] : memref<32x32xf32, #tpu.memory_space<vmem>>, vector<32x32xf32>
    %convert_element_type3A_342 = arith.truncf %slice3A_17 : vector<1000x32xf32> to vector<1000x32xbf16>
    %convert_element_type3A_343 = arith.truncf %get3A_341 : vector<32x32xf32> to vector<32x32xbf16>
    %dot_general3A_344 = arith.constant dense<0.000000e+00> : vector<1000x32xf32>
    %dot_general3A_345 = tpu.matmul %convert_element_type3A_342, %convert_element_type3A_343, %dot_general3A_344 {dimension_numbers = #tpu.dot_dimension_numbers<[1], [0], [0], [1], [0, 0, 1, 1], [], []>, transpose_lhs_hint = false} : vector<1000x32xbf16>, vector<32x32xbf16>, vector<1000x32xf32> -> vector<1000x32xf32>
    %mul3A_346 = arith.mulf %dot_general3A_345, %dot_general3A_282 : vector<1000x32xf32>
    %get3A_347 = arith.constant 0 : index
    %get3A_348 = arith.constant 0 : index
    %get3A_349 = vector.load %arg7[%get3A_347, %get3A_348] : memref<32x32xf32, #tpu.memory_space<vmem>>, vector<32x32xf32>
    %convert_element_type3A_350 = arith.truncf %slice3A_18 : vector<1000x32xf32> to vector<1000x32xbf16>
    %convert_element_type3A_351 = arith.truncf %get3A_349 : vector<32x32xf32> to vector<32x32xbf16>
    %dot_general3A_352 = arith.constant dense<0.000000e+00> : vector<1000x32xf32>
    %dot_general3A_353 = tpu.matmul %convert_element_type3A_350, %convert_element_type3A_351, %dot_general3A_352 {dimension_numbers = #tpu.dot_dimension_numbers<[1], [0], [0], [1], [0, 0, 1, 1], [], []>, transpose_lhs_hint = false} : vector<1000x32xbf16>, vector<32x32xbf16>, vector<1000x32xf32> -> vector<1000x32xf32>
    %mul3A_354 = arith.mulf %dot_general3A_353, %dot_general3A_282 : vector<1000x32xf32>
    %get3A_355 = arith.constant 0 : index
    %get3A_356 = arith.constant 0 : index
    %get3A_357 = vector.load %arg7[%get3A_355, %get3A_356] : memref<32x32xf32, #tpu.memory_space<vmem>>, vector<32x32xf32>
    %convert_element_type3A_358 = arith.truncf %slice3A_19 : vector<1000x32xf32> to vector<1000x32xbf16>
    %convert_element_type3A_359 = arith.truncf %get3A_357 : vector<32x32xf32> to vector<32x32xbf16>
    %dot_general3A_360 = arith.constant dense<0.000000e+00> : vector<1000x32xf32>
    %dot_general3A_361 = tpu.matmul %convert_element_type3A_358, %convert_element_type3A_359, %dot_general3A_360 {dimension_numbers = #tpu.dot_dimension_numbers<[1], [0], [0], [1], [0, 0, 1, 1], [], []>, transpose_lhs_hint = false} : vector<1000x32xbf16>, vector<32x32xbf16>, vector<1000x32xf32> -> vector<1000x32xf32>
    %mul3A_362 = arith.mulf %dot_general3A_361, %dot_general3A_282 : vector<1000x32xf32>
    %mul3A_363 = arith.constant 3.000000e+00 : f32
    %mul3A_364 = vector.broadcast %mul3A_363 : f32 to vector<1000x32xf32>
    %mul3A_365 = arith.mulf %mul3A_364, %mul3A_290 : vector<1000x32xf32>
    %mul3A_366 = arith.mulf %mul3A_365, %mul3A_290 : vector<1000x32xf32>
    %mul3A_367 = arith.mulf %mul3A_298, %mul3A_298 : vector<1000x32xf32>
    %mul3A_368 = arith.mulf %mul3A_306, %mul3A_306 : vector<1000x32xf32>
    %add3A_369 = arith.addf %mul3A_367, %mul3A_368 : vector<1000x32xf32>
    %mul3A_370 = arith.mulf %mul3A_314, %mul3A_314 : vector<1000x32xf32>
    %add3A_371 = arith.addf %add3A_369, %mul3A_370 : vector<1000x32xf32>
    %mul3A_372 = arith.constant 2.000000e+00 : f32
    %mul3A_373 = vector.broadcast %mul3A_372 : f32 to vector<1000x32xf32>
    %mul3A_374 = arith.mulf %mul3A_373, %add3A_371 : vector<1000x32xf32>
    %mul3A_375 = arith.mulf %mul3A_322, %mul3A_322 : vector<1000x32xf32>
    %mul3A_376 = arith.mulf %mul3A_330, %mul3A_330 : vector<1000x32xf32>
    %add3A_377 = arith.addf %mul3A_375, %mul3A_376 : vector<1000x32xf32>
    %mul3A_378 = arith.mulf %mul3A_338, %mul3A_338 : vector<1000x32xf32>
    %add3A_379 = arith.addf %add3A_377, %mul3A_378 : vector<1000x32xf32>
    %mul3A_380 = arith.mulf %mul3A_346, %mul3A_346 : vector<1000x32xf32>
    %mul3A_381 = arith.mulf %mul3A_354, %mul3A_354 : vector<1000x32xf32>
    %add3A_382 = arith.addf %mul3A_380, %mul3A_381 : vector<1000x32xf32>
    %mul3A_383 = arith.mulf %mul3A_362, %mul3A_362 : vector<1000x32xf32>
    %add3A_384 = arith.addf %add3A_382, %mul3A_383 : vector<1000x32xf32>
    %mul3A_385 = arith.constant 2.000000e+00 : f32
    %mul3A_386 = vector.broadcast %mul3A_385 : f32 to vector<1000x32xf32>
    %mul3A_387 = arith.mulf %mul3A_386, %add3A_384 : vector<1000x32xf32>
    %add3A_388 = arith.addf %add3A_379, %mul3A_387 : vector<1000x32xf32>
    %concatenate3A_389 = tpu.concatenate %mul3A_366, %mul3A_374, %add3A_388 in 1 : vector<1000x32xf32>, vector<1000x32xf32>, vector<1000x32xf32> -> vector<1000x96xf32>
    %get3A_390 = arith.constant 0 : index
    %get3A_391 = arith.constant 0 : index
    %get3A_392 = vector.load %arg14[%get3A_390, %get3A_391] : memref<1x96xf32, #tpu.memory_space<vmem>>, vector<1x96xf32>
    %get3A_393 = arith.constant 0 : index
    %get3A_394 = arith.constant 0 : index
    %get3A_395 = vector.load %arg15[%get3A_393, %get3A_394] : memref<1x96xf32, #tpu.memory_space<vmem>>, vector<1x96xf32>
    %reduce_sum3A_396 = arith.constant dense<0.000000e+00> : vector<1000xf32>
    %reduce_sum3A_397 = vector.multi_reduction <add>, %concatenate3A_389, %reduce_sum3A_396 [1] : vector<1000x96xf32> to vector<1000xf32>
    %broadcast_in_dim3A_398 = vector.shape_cast %reduce_sum3A_397 : vector<1000xf32> to vector<1000x1xf32>
    %div3A_399 = arith.constant 9.600000e+01 : f32
    %div3A_400 = vector.broadcast %div3A_399 : f32 to vector<1000x1xf32>
    %div3A_401 = arith.divf %broadcast_in_dim3A_398, %div3A_400 : vector<1000x1xf32>
    %sub3A_402 = vector.broadcast %div3A_401 : vector<1000x1xf32> to vector<1000x96xf32>
    %sub3A_403 = arith.subf %concatenate3A_389, %sub3A_402 : vector<1000x96xf32>
    %mul3A_404 = arith.mulf %sub3A_403, %sub3A_403 : vector<1000x96xf32>
    %reduce_sum3A_405 = arith.constant dense<0.000000e+00> : vector<1000xf32>
    %reduce_sum3A_406 = vector.multi_reduction <add>, %mul3A_404, %reduce_sum3A_405 [1] : vector<1000x96xf32> to vector<1000xf32>
    %broadcast_in_dim3A_407 = vector.shape_cast %reduce_sum3A_406 : vector<1000xf32> to vector<1000x1xf32>
    %div3A_408 = arith.constant 9.600000e+01 : f32
    %div3A_409 = vector.broadcast %div3A_408 : f32 to vector<1000x1xf32>
    %div3A_410 = arith.divf %broadcast_in_dim3A_407, %div3A_409 : vector<1000x1xf32>
    %add3A_411 = arith.constant 9.99999974E-6 : f32
    %add3A_412 = vector.broadcast %add3A_411 : f32 to vector<1000x1xf32>
    %add3A_413 = arith.addf %div3A_410, %add3A_412 : vector<1000x1xf32>
    %rsqrt3A_414 = math.rsqrt %add3A_413 : vector<1000x1xf32>
    %mul3A_415 = arith.constant 5.000000e-01 : f32
    %mul3A_416 = vector.broadcast %mul3A_415 : f32 to vector<1000x1xf32>
    %mul3A_417 = arith.mulf %mul3A_416, %add3A_413 : vector<1000x1xf32>
    %mul3A_418 = arith.mulf %mul3A_417, %rsqrt3A_414 : vector<1000x1xf32>
    %mul3A_419 = arith.mulf %mul3A_418, %rsqrt3A_414 : vector<1000x1xf32>
    %sub3A_420 = arith.constant 1.500000e+00 : f32
    %sub3A_421 = vector.broadcast %sub3A_420 : f32 to vector<1000x1xf32>
    %sub3A_422 = arith.subf %sub3A_421, %mul3A_419 : vector<1000x1xf32>
    %mul3A_423 = arith.mulf %rsqrt3A_414, %sub3A_422 : vector<1000x1xf32>
    %mul3A_424 = vector.broadcast %mul3A_423 : vector<1000x1xf32> to vector<1000x96xf32>
    %mul3A_425 = arith.mulf %sub3A_403, %mul3A_424 : vector<1000x96xf32>
    %mul3A_426 = vector.broadcast %get3A_392 : vector<1x96xf32> to vector<1000x96xf32>
    %mul3A_427 = arith.mulf %mul3A_425, %mul3A_426 : vector<1000x96xf32>
    %add3A_428 = vector.broadcast %get3A_395 : vector<1x96xf32> to vector<1000x96xf32>
    %add3A_429 = arith.addf %mul3A_427, %add3A_428 : vector<1000x96xf32>
    %get3A_430 = arith.constant 0 : index
    %get3A_431 = arith.constant 0 : index
    %get3A_432 = vector.load %arg16[%get3A_430, %get3A_431] : memref<96x32xf32, #tpu.memory_space<vmem>>, vector<96x32xf32>
    %convert_element_type3A_433 = arith.truncf %add3A_429 : vector<1000x96xf32> to vector<1000x96xbf16>
    %convert_element_type3A_434 = arith.truncf %get3A_432 : vector<96x32xf32> to vector<96x32xbf16>
    %dot_general3A_435 = arith.constant dense<0.000000e+00> : vector<1000x32xf32>
    %dot_general3A_436 = tpu.matmul %convert_element_type3A_433, %convert_element_type3A_434, %dot_general3A_435 {dimension_numbers = #tpu.dot_dimension_numbers<[1], [0], [0], [1], [0, 0, 1, 1], [], []>, transpose_lhs_hint = false} : vector<1000x96xbf16>, vector<96x32xbf16>, vector<1000x32xf32> -> vector<1000x32xf32>
    %get3A_437 = arith.constant 0 : index
    %get3A_438 = arith.constant 0 : index
    %get3A_439 = vector.load %arg17[%get3A_437, %get3A_438] : memref<1x32xf32, #tpu.memory_space<vmem>>, vector<1x32xf32>
    %add3A_440 = vector.broadcast %get3A_439 : vector<1x32xf32> to vector<1000x32xf32>
    %add3A_441 = arith.addf %dot_general3A_436, %add3A_440 : vector<1000x32xf32>
    %neg3A_442 = arith.constant 0.000000e+00 : f32
    %neg3A_443 = vector.broadcast %neg3A_442 : f32 to vector<1000x32xf32>
    %neg3A_444 = arith.subf %neg3A_443, %add3A_441 : vector<1000x32xf32>
    %jit3A_445 = arith.constant -8.700000e+01 : f32
    %jit3A_446 = arith.constant 8.800000e+01 : f32
    %max3A_447 = vector.broadcast %jit3A_445 : f32 to vector<1000x32xf32>
    %max3A_448 = arith.maximumf %max3A_447, %neg3A_444 : vector<1000x32xf32>
    %min3A_449 = vector.broadcast %jit3A_446 : f32 to vector<1000x32xf32>
    %min3A_450 = arith.minimumf %min3A_449, %max3A_448 : vector<1000x32xf32>
    %mul3A_451 = arith.constant 1.44269502 : f32
    %mul3A_452 = vector.broadcast %mul3A_451 : f32 to vector<1000x32xf32>
    %mul3A_453 = arith.mulf %min3A_450, %mul3A_452 : vector<1000x32xf32>
    %add3A_454 = arith.constant 5.000000e-01 : f32
    %add3A_455 = vector.broadcast %add3A_454 : f32 to vector<1000x32xf32>
    %add3A_456 = arith.addf %mul3A_453, %add3A_455 : vector<1000x32xf32>
    %floor3A_457 = math.floor %add3A_456 : vector<1000x32xf32>
    %mul3A_458 = arith.constant 0.693359375 : f32
    %mul3A_459 = vector.broadcast %mul3A_458 : f32 to vector<1000x32xf32>
    %mul3A_460 = arith.mulf %floor3A_457, %mul3A_459 : vector<1000x32xf32>
    %sub3A_461 = arith.subf %min3A_450, %mul3A_460 : vector<1000x32xf32>
    %mul3A_462 = arith.constant -2.12194442E-4 : f32
    %mul3A_463 = vector.broadcast %mul3A_462 : f32 to vector<1000x32xf32>
    %mul3A_464 = arith.mulf %floor3A_457, %mul3A_463 : vector<1000x32xf32>
    %sub3A_465 = arith.subf %sub3A_461, %mul3A_464 : vector<1000x32xf32>
    %mul3A_466 = arith.constant 1.98412701E-4 : f32
    %mul3A_467 = vector.broadcast %mul3A_466 : f32 to vector<1000x32xf32>
    %mul3A_468 = arith.mulf %sub3A_465, %mul3A_467 : vector<1000x32xf32>
    %add3A_469 = arith.constant 0.00138888892 : f32
    %add3A_470 = vector.broadcast %add3A_469 : f32 to vector<1000x32xf32>
    %add3A_471 = arith.addf %add3A_470, %mul3A_468 : vector<1000x32xf32>
    %mul3A_472 = arith.mulf %sub3A_465, %add3A_471 : vector<1000x32xf32>
    %add3A_473 = arith.constant 0.00833333377 : f32
    %add3A_474 = vector.broadcast %add3A_473 : f32 to vector<1000x32xf32>
    %add3A_475 = arith.addf %add3A_474, %mul3A_472 : vector<1000x32xf32>
    %mul3A_476 = arith.mulf %sub3A_465, %add3A_475 : vector<1000x32xf32>
    %add3A_477 = arith.constant 0.0416666679 : f32
    %add3A_478 = vector.broadcast %add3A_477 : f32 to vector<1000x32xf32>
    %add3A_479 = arith.addf %add3A_478, %mul3A_476 : vector<1000x32xf32>
    %mul3A_480 = arith.mulf %sub3A_465, %add3A_479 : vector<1000x32xf32>
    %add3A_481 = arith.constant 0.166666672 : f32
    %add3A_482 = vector.broadcast %add3A_481 : f32 to vector<1000x32xf32>
    %add3A_483 = arith.addf %add3A_482, %mul3A_480 : vector<1000x32xf32>
    %mul3A_484 = arith.mulf %sub3A_465, %add3A_483 : vector<1000x32xf32>
    %add3A_485 = arith.constant 5.000000e-01 : f32
    %add3A_486 = vector.broadcast %add3A_485 : f32 to vector<1000x32xf32>
    %add3A_487 = arith.addf %add3A_486, %mul3A_484 : vector<1000x32xf32>
    %mul3A_488 = arith.mulf %sub3A_465, %add3A_487 : vector<1000x32xf32>
    %add3A_489 = arith.constant 1.000000e+00 : f32
    %add3A_490 = vector.broadcast %add3A_489 : f32 to vector<1000x32xf32>
    %add3A_491 = arith.addf %add3A_490, %mul3A_488 : vector<1000x32xf32>
    %mul3A_492 = arith.mulf %sub3A_465, %add3A_491 : vector<1000x32xf32>
    %add3A_493 = arith.constant 1.000000e+00 : f32
    %add3A_494 = vector.broadcast %add3A_493 : f32 to vector<1000x32xf32>
    %add3A_495 = arith.addf %add3A_494, %mul3A_492 : vector<1000x32xf32>
    %convert_element_type3A_496 = arith.fptosi %floor3A_457 : vector<1000x32xf32> to vector<1000x32xi32>
    %add3A_497 = arith.constant 127 : i32
    %add3A_498 = vector.broadcast %add3A_497 : i32 to vector<1000x32xi32>
    %add3A_499 = arith.addi %convert_element_type3A_496, %add3A_498 : vector<1000x32xi32>
    %shift_left3A_500 = arith.constant 23 : i32
    %shift_left3A_501 = vector.broadcast %shift_left3A_500 : i32 to vector<1000x32xi32>
    %shift_left3A_502 = arith.shli %add3A_499, %shift_left3A_501 : vector<1000x32xi32>
    %bitcast_convert_type3A_503 = tpu.bitcast %shift_left3A_502 : vector<1000x32xi32> -> vector<1000x32xf32>
    %mul3A_504 = arith.mulf %add3A_495, %bitcast_convert_type3A_503 : vector<1000x32xf32>
    %add3A_505 = arith.constant 1.000000e+00 : f32
    %add3A_506 = vector.broadcast %add3A_505 : f32 to vector<1000x32xf32>
    %add3A_507 = arith.addf %add3A_506, %mul3A_504 : vector<1000x32xf32>
    %rsqrt3A_508 = math.rsqrt %add3A_507 : vector<1000x32xf32>
    %mul3A_509 = arith.constant 5.000000e-01 : f32
    %mul3A_510 = vector.broadcast %mul3A_509 : f32 to vector<1000x32xf32>
    %mul3A_511 = arith.mulf %mul3A_510, %add3A_507 : vector<1000x32xf32>
    %mul3A_512 = arith.mulf %mul3A_511, %rsqrt3A_508 : vector<1000x32xf32>
    %mul3A_513 = arith.mulf %mul3A_512, %rsqrt3A_508 : vector<1000x32xf32>
    %sub3A_514 = arith.constant 1.500000e+00 : f32
    %sub3A_515 = vector.broadcast %sub3A_514 : f32 to vector<1000x32xf32>
    %sub3A_516 = arith.subf %sub3A_515, %mul3A_513 : vector<1000x32xf32>
    %mul3A_517 = arith.mulf %rsqrt3A_508, %sub3A_516 : vector<1000x32xf32>
    %mul3A_518 = arith.mulf %mul3A_517, %mul3A_517 : vector<1000x32xf32>
    %mul3A_519 = arith.mulf %add3A_441, %mul3A_518 : vector<1000x32xf32>
    %get3A_520 = arith.constant 0 : index
    %get3A_521 = arith.constant 0 : index
    %get3A_522 = vector.load %arg18[%get3A_520, %get3A_521] : memref<32x16xf32, #tpu.memory_space<vmem>>, vector<32x16xf32>
    %convert_element_type3A_523 = arith.truncf %mul3A_519 : vector<1000x32xf32> to vector<1000x32xbf16>
    %convert_element_type3A_524 = arith.truncf %get3A_522 : vector<32x16xf32> to vector<32x16xbf16>
    %dot_general3A_525 = arith.constant dense<0.000000e+00> : vector<1000x16xf32>
    %dot_general3A_526 = tpu.matmul %convert_element_type3A_523, %convert_element_type3A_524, %dot_general3A_525 {dimension_numbers = #tpu.dot_dimension_numbers<[1], [0], [0], [1], [0, 0, 1, 1], [], []>, transpose_lhs_hint = false} : vector<1000x32xbf16>, vector<32x16xbf16>, vector<1000x16xf32> -> vector<1000x16xf32>
    %get3A_527 = arith.constant 0 : index
    %get3A_528 = arith.constant 0 : index
    %get3A_529 = vector.load %arg19[%get3A_527, %get3A_528] : memref<1x16xf32, #tpu.memory_space<vmem>>, vector<1x16xf32>
    %add3A_530 = vector.broadcast %get3A_529 : vector<1x16xf32> to vector<1000x16xf32>
    %add3A_531 = arith.addf %dot_general3A_526, %add3A_530 : vector<1000x16xf32>
    %neg3A_532 = arith.constant 0.000000e+00 : f32
    %neg3A_533 = vector.broadcast %neg3A_532 : f32 to vector<1000x16xf32>
    %neg3A_534 = arith.subf %neg3A_533, %add3A_531 : vector<1000x16xf32>
    %jit3A_535 = arith.constant -8.700000e+01 : f32
    %jit3A_536 = arith.constant 8.800000e+01 : f32
    %max3A_537 = vector.broadcast %jit3A_535 : f32 to vector<1000x16xf32>
    %max3A_538 = arith.maximumf %max3A_537, %neg3A_534 : vector<1000x16xf32>
    %min3A_539 = vector.broadcast %jit3A_536 : f32 to vector<1000x16xf32>
    %min3A_540 = arith.minimumf %min3A_539, %max3A_538 : vector<1000x16xf32>
    %mul3A_541 = arith.constant 1.44269502 : f32
    %mul3A_542 = vector.broadcast %mul3A_541 : f32 to vector<1000x16xf32>
    %mul3A_543 = arith.mulf %min3A_540, %mul3A_542 : vector<1000x16xf32>
    %add3A_544 = arith.constant 5.000000e-01 : f32
    %add3A_545 = vector.broadcast %add3A_544 : f32 to vector<1000x16xf32>
    %add3A_546 = arith.addf %mul3A_543, %add3A_545 : vector<1000x16xf32>
    %floor3A_547 = math.floor %add3A_546 : vector<1000x16xf32>
    %mul3A_548 = arith.constant 0.693359375 : f32
    %mul3A_549 = vector.broadcast %mul3A_548 : f32 to vector<1000x16xf32>
    %mul3A_550 = arith.mulf %floor3A_547, %mul3A_549 : vector<1000x16xf32>
    %sub3A_551 = arith.subf %min3A_540, %mul3A_550 : vector<1000x16xf32>
    %mul3A_552 = arith.constant -2.12194442E-4 : f32
    %mul3A_553 = vector.broadcast %mul3A_552 : f32 to vector<1000x16xf32>
    %mul3A_554 = arith.mulf %floor3A_547, %mul3A_553 : vector<1000x16xf32>
    %sub3A_555 = arith.subf %sub3A_551, %mul3A_554 : vector<1000x16xf32>
    %mul3A_556 = arith.constant 1.98412701E-4 : f32
    %mul3A_557 = vector.broadcast %mul3A_556 : f32 to vector<1000x16xf32>
    %mul3A_558 = arith.mulf %sub3A_555, %mul3A_557 : vector<1000x16xf32>
    %add3A_559 = arith.constant 0.00138888892 : f32
    %add3A_560 = vector.broadcast %add3A_559 : f32 to vector<1000x16xf32>
    %add3A_561 = arith.addf %add3A_560, %mul3A_558 : vector<1000x16xf32>
    %mul3A_562 = arith.mulf %sub3A_555, %add3A_561 : vector<1000x16xf32>
    %add3A_563 = arith.constant 0.00833333377 : f32
    %add3A_564 = vector.broadcast %add3A_563 : f32 to vector<1000x16xf32>
    %add3A_565 = arith.addf %add3A_564, %mul3A_562 : vector<1000x16xf32>
    %mul3A_566 = arith.mulf %sub3A_555, %add3A_565 : vector<1000x16xf32>
    %add3A_567 = arith.constant 0.0416666679 : f32
    %add3A_568 = vector.broadcast %add3A_567 : f32 to vector<1000x16xf32>
    %add3A_569 = arith.addf %add3A_568, %mul3A_566 : vector<1000x16xf32>
    %mul3A_570 = arith.mulf %sub3A_555, %add3A_569 : vector<1000x16xf32>
    %add3A_571 = arith.constant 0.166666672 : f32
    %add3A_572 = vector.broadcast %add3A_571 : f32 to vector<1000x16xf32>
    %add3A_573 = arith.addf %add3A_572, %mul3A_570 : vector<1000x16xf32>
    %mul3A_574 = arith.mulf %sub3A_555, %add3A_573 : vector<1000x16xf32>
    %add3A_575 = arith.constant 5.000000e-01 : f32
    %add3A_576 = vector.broadcast %add3A_575 : f32 to vector<1000x16xf32>
    %add3A_577 = arith.addf %add3A_576, %mul3A_574 : vector<1000x16xf32>
    %mul3A_578 = arith.mulf %sub3A_555, %add3A_577 : vector<1000x16xf32>
    %add3A_579 = arith.constant 1.000000e+00 : f32
    %add3A_580 = vector.broadcast %add3A_579 : f32 to vector<1000x16xf32>
    %add3A_581 = arith.addf %add3A_580, %mul3A_578 : vector<1000x16xf32>
    %mul3A_582 = arith.mulf %sub3A_555, %add3A_581 : vector<1000x16xf32>
    %add3A_583 = arith.constant 1.000000e+00 : f32
    %add3A_584 = vector.broadcast %add3A_583 : f32 to vector<1000x16xf32>
    %add3A_585 = arith.addf %add3A_584, %mul3A_582 : vector<1000x16xf32>
    %convert_element_type3A_586 = arith.fptosi %floor3A_547 : vector<1000x16xf32> to vector<1000x16xi32>
    %add3A_587 = arith.constant 127 : i32
    %add3A_588 = vector.broadcast %add3A_587 : i32 to vector<1000x16xi32>
    %add3A_589 = arith.addi %convert_element_type3A_586, %add3A_588 : vector<1000x16xi32>
    %shift_left3A_590 = arith.constant 23 : i32
    %shift_left3A_591 = vector.broadcast %shift_left3A_590 : i32 to vector<1000x16xi32>
    %shift_left3A_592 = arith.shli %add3A_589, %shift_left3A_591 : vector<1000x16xi32>
    %bitcast_convert_type3A_593 = tpu.bitcast %shift_left3A_592 : vector<1000x16xi32> -> vector<1000x16xf32>
    %mul3A_594 = arith.mulf %add3A_585, %bitcast_convert_type3A_593 : vector<1000x16xf32>
    %add3A_595 = arith.constant 1.000000e+00 : f32
    %add3A_596 = vector.broadcast %add3A_595 : f32 to vector<1000x16xf32>
    %add3A_597 = arith.addf %add3A_596, %mul3A_594 : vector<1000x16xf32>
    %rsqrt3A_598 = math.rsqrt %add3A_597 : vector<1000x16xf32>
    %mul3A_599 = arith.constant 5.000000e-01 : f32
    %mul3A_600 = vector.broadcast %mul3A_599 : f32 to vector<1000x16xf32>
    %mul3A_601 = arith.mulf %mul3A_600, %add3A_597 : vector<1000x16xf32>
    %mul3A_602 = arith.mulf %mul3A_601, %rsqrt3A_598 : vector<1000x16xf32>
    %mul3A_603 = arith.mulf %mul3A_602, %rsqrt3A_598 : vector<1000x16xf32>
    %sub3A_604 = arith.constant 1.500000e+00 : f32
    %sub3A_605 = vector.broadcast %sub3A_604 : f32 to vector<1000x16xf32>
    %sub3A_606 = arith.subf %sub3A_605, %mul3A_603 : vector<1000x16xf32>
    %mul3A_607 = arith.mulf %rsqrt3A_598, %sub3A_606 : vector<1000x16xf32>
    %mul3A_608 = arith.mulf %mul3A_607, %mul3A_607 : vector<1000x16xf32>
    %mul3A_609 = arith.mulf %add3A_531, %mul3A_608 : vector<1000x16xf32>
    %get3A_610 = arith.constant 0 : index
    %get3A_611 = arith.constant 0 : index
    %get3A_612 = vector.load %arg20[%get3A_610, %get3A_611] : memref<16x1xf32, #tpu.memory_space<vmem>>, vector<16x1xf32>
    %convert_element_type3A_613 = arith.truncf %mul3A_609 : vector<1000x16xf32> to vector<1000x16xbf16>
    %convert_element_type3A_614 = arith.truncf %get3A_612 : vector<16x1xf32> to vector<16x1xbf16>
    %dot_general3A_615 = arith.constant dense<0.000000e+00> : vector<1000x1xf32>
    %dot_general3A_616 = tpu.matmul %convert_element_type3A_613, %convert_element_type3A_614, %dot_general3A_615 {dimension_numbers = #tpu.dot_dimension_numbers<[1], [0], [0], [1], [0, 0, 1, 1], [], []>, transpose_lhs_hint = false} : vector<1000x16xbf16>, vector<16x1xbf16>, vector<1000x1xf32> -> vector<1000x1xf32>
    %get3A_617 = arith.constant 0 : index
    %get3A_618 = arith.constant 0 : index
    %get3A_619 = vector.load %arg21[%get3A_617, %get3A_618] : memref<1x1xf32, #tpu.memory_space<vmem>>, vector<1x1xf32>
    %add3A_620 = vector.broadcast %get3A_619 : vector<1x1xf32> to vector<1000x1xf32>
    %add3A_621 = arith.addf %dot_general3A_616, %add3A_620 : vector<1000x1xf32>
    %swap3A = arith.constant 0 : index
    %swap3A_622 = arith.constant 0 : index
    %swap3A_623 = vector.load %arg22[%swap3A, %swap3A_622] : memref<1000x1xf32, #tpu.memory_space<vmem>>, vector<1000x1xf32>
    tpu.vector_store %arg22[%swap3A, %swap3A_622], %add3A_621 {strides = array<i32>} : memref<1000x1xf32, #tpu.memory_space<vmem>>, vector<1000x1xf32>,
    return
  }
  func.func @transform_0(%arg0: i32) -> (i32, i32) {
    %c0_i32 = arith.constant 0 : i32
    %c0_i32_0 = arith.constant 0 : i32
    return %arg0, %c0_i32 : i32, i32
  }
  func.func @transform_1(%arg0: i32) -> (i32, i32) {
    %c0_i32 = arith.constant 0 : i32
    %c0_i32_0 = arith.constant 0 : i32
    return %arg0, %c0_i32 : i32, i32
  }
  func.func @transform_2(%arg0: i32) -> (i32, i32) {
    %c0_i32 = arith.constant 0 : i32
    %c0_i32_0 = arith.constant 0 : i32
    return %arg0, %c0_i32 : i32, i32
  }
  func.func @transform_3(%arg0: i32) -> (i32, i32) {
    %c0_i32 = arith.constant 0 : i32
    %c0_i32_0 = arith.constant 0 : i32
    return %arg0, %c0_i32 : i32, i32
  }
  func.func @transform_4(%arg0: i32) -> (i32, i32) {
    %c0_i32 = arith.constant 0 : i32
    %c0_i32_0 = arith.constant 0 : i32
    %c0_i32_1 = arith.constant 0 : i32
    return %c0_i32, %c0_i32_0 : i32, i32
  }
  func.func @transform_5(%arg0: i32) -> (i32, i32) {
    %c0_i32 = arith.constant 0 : i32
    %c0_i32_0 = arith.constant 0 : i32
    %c0_i32_1 = arith.constant 0 : i32
    return %c0_i32, %c0_i32_0 : i32, i32
  }
  func.func @transform_6(%arg0: i32) -> (i32, i32) {
    %c0_i32 = arith.constant 0 : i32
    %c0_i32_0 = arith.constant 0 : i32
    %c0_i32_1 = arith.constant 0 : i32
    return %c0_i32, %c0_i32_0 : i32, i32
  }
  func.func @transform_7(%arg0: i32) -> (i32, i32) {
    %c0_i32 = arith.constant 0 : i32
    %c0_i32_0 = arith.constant 0 : i32
    %c0_i32_1 = arith.constant 0 : i32
    return %c0_i32, %c0_i32_0 : i32, i32
  }
  func.func @transform_8(%arg0: i32) -> (i32, i32) {
    %c0_i32 = arith.constant 0 : i32
    %c0_i32_0 = arith.constant 0 : i32
    %c0_i32_1 = arith.constant 0 : i32
    return %c0_i32, %c0_i32_0 : i32, i32
  }
  func.func @transform_9(%arg0: i32) -> (i32, i32) {
    %c0_i32 = arith.constant 0 : i32
    %c0_i32_0 = arith.constant 0 : i32
    %c0_i32_1 = arith.constant 0 : i32
    return %c0_i32, %c0_i32_0 : i32, i32
  }
  func.func @transform_10(%arg0: i32) -> (i32, i32) {
    %c0_i32 = arith.constant 0 : i32
    %c0_i32_0 = arith.constant 0 : i32
    %c0_i32_1 = arith.constant 0 : i32
    return %c0_i32, %c0_i32_0 : i32, i32
  }
  func.func @transform_11(%arg0: i32) -> (i32, i32) {
    %c0_i32 = arith.constant 0 : i32
    %c0_i32_0 = arith.constant 0 : i32
    %c0_i32_1 = arith.constant 0 : i32
    return %c0_i32, %c0_i32_0 : i32, i32
  }
  func.func @transform_12(%arg0: i32) -> (i32, i32) {
    %c0_i32 = arith.constant 0 : i32
    %c0_i32_0 = arith.constant 0 : i32
    %c0_i32_1 = arith.constant 0 : i32
    return %c0_i32, %c0_i32_0 : i32, i32
  }
  func.func @transform_13(%arg0: i32) -> (i32, i32) {
    %c0_i32 = arith.constant 0 : i32
    %c0_i32_0 = arith.constant 0 : i32
    %c0_i32_1 = arith.constant 0 : i32
    return %c0_i32, %c0_i32_0 : i32, i32
  }
  func.func @transform_14(%arg0: i32) -> (i32, i32) {
    %c0_i32 = arith.constant 0 : i32
    %c0_i32_0 = arith.constant 0 : i32
    %c0_i32_1 = arith.constant 0 : i32
    return %c0_i32, %c0_i32_0 : i32, i32
  }
  func.func @transform_15(%arg0: i32) -> (i32, i32) {
    %c0_i32 = arith.constant 0 : i32
    %c0_i32_0 = arith.constant 0 : i32
    %c0_i32_1 = arith.constant 0 : i32
    return %c0_i32, %c0_i32_0 : i32, i32
  }
  func.func @transform_16(%arg0: i32) -> (i32, i32) {
    %c0_i32 = arith.constant 0 : i32
    %c0_i32_0 = arith.constant 0 : i32
    %c0_i32_1 = arith.constant 0 : i32
    return %c0_i32, %c0_i32_0 : i32, i32
  }
  func.func @transform_17(%arg0: i32) -> (i32, i32) {
    %c0_i32 = arith.constant 0 : i32
    %c0_i32_0 = arith.constant 0 : i32
    %c0_i32_1 = arith.constant 0 : i32
    return %c0_i32, %c0_i32_0 : i32, i32
  }
  func.func @transform_18(%arg0: i32) -> (i32, i32) {
    %c0_i32 = arith.constant 0 : i32
    %c0_i32_0 = arith.constant 0 : i32
    %c0_i32_1 = arith.constant 0 : i32
    return %c0_i32, %c0_i32_0 : i32, i32
  }
  func.func @transform_19(%arg0: i32) -> (i32, i32) {
    %c0_i32 = arith.constant 0 : i32
    %c0_i32_0 = arith.constant 0 : i32
    %c0_i32_1 = arith.constant 0 : i32
    return %c0_i32, %c0_i32_0 : i32, i32
  }
  func.func @transform_20(%arg0: i32) -> (i32, i32) {
    %c0_i32 = arith.constant 0 : i32
    %c0_i32_0 = arith.constant 0 : i32
    %c0_i32_1 = arith.constant 0 : i32
    return %c0_i32, %c0_i32_0 : i32, i32
  }
  func.func @transform_21(%arg0: i32) -> (i32, i32) {
    %c0_i32 = arith.constant 0 : i32
    %c0_i32_0 = arith.constant 0 : i32
    return %arg0, %c0_i32 : i32, i32
  }
}

</mosaic_0001>

<sc_bundles>
// kernel: kernel.6.cloned.1.call-start
scs
__scs_entry_jumppad:
0x0: {  	(pc) =	sbr.rel $0x88, $3  }
0x1: {  	(tag) =	ssettag $0x0;
	lr =	simm.s32 $0x1  }
0x2: {  	[smem:$0x3F84] =	sst lr;
	_ =	strace $0xD0000000  }
0x3: {  	_ = 	snop  }
0x4: {  	_ = 	snop  }
0x5: {  	_ = 	snop  }
0x6: {  	_ = 	snop  }
0x7: {  	_ = 	snop  }
__scs_overlays_trampoline_lowered:
0x8: {  	[smem:$0x3F93] =	sst s0  }
0x9: {  	[smem:$0x3F94] =	sst s1  }
0xa: {  	[smem:$0x3F95] =	sst s2  }
0xb: {  	[smem:$0x3F96] =	sst s3  }
0xc: {  	[smem:$0x3F97] =	sst s4  }
0xd: {  	[smem:$0x3F98] =	sst s5  }
0xe: {  	[smem:$0x3F99] =	sst s6  }
0xf: {  	[smem:$0x3F9A] =	sst s7  }
0x10: {  	[smem:$0x3F9B] =	sst s8  }
0x11: {  	[smem:$0x3F9C] =	sst s9;
	s0 =	simm.s32 @!p0 $0x0  }
0x12: {  	s1 =	sld [smem:$0x3F82];
	s0 =	simm.s32 @p0 $0x1  }
0x13: {  	[smem:$0x3F9D] =	sst s0;
	s0 =	simm.s32 @!p1 $0x0  }
0x14: {  	s2 =	sld [smem:$0x3F81];
	s0 =	simm.s32 @p1 $0x1  }
0x15: {  	[smem:$0x3F9E] =	sst s0;
	s0 =	simm.s32 @!p2 $0x0  }
0x16: {  	s3 =	sld [smem:$0x3FDB];
	s0 =	simm.s32 @p2 $0x1  }
0x17: {  	s4 =	simm.s32 $0x1BF5;
	[smem:$0x3FA0] =	sst s0  }
0x18: {  	s0 =	sld [smem:$0x3F83];
	_ =	swait.ge [sflag:s4], $0x0  }
0x19: {  	s7 =	sld [smem:$0x3F84]  }
0x1a: {  	s8 =	sadd.s32 $0xFFFFE003, lr  }
0x1b: {  	s9 =	sadd.s32 $0xFFFFFEF7, lr;
	s5 =	simm.s32 $0xFFFFFFFF;
	p2 =	slt.u32 s8, $0xFFFFF086  }
0x1c: {  	p1 =	slt.u32 s9, $0xF7A;
	s5 =	simm.s32 @!p2 $0x0  }
0x1d: {  	s5 =	simm.s32 @p1 $0x1;
	p0 =	seq.s32 s7, s2  }
0x1e: {  	s7 =	smul.u32 @!p0 $0xF7A, s2;
	p2 =	seq.s32 @!p0 s5, $0x0  }
0x1f: {  	s9 =	smul.u32 $0xF7A, s1;
	s8 =	simm.s32 @!p0 $0x1BF5;
	p2 =	por !p2, p0  }
0x20: {  	[sflag:s8] =	ssyncset.s32 @!p0 $0xFFFFF086;
	s6 =	sadd.s32 @!p0 s3, s7;
	s7 =	simm.s32 @!p0 $0x108  }
0x21: {  	s3 =	sadd.s32 s3, s9;
	s6 =	sadd.s32 @!p0 $0x88, s6;
	s7 =	simm.s32 @p2 $0x1082  }
0x22: {  	[simem:s7], [sflag:s8] =	dma.local @!p0 [hbm:s6], $0xF7A  }
0x23: {  	s9 =	sor.u32 $0xD0000000, s2;
	s6 =	simm.s32 $0x108;
	_ =	swait.ge @!p0 [sflag:s8], $0x0  }
0x24: {  	s3 =	sadd.s32 $0x88, s3;
	s6 =	simm.s32 @!p1 $0x1082;
	[sflag:s4] =	ssyncset.s32 $0xFFFFF086  }
0x25: {  	[simem:s6], [sflag:s4] =	dma.local [hbm:s3], $0xF7A  }
0x26: {  	[smem:$0x3F84] =	sst s1;
	(tag) =	ssettag s2;
	_ =	strace s9  }
0x27: {  	s1 =	sld [smem:$0x3F94]  }
0x28: {  	s2 =	sld [smem:$0x3F95]  }
0x29: {  	s4 =	sld [smem:$0x3F97]  }
0x2a: {  	p0 =	seq.s32 s5, $0x0;
	s5 =	sld [smem:$0x3F98]  }
0x2b: {  	s6 =	sld [smem:$0x3F99]  }
0x2c: {  	s7 =	sld [smem:$0x3F9A]  }
0x2d: {  	s3 =	simm.s32 $0x108;
	s8 =	sld [smem:$0x3F9B]  }
0x2e: {  	s3 =	simm.s32 @!p0 $0x1082;
	s9 =	sld [smem:$0x3F9C]  }
0x2f: {  	lr =	sadd.s32 s0, s3;
	s0 =	sld [smem:$0x3F93]  }
0x30: {  	s3 =	sld [smem:$0x3F96]  }
0x31: {  	[smem:$0x3F9F] =	sst s10  }
0x32: {  	s10 =	sld [smem:$0x3F9D];
	_ =	sdelay $0x3  }
0x33: {  	p0 =	seq.s32 s10, $0x1;
	s10 =	sld [smem:$0x3F9F];
	_ =	sdelay $0x3  }
0x34: {  	[smem:$0x3F9F] =	sst s10  }
0x35: {  	s10 =	sld [smem:$0x3F9E];
	_ =	sdelay $0x3  }
0x36: {  	p1 =	seq.s32 s10, $0x1;
	s10 =	sld [smem:$0x3F9F];
	_ =	sdelay $0x3  }
0x37: {  	[smem:$0x3F9F] =	sst s10  }
0x38: {  	s10 =	sld [smem:$0x3FA0]  }
0x39: {  	_ = 	snop;
	(pc) =	sbr.ind lr, $3  }
0x3a: {  	_ = 	snop  }
0x3b: {  	_ = 	snop  }
0x3c: {  	p2 =	seq.s32 s10, $0x1;
	s10 =	sld [smem:$0x3F9F]  }
0x3d: {  	_ =	shalt  }
0x3e: {  	_ =	shalt  }
0x3f: {  	_ =	shalt  }
0x40: {  	_ =	shalt  }
0x41: {  	_ =	shalt  }
0x42: {  	_ =	shalt  }
0x43: {  	_ =	shalt  }
0x44: {  	_ =	shalt  }
0x45: {  	_ =	shalt  }
0x46: {  	_ =	shalt  }
0x47: {  	_ =	shalt  }
0x48: {  	_ =	shalt  }
0x49: {  	_ =	shalt  }
0x4a: {  	_ =	shalt  }
0x4b: {  	_ =	shalt  }
0x4c: {  	_ =	shalt  }
0x4d: {  	_ =	shalt  }
0x4e: {  	_ =	shalt  }
0x4f: {  	_ =	shalt  }
0x50: {  	_ =	shalt  }
0x51: {  	_ =	shalt  }
0x52: {  	_ =	shalt  }
0x53: {  	_ =	shalt  }
0x54: {  	_ =	shalt  }
0x55: {  	_ =	shalt  }
0x56: {  	_ =	shalt  }
0x57: {  	_ =	shalt  }
0x58: {  	_ =	shalt  }
0x59: {  	_ =	shalt  }
0x5a: {  	_ =	shalt  }
0x5b: {  	_ =	shalt  }
0x5c: {  	_ =	shalt  }
0x5d: {  	_ =	shalt  }
0x5e: {  	_ =	shalt  }
0x5f: {  	_ =	shalt  }
0x60: {  	_ =	shalt  }
0x61: {  	_ =	shalt  }
0x62: {  	_ =	shalt  }
0x63: {  	_ =	shalt  }
0x64: {  	_ =	shalt  }
0x65: {  	_ =	shalt  }
0x66: {  	_ =	shalt  }
0x67: {  	_ =	shalt  }
0x68: {  	_ =	shalt  }
0x69: {  	_ =	shalt  }
0x6a: {  	_ =	shalt  }
0x6b: {  	_ =	shalt  }
0x6c: {  	_ =	shalt  }
0x6d: {  	_ =	shalt  }
0x6e: {  	_ =	shalt  }
0x6f: {  	_ =	shalt  }
0x70: {  	_ =	shalt  }
0x71: {  	_ =	shalt  }
0x72: {  	_ =	shalt  }
0x73: {  	_ =	shalt  }
0x74: {  	_ =	shalt  }
0x75: {  	_ =	shalt  }
0x76: {  	_ =	shalt  }
0x77: {  	_ =	shalt  }
0x78: {  	_ =	shalt  }
0x79: {  	_ =	shalt  }
0x7a: {  	_ =	shalt  }
0x7b: {  	_ =	shalt  }
0x7c: {  	_ =	shalt  }
0x7d: {  	_ =	shalt  }
0x7e: {  	_ =	shalt  }
0x7f: {  	_ =	shalt  }
0x80: {  	_ =	shalt  }
0x81: {  	_ =	shalt  }
0x82: {  	_ =	shalt  }
0x83: {  	_ =	shalt  }
0x84: {  	_ =	shalt  }
0x85: {  	_ =	shalt  }
0x86: {  	_ =	shalt  }
0x87: {  	_ =	shalt  }
.Lfunc_end0:
.L_simem_size_0:
called_computation_lowered:
.L_overlay_start_0:
0x88: {  	s2 =	sld [smem:$0x3FD9]  }
0x89: {  	s3 =	sld [smem:$0x3FFE];
	_ =	sdelay $0x1  }
0x8a: {  	s1 =	srdreg.scid  }
0x8b: {  	s0 =	sand.u32 $0x1, s1  }
0x8c: {  	s17 =	sshll.u32 s0, $0xA;
	s2 =	sadd.s32 s3, s2  }
0x8d: {  	s2 =	sadd.s32 s2, s17  }
0x8e: {  	[smem:$0x3FAB] =	sst s2  }
0x8f: {  	_ = 	snop  }
0x90: {  	s2 =	sld [smem:$0x3FC9];
	(tm) =	ssettm $0x1  }
0x91: {  	s18 =	sld [smem:$0x3FFB];
	_ =	sdelay $0x3  }
0x92: {  	_ =	strace s18  }
0x93: {  	s3 =	sld [smem:$0x3FFC];
	_ =	sdelay $0x3  }
0x94: {  	_ =	strace s3  }
0x95: {  	s3 =	sld [smem:$0x3FFD];
	_ =	sdelay $0x3  }
0x96: {  	_ =	strace s3  }
0x97: {  	_ =	strace $0x8FFFFFFF  }
0x98: {  	s19 =	sld [smem:$0x3FDB];
	_ =	sdelay $0x1  }
0x99: {  	s4 =	simm.s32 $_scs_section_size  }
0x9a: {  	s5 =	simm.s32 $_size__tile_overlayer_lowered;
	s6 =	simm.s32 $_tile_overlayer_lowered  }
0x9b: {  	s22 =	simm.s32 $0x1BFF;
	s21 =	sshll.u32 s6, $0x1;
	s3 =	sadd.s32 s4, s19  }
0x9c: {  	s7 =	simm.s32 $0x0;
	s20 =	sshll.u32 s5, $0x1;
	s5 =	sadd.s32 s21, s3  }
0x9d: {  	[timem:s7], [sflag:s22] =	dma.local [hbm:s5], s20  }
0x9e: {  	_ =	swait.ge [sflag:s22], s20  }
0x9f: {  	s4 =	ssub.s32 $0x0, s20;
	[sflag:s22] =	ssyncset.done $0x0  }
0xa0: {  	[sflag:s22] =	ssyncadd.s32 s4;
	_ =	sdelay $0x1  }
0xa1: {  	s23 =	simm.s32 $0x1B8B  }
0xa2: {  	_ =	swait.ge [sflag:s23], $0x1  }
0xa3: {  	[sflag:s23] =	ssyncset.done $0x0  }
0xa4: {  	s25 =	simm.s32 $0x1B8E;
	s24 =	sld [smem:$0x3FFE];
	[sflag:s23] =	ssyncadd.s32 $0xFFFFFFFF  }
0xa5: {  	s26 =	simm.s32 $execute0_lowered;
	[smem:$0x3FD2] =	sst s25  }
0xa6: {  	s5 =	sshll.u32 s26, $0x1;
	_ =	strace $0x80000046;
	[dreg:$0x1] =	wrdreg $0xFFFFFFFF  }
0xa7: {  	s28 =	simm.s32 $_size_execute0_lowered;
	s3 =	sadd.s32 s3, s5;
	[dreg:$0x0] =	wrdreg $0x0  }
0xa8: {  	s5 =	sshll.u32 s28, $0x1;
	[dreg:$0x2] =	wrdreg s3  }
0xa9: {  	[dreg:$0x3] =	wrdreg s5  }
0xaa: {  	[dreg:$0x4] =	wrdreg $0xC0  }
0xab: {  	_ =	task [dreg:s7], $0x5FFFF  }
0xac: {  	[dreg:$0x1] =	wrdreg $0xFFFFFFFF  }
0xad: {  	[dreg:$0x0] =	wrdreg $0x60  }
0xae: {  	[dreg:$0x2] =	wrdreg s24  }
0xaf: {  	[dreg:$0x3] =	wrdreg s2  }
0xb0: {  	[dreg:$0x4] =	wrdreg $0x9  }
0xb1: {  	_ =	task.clear_ibuf [dreg:s7], $0x5FFFF;
	_ =	strace $0x90000046  }
0xb2: {  	s29 =	simm.s32 $0x9;
	_ =	strace $0x80000048  }
0xb3: {  	_ =	swait.ge [sflag:s29], $0x1  }
0xb4: {  	[sflag:s29] =	ssyncadd.s32 $0xFFFFFFFF  }
0xb5: {  	_ =	strace $0x90000048  }
0xb6: {  	_ =	sfence  }
0xb7: {  	s30 =	sld [smem:$0x0];
	_ =	sdelay $0x2  }
0xb8: {  	s31 =	sshll.u32 s1, $0xD;
	s1 =	sshrl.u32 s1, $0x2  }
0xb9: {  	s3 =	sand.u32 $0x4000, s31;
	s1 =	sadd.s32 s1, s30  }
0xba: {  	s0 =	sor.u32 s3, s0;
	s1 =	sshll.u32 s1, $0x11  }
0xbb: {  	s0 =	sor.u32 s1, s0  }
0xbc: {  	s0 =	sadd.s32 $0x8F2B, s0  }
0xbd: {  	[sflag:s0] =	ssyncadd.remote.s32 $0x1  }
0xbe: {  	_ =	sfence.sel $0xFFFF  }
0xbf: {  	[dreg:$0x0] =	wrdreg $0xFFFFFFFF;
	(pc) =	sbr.abs _section_cstart, $3  }
0xc0: {  	[dreg:$0x1] =	wrdreg $0xFFFFFFFF  }
0xc1: {  	_ =	task.clear_ibuf [dreg:s7], $0x2FFFF;
	_ =	strace $0x9FFFFFFF  }
0xc2: {  	(tm) =	ssettm $0x7FFFFFFF  }
0xc3: {  	_ =	shalt  }
tec
execute0_lowered:
.L_overlay_start_1:
0x0: {  	(tag) =	ssettag $0x1  }
0x1: {  	s7 =	rddreg [dreg:$0x0]  }
0x2: {  	s2 =	rddreg [dreg:$0x1]  }
0x3: {  	s0 =	rddreg [dreg:$0x2]  }
0x4: {  	s4 =	srdreg.scid;
	s1 =	stileid.u32;
	s3 =	simm.s32 $0x0  }
0x5: {  	s15 =	simm.s32 $0x1;
	s16 =	simm.s32 $0x2780;
	s17 =	simm.s32 $0x4F00  }
0x6: {  	s18 =	simm.s32 $0x7680;
	s19 =	simm.s32 $0x9E00;
	s20 =	simm.s32 $0xB200  }
0x7: {  	s21 =	simm.s32 $0xC600;
	s22 =	simm.s32 $0xDA00;
	s23 =	simm.s32 $0xEE00  }
0x8: {  	s24 =	simm.s32 $0x10200;
	s6 =	sand.u32 $0x1, s4;
	s30 =	sshll.u32 s1, $0x1  }
0x9: {  	s25 =	simm.s32 $0x11600;
	s26 =	simm.s32 $0x0;
	s4 =	sor.u32 s6, s30  }
0xa: {  	[smem:$0x7FF] =	sst s3;
	s9 =	ssub.s32 $0x2, s6;
	s8 =	smul.u32 $0x280, s4  }
0xb: {  	s5 =	sadd.s32 $0xEC00, s7;
	_ =	strace $0x80000047;
	s31 =	sshrl.u32 s9, $0x1  }
0xc: {  	s6 =	sadd.s32 $0xE600, s7;
	s14 =	ssub.s32 s9, s31;
	s13 =	sadd.s32 s8, s7  }
0xd: {  	s4 =	sadd.s32 $0xF200, s7;
	s14 =	smax.u32 s14, $0x1;
	s7 =	sadd.s32 $0x4600, s13  }
0xe: {  	s8 =	sadd.s32 $0xF800, s13;
	s9 =	sadd.s32 $0x14800, s13;
	s10 =	sadd.s32 $0x19800, s13  }
0xf: {  	s11 =	sadd.s32 $0x1E800, s13;
	s12 =	sadd.s32 $0x23800, s13;
	s13 =	sadd.s32 $0x28800, s13  }
.LBB2_1:
0x10: {  	[tilespmem:s3], [sflag:$0x1] =	stream.linear.gather [hbm4b:s4+s3], $0x2780, $0x38;
	[tilespmem:$0x12A00] =	vst v63  }
0x11: {  	_ =	swait.ge [sflag:s15], $0x2780  }
0x12: {  	[sflag:s15] =	ssyncset.done $0x0  }
0x13: {  	[sflag:s15] =	ssyncadd.s32 $0xFFFFD880  }
0x14: {  	[tilespmem:s16], [sflag:$0x1] =	stream.linear.gather [hbm4b:s5+s3], $0x2780, $0x38;
	[tilespmem:$0x12A00] =	vst v63  }
0x15: {  	_ =	swait.ge [sflag:s15], $0x2780  }
0x16: {  	[sflag:s15] =	ssyncset.done $0x0  }
0x17: {  	[sflag:s15] =	ssyncadd.s32 $0xFFFFD880  }
0x18: {  	[tilespmem:s17], [sflag:$0x1] =	stream.linear.gather [hbm4b:s6+s3], $0x2780, $0x38;
	[tilespmem:$0x12A00] =	vst v63  }
0x19: {  	_ =	swait.ge [sflag:s15], $0x2780  }
0x1a: {  	[sflag:s15] =	ssyncset.done $0x0  }
0x1b: {  	[sflag:s15] =	ssyncadd.s32 $0xFFFFD880  }
0x1c: {  	[tilespmem:s18], [sflag:$0x1] =	stream.linear.gather [hbm4b:s2+s3], $0x2780, $0x38;
	[tilespmem:$0x12A00] =	vst v63  }
0x1d: {  	_ =	swait.ge [sflag:s15], $0x2780  }
0x1e: {  	[sflag:s15] =	ssyncset.done $0x0  }
0x1f: {  	[sflag:s15] =	ssyncadd.s32 $0xFFFFD880  }
0x20: {  	[tilespmem:s19], [sflag:$0x1] =	stream.linear.gather [hbm4b:s7+s3], $0x1400, $0x38;
	[tilespmem:$0x12A00] =	vst v63  }
0x21: {  	_ =	swait.ge [sflag:s15], $0x1400  }
0x22: {  	[sflag:s15] =	ssyncset.done $0x0  }
0x23: {  	[sflag:s15] =	ssyncadd.s32 $0xFFFFEC00  }
0x24: {  	[tilespmem:s20], [sflag:$0x1] =	stream.linear.gather [hbm4b:s8+s3], $0x1400, $0x38;
	[tilespmem:$0x12A00] =	vst v63  }
0x25: {  	_ =	swait.ge [sflag:s15], $0x1400  }
0x26: {  	[sflag:s15] =	ssyncset.done $0x0  }
0x27: {  	s28 =	simm.s32 $0x0;
	[sflag:s15] =	ssyncadd.s32 $0xFFFFEC00  }
0x28: {  	v2 =	vld [tilespmem:s28+$0xB200]  }
0x29: {  	v0 =	vld [tilespmem:s28+$0x9E00];
	_ =	sdelay $0x6  }
0x2a: {  	v1 =	vld.idx.msk [tilespmem:v2+s3+$0x0], $0xffff  }
0x2b: {  	v3 =	vld.idx.msk [tilespmem:v0+s3+$0x0], $0xffff;
	_ =	sdelay $0x4  }
0x2c: {  	v1 =	vsub.f32 v3, v1;
	_ =	sdelay $0x1  }
0x2d: {  	[tilespmem:s28+$0xC600] =	vst v1  }
0x2e: {  	v1 =	vld.idx.msk [tilespmem:v0+s16+$0x0], $0xffff  }
0x2f: {  	v3 =	vld.idx.msk [tilespmem:v2+s16+$0x0], $0xffff;
	_ =	sdelay $0x4  }
0x30: {  	v1 =	vsub.f32 v1, v3;
	_ =	sdelay $0x1  }
0x31: {  	[tilespmem:s28+$0xDA00] =	vst v1  }
0x32: {  	v1 =	vld.idx.msk [tilespmem:v0+s17+$0x0], $0xffff  }
0x33: {  	v3 =	vld.idx.msk [tilespmem:v2+s17+$0x0], $0xffff;
	_ =	sdelay $0x4  }
0x34: {  	v1 =	vsub.f32 v1, v3;
	_ =	sdelay $0x1  }
0x35: {  	[tilespmem:s28+$0xEE00] =	vst v1  }
0x36: {  	v3 =	vld.idx.msk [tilespmem:v0+s18+$0x0], $0xffff;
	_ =	sdelay $0x2  }
0x37: {  	s30 =	simm.s32 $0x10  }
0x38: {  	v1 =	vld [tilespmem:s30+$0xB200]  }
0x39: {  	v0 =	vld [tilespmem:s30+$0x9E00];
	[tilespmem:s28+$0x10200] =	vst v3  }
0x3a: {  	s29 =	simm.s32 $0x80;
	v2 =	vld.idx.msk [tilespmem:v2+s18+$0x0], $0xffff  }
.LBB2_2:
0x3b: {  	p0 =	sne.s32 s29, $0x4FC0;
	_ =	sdelay $0x1  }
0x3c: {  	v3 =	vmov v1;
	_ =	sdelay $0x1  }
0x3d: {  	[tilespmem:s28+$0x11600] =	vst v2;
	s28 =	smov.u32 s30  }
0x3e: {  	v1 =	vld.idx.msk [tilespmem:v1+s3+$0x0], $0xffff  }
0x3f: {  	v2 =	vld.idx.msk [tilespmem:v0+s3+$0x0], $0xffff;
	_ =	sdelay $0x5  }
0x40: {  	v1 =	vsub.f32 v2, v1;
	_ =	sdelay $0x1  }
0x41: {  	[tilespmem:s28+$0xC600] =	vst v1  }
0x42: {  	v1 =	vld.idx.msk [tilespmem:v0+s16+$0x0], $0xffff  }
0x43: {  	v2 =	vld.idx.msk [tilespmem:v3+s16+$0x0], $0xffff;
	_ =	sdelay $0x5  }
0x44: {  	v1 =	vsub.f32 v1, v2;
	_ =	sdelay $0x1  }
0x45: {  	[tilespmem:s28+$0xDA00] =	vst v1  }
0x46: {  	v1 =	vld.idx.msk [tilespmem:v0+s17+$0x0], $0xffff  }
0x47: {  	v2 =	vld.idx.msk [tilespmem:v3+s17+$0x0], $0xffff;
	_ =	sdelay $0x5  }
0x48: {  	v1 =	vsub.f32 v1, v2;
	_ =	sdelay $0x1  }
0x49: {  	[tilespmem:s28+$0xEE00] =	vst v1  }
0x4a: {  	v2 =	vld.idx.msk [tilespmem:v0+s18+$0x0], $0xffff;
	_ =	sdelay $0x3  }
.Ltmp0:
0x4b: {  	s30 =	sshra.s32 s29, $0x2;
	(pc) =	sbr.rel @p0 .LBB2_2-.Ltmp0, $4  }
0x4c: {  	v0 =	vld [tilespmem:s30+$0x9E00]  }
0x4d: {  	v1 =	vld [tilespmem:s30+$0xB200];
	[tilespmem:s28+$0x10200] =	vst v2  }
0x4e: {  	v2 =	vld.idx.msk [tilespmem:v3+s18+$0x0], $0xffff  }
0x4f: {  	s29 =	sadd.s32 $0x40, s29  }
0x50: {  	_ =	sdelay $0x4  }
0x51: {  	[tilespmem:s28+$0x11600] =	vst v2  }
0x52: {  	v2 =	vld.idx.msk [tilespmem:v1+s3+$0x0], $0xffff  }
0x53: {  	v3 =	vld.idx.msk [tilespmem:v0+s3+$0x0], $0xffff;
	_ =	sdelay $0x4  }
0x54: {  	v2 =	vsub.f32 v3, v2;
	_ =	sdelay $0x1  }
0x55: {  	[tilespmem:s30+$0xC600] =	vst v2  }
0x56: {  	v2 =	vld.idx.msk [tilespmem:v0+s16+$0x0], $0xffff  }
0x57: {  	v61 =	vld.idx.msk [tilespmem:v1+s16+$0x0], $0xffff;
	_ =	sdelay $0x4  }
0x58: {  	v2 =	vsub.f32 v2, v61;
	_ =	sdelay $0x1  }
0x59: {  	[tilespmem:s30+$0xDA00] =	vst v2  }
0x5a: {  	v2 =	vld.idx.msk [tilespmem:v0+s17+$0x0], $0xffff  }
0x5b: {  	v62 =	vld.idx.msk [tilespmem:v1+s17+$0x0], $0xffff;
	_ =	sdelay $0x4  }
0x5c: {  	v2 =	vsub.f32 v2, v62;
	_ =	sdelay $0x1  }
0x5d: {  	[tilespmem:s30+$0xEE00] =	vst v2  }
0x5e: {  	v63 =	vld.idx.msk [tilespmem:v0+s18+$0x0], $0xffff;
	_ =	sdelay $0x4  }
0x5f: {  	[tilespmem:s30+$0x10200] =	vst v63  }
0x60: {  	v0 =	vld.idx.msk [tilespmem:v1+s18+$0x0], $0xffff;
	_ =	sdelay $0x4  }
0x61: {  	[tilespmem:s30+$0x11600] =	vst v0  }
0x62: {  	[hbm4b:s9+s3] =	stream.linear.scatter [tilespmem:s21], [sflag:$0x1], $0x1400, $0x38;
	[tilespmem:$0x12A00] =	vst v63  }
0x63: {  	_ =	swait.ge [sflag:s15], $0x1400  }
0x64: {  	[sflag:s15] =	ssyncset.done $0x0  }
0x65: {  	[sflag:s15] =	ssyncadd.s32 $0xFFFFEC00  }
0x66: {  	[hbm4b:s10+s3] =	stream.linear.scatter [tilespmem:s22], [sflag:$0x1], $0x1400, $0x38;
	[tilespmem:$0x12A00] =	vst v63  }
0x67: {  	_ =	swait.ge [sflag:s15], $0x1400  }
0x68: {  	[sflag:s15] =	ssyncset.done $0x0  }
0x69: {  	[sflag:s15] =	ssyncadd.s32 $0xFFFFEC00  }
0x6a: {  	[hbm4b:s11+s3] =	stream.linear.scatter [tilespmem:s23], [sflag:$0x1], $0x1400, $0x38;
	[tilespmem:$0x12A00] =	vst v63  }
0x6b: {  	_ =	swait.ge [sflag:s15], $0x1400  }
0x6c: {  	[sflag:s15] =	ssyncset.done $0x0  }
0x6d: {  	[sflag:s15] =	ssyncadd.s32 $0xFFFFEC00  }
0x6e: {  	[hbm4b:s12+s3] =	stream.linear.scatter [tilespmem:s24], [sflag:$0x1], $0x1400, $0x38;
	[tilespmem:$0x12A00] =	vst v63  }
0x6f: {  	s26 =	sadd.s32 $0x1, s26;
	_ =	swait.ge [sflag:s15], $0x1400  }
0x70: {  	p0 =	sne.s32 s26, s14;
	[sflag:s15] =	ssyncset.done $0x0  }
.Ltmp1:
0x71: {  	[sflag:s15] =	ssyncadd.s32 $0xFFFFEC00;
	(pc) =	sbr.rel @p0 .LBB2_1-.Ltmp1, $4  }
0x72: {  	[hbm4b:s13+s3] =	stream.linear.scatter [tilespmem:s25], [sflag:$0x1], $0x1400, $0x38;
	[tilespmem:$0x12A00] =	vst v63  }
0x73: {  	_ =	swait.ge [sflag:s15], $0x1400  }
0x74: {  	[sflag:s15] =	ssyncset.done $0x0  }
0x75: {  	[sflag:s15] =	ssyncadd.s32 $0xFFFFEC00  }
0x76: {  	_ =	sfence.sel $0x180000  }
0x77: {  	[bflag:$0x0] =	sbarrier.arrive $0xFFFF  }
0x78: {  	p0 =	sne.s32 s1, $0x0;
	_ =	strace $0x90000047  }
0x79: {  	s0 =	sadd.s32 @!p0 $0x100000, s0;
	[bflag:$0x2] =	sbarrier.arrive $0xFFFF  }
0x7a: {  	[sflag:s0] =	ssyncadd.tile.s32 @!p0 $0x1;
	_ =	shalt  }
.Lfunc_end2:
_tile_overlayer_lowered:
.L_overlay_start_2:
0x7b: {  	(tag) =	ssettag $0x2  }
0x7c: {  	s0 =	rddreg [dreg:$0x0];
	s2 =	stileid.u32  }
0x7d: {  	s1 =	rddreg [dreg:$0x1];
	p0 =	sne.s32 s2, $0x0  }
0x7e: {  	s3 =	rddreg [dreg:$0x2];
	[bflag:$0x3] =	sbarrier.arrive $0xFFFF;
	s2 =	simm.s32 @!p0 $0x1C01  }
0x7f: {  	[timem:s3], [sflag:s2] =	dma.local @!p0 [hbm:s0], s1  }
0x80: {  	s0 =	simm.s32 @!p0 $0x1  }
0x81: {  	_ =	swait.ge @!p0 [sflag:s0], s1  }
0x82: {  	s1 =	ssub.s32 @!p0 $0x0, s1;
	[sflag:s0] =	ssyncset.done @!p0 $0x0  }
0x83: {  	[sflag:s0] =	ssyncadd.s32 @!p0 s1  }
0x84: {  	[bflag:$0x3] =	sbarrier.arrive $0xFFFF  }
0x85: {  	_ =	shalt  }

// kernel: kernel.9.cloned.1.call-start
scs
__scs_entry_jumppad:
0x0: {  	(pc) =	sbr.rel $0x88, $3  }
0x1: {  	(tag) =	ssettag $0x0;
	lr =	simm.s32 $0x1  }
0x2: {  	[smem:$0x3F84] =	sst lr;
	_ =	strace $0xD0000000  }
0x3: {  	_ = 	snop  }
0x4: {  	_ = 	snop  }
0x5: {  	_ = 	snop  }
0x6: {  	_ = 	snop  }
0x7: {  	_ = 	snop  }
__scs_overlays_trampoline_lowered:
0x8: {  	[smem:$0x3F93] =	sst s0  }
0x9: {  	[smem:$0x3F94] =	sst s1  }
0xa: {  	[smem:$0x3F95] =	sst s2  }
0xb: {  	[smem:$0x3F96] =	sst s3  }
0xc: {  	[smem:$0x3F97] =	sst s4  }
0xd: {  	[smem:$0x3F98] =	sst s5  }
0xe: {  	[smem:$0x3F99] =	sst s6  }
0xf: {  	[smem:$0x3F9A] =	sst s7  }
0x10: {  	[smem:$0x3F9B] =	sst s8  }
0x11: {  	[smem:$0x3F9C] =	sst s9;
	s0 =	simm.s32 @!p0 $0x0  }
0x12: {  	s1 =	sld [smem:$0x3F82];
	s0 =	simm.s32 @p0 $0x1  }
0x13: {  	[smem:$0x3F9D] =	sst s0;
	s0 =	simm.s32 @!p1 $0x0  }
0x14: {  	s2 =	sld [smem:$0x3F81];
	s0 =	simm.s32 @p1 $0x1  }
0x15: {  	[smem:$0x3F9E] =	sst s0;
	s0 =	simm.s32 @!p2 $0x0  }
0x16: {  	s3 =	sld [smem:$0x3FDB];
	s0 =	simm.s32 @p2 $0x1  }
0x17: {  	s4 =	simm.s32 $0x1BF5;
	[smem:$0x3FA0] =	sst s0  }
0x18: {  	s0 =	sld [smem:$0x3F83];
	_ =	swait.ge [sflag:s4], $0x0  }
0x19: {  	s7 =	sld [smem:$0x3F84]  }
0x1a: {  	s8 =	sadd.s32 $0xFFFFE003, lr  }
0x1b: {  	s9 =	sadd.s32 $0xFFFFFEF7, lr;
	s5 =	simm.s32 $0xFFFFFFFF;
	p2 =	slt.u32 s8, $0xFFFFF086  }
0x1c: {  	p1 =	slt.u32 s9, $0xF7A;
	s5 =	simm.s32 @!p2 $0x0  }
0x1d: {  	s5 =	simm.s32 @p1 $0x1;
	p0 =	seq.s32 s7, s2  }
0x1e: {  	s7 =	smul.u32 @!p0 $0xF7A, s2;
	p2 =	seq.s32 @!p0 s5, $0x0  }
0x1f: {  	s9 =	smul.u32 $0xF7A, s1;
	s8 =	simm.s32 @!p0 $0x1BF5;
	p2 =	por !p2, p0  }
0x20: {  	[sflag:s8] =	ssyncset.s32 @!p0 $0xFFFFF086;
	s6 =	sadd.s32 @!p0 s3, s7;
	s7 =	simm.s32 @!p0 $0x108  }
0x21: {  	s3 =	sadd.s32 s3, s9;
	s6 =	sadd.s32 @!p0 $0x88, s6;
	s7 =	simm.s32 @p2 $0x1082  }
0x22: {  	[simem:s7], [sflag:s8] =	dma.local @!p0 [hbm:s6], $0xF7A  }
0x23: {  	s9 =	sor.u32 $0xD0000000, s2;
	s6 =	simm.s32 $0x108;
	_ =	swait.ge @!p0 [sflag:s8], $0x0  }
0x24: {  	s3 =	sadd.s32 $0x88, s3;
	s6 =	simm.s32 @!p1 $0x1082;
	[sflag:s4] =	ssyncset.s32 $0xFFFFF086  }
0x25: {  	[simem:s6], [sflag:s4] =	dma.local [hbm:s3], $0xF7A  }
0x26: {  	[smem:$0x3F84] =	sst s1;
	(tag) =	ssettag s2;
	_ =	strace s9  }
0x27: {  	s1 =	sld [smem:$0x3F94]  }
0x28: {  	s2 =	sld [smem:$0x3F95]  }
0x29: {  	s4 =	sld [smem:$0x3F97]  }
0x2a: {  	p0 =	seq.s32 s5, $0x0;
	s5 =	sld [smem:$0x3F98]  }
0x2b: {  	s6 =	sld [smem:$0x3F99]  }
0x2c: {  	s7 =	sld [smem:$0x3F9A]  }
0x2d: {  	s3 =	simm.s32 $0x108;
	s8 =	sld [smem:$0x3F9B]  }
0x2e: {  	s3 =	simm.s32 @!p0 $0x1082;
	s9 =	sld [smem:$0x3F9C]  }
0x2f: {  	lr =	sadd.s32 s0, s3;
	s0 =	sld [smem:$0x3F93]  }
0x30: {  	s3 =	sld [smem:$0x3F96]  }
0x31: {  	[smem:$0x3F9F] =	sst s10  }
0x32: {  	s10 =	sld [smem:$0x3F9D];
	_ =	sdelay $0x3  }
0x33: {  	p0 =	seq.s32 s10, $0x1;
	s10 =	sld [smem:$0x3F9F];
	_ =	sdelay $0x3  }
0x34: {  	[smem:$0x3F9F] =	sst s10  }
0x35: {  	s10 =	sld [smem:$0x3F9E];
	_ =	sdelay $0x3  }
0x36: {  	p1 =	seq.s32 s10, $0x1;
	s10 =	sld [smem:$0x3F9F];
	_ =	sdelay $0x3  }
0x37: {  	[smem:$0x3F9F] =	sst s10  }
0x38: {  	s10 =	sld [smem:$0x3FA0]  }
0x39: {  	_ = 	snop;
	(pc) =	sbr.ind lr, $3  }
0x3a: {  	_ = 	snop  }
0x3b: {  	_ = 	snop  }
0x3c: {  	p2 =	seq.s32 s10, $0x1;
	s10 =	sld [smem:$0x3F9F]  }
0x3d: {  	_ =	shalt  }
0x3e: {  	_ =	shalt  }
0x3f: {  	_ =	shalt  }
0x40: {  	_ =	shalt  }
0x41: {  	_ =	shalt  }
0x42: {  	_ =	shalt  }
0x43: {  	_ =	shalt  }
0x44: {  	_ =	shalt  }
0x45: {  	_ =	shalt  }
0x46: {  	_ =	shalt  }
0x47: {  	_ =	shalt  }
0x48: {  	_ =	shalt  }
0x49: {  	_ =	shalt  }
0x4a: {  	_ =	shalt  }
0x4b: {  	_ =	shalt  }
0x4c: {  	_ =	shalt  }
0x4d: {  	_ =	shalt  }
0x4e: {  	_ =	shalt  }
0x4f: {  	_ =	shalt  }
0x50: {  	_ =	shalt  }
0x51: {  	_ =	shalt  }
0x52: {  	_ =	shalt  }
0x53: {  	_ =	shalt  }
0x54: {  	_ =	shalt  }
0x55: {  	_ =	shalt  }
0x56: {  	_ =	shalt  }
0x57: {  	_ =	shalt  }
0x58: {  	_ =	shalt  }
0x59: {  	_ =	shalt  }
0x5a: {  	_ =	shalt  }
0x5b: {  	_ =	shalt  }
0x5c: {  	_ =	shalt  }
0x5d: {  	_ =	shalt  }
0x5e: {  	_ =	shalt  }
0x5f: {  	_ =	shalt  }
0x60: {  	_ =	shalt  }
0x61: {  	_ =	shalt  }
0x62: {  	_ =	shalt  }
0x63: {  	_ =	shalt  }
0x64: {  	_ =	shalt  }
0x65: {  	_ =	shalt  }
0x66: {  	_ =	shalt  }
0x67: {  	_ =	shalt  }
0x68: {  	_ =	shalt  }
0x69: {  	_ =	shalt  }
0x6a: {  	_ =	shalt  }
0x6b: {  	_ =	shalt  }
0x6c: {  	_ =	shalt  }
0x6d: {  	_ =	shalt  }
0x6e: {  	_ =	shalt  }
0x6f: {  	_ =	shalt  }
0x70: {  	_ =	shalt  }
0x71: {  	_ =	shalt  }
0x72: {  	_ =	shalt  }
0x73: {  	_ =	shalt  }
0x74: {  	_ =	shalt  }
0x75: {  	_ =	shalt  }
0x76: {  	_ =	shalt  }
0x77: {  	_ =	shalt  }
0x78: {  	_ =	shalt  }
0x79: {  	_ =	shalt  }
0x7a: {  	_ =	shalt  }
0x7b: {  	_ =	shalt  }
0x7c: {  	_ =	shalt  }
0x7d: {  	_ =	shalt  }
0x7e: {  	_ =	shalt  }
0x7f: {  	_ =	shalt  }
0x80: {  	_ =	shalt  }
0x81: {  	_ =	shalt  }
0x82: {  	_ =	shalt  }
0x83: {  	_ =	shalt  }
0x84: {  	_ =	shalt  }
0x85: {  	_ =	shalt  }
0x86: {  	_ =	shalt  }
0x87: {  	_ =	shalt  }
.Lfunc_end0:
.L_simem_size_0:
called_computation.1_lowered:
.L_overlay_start_0:
0x88: {  	s2 =	sld [smem:$0x3FD9]  }
0x89: {  	s3 =	sld [smem:$0x3FFE];
	_ =	sdelay $0x1  }
0x8a: {  	s1 =	srdreg.scid  }
0x8b: {  	s0 =	sand.u32 $0x1, s1  }
0x8c: {  	s16 =	sshll.u32 s0, $0xA;
	s2 =	sadd.s32 s3, s2  }
0x8d: {  	s2 =	sadd.s32 s2, s16  }
0x8e: {  	[smem:$0x3FAB] =	sst s2  }
0x8f: {  	_ = 	snop  }
0x90: {  	(tm) =	ssettm $0x1  }
0x91: {  	s17 =	sld [smem:$0x3FFB];
	_ =	sdelay $0x3  }
0x92: {  	_ =	strace s17  }
0x93: {  	s2 =	sld [smem:$0x3FFC];
	_ =	sdelay $0x3  }
0x94: {  	_ =	strace s2  }
0x95: {  	s2 =	sld [smem:$0x3FFD];
	_ =	sdelay $0x3  }
0x96: {  	_ =	strace s2  }
0x97: {  	_ =	strace $0x8FFFFFFF  }
0x98: {  	s18 =	sld [smem:$0x3FDB];
	_ =	sdelay $0x1  }
0x99: {  	s19 =	simm.s32 $_scs_section_size  }
0x9a: {  	s4 =	simm.s32 $_size__tile_overlayer_lowered;
	s5 =	simm.s32 $_tile_overlayer_lowered  }
0x9b: {  	s22 =	simm.s32 $0x1BFF;
	s21 =	sshll.u32 s5, $0x1;
	s2 =	sadd.s32 s19, s18  }
0x9c: {  	s6 =	simm.s32 $0x0;
	s20 =	sshll.u32 s4, $0x1;
	s4 =	sadd.s32 s21, s2  }
0x9d: {  	[timem:s6], [sflag:s22] =	dma.local [hbm:s4], s20  }
0x9e: {  	_ =	swait.ge [sflag:s22], s20  }
0x9f: {  	s3 =	ssub.s32 $0x0, s20;
	[sflag:s22] =	ssyncset.done $0x0  }
0xa0: {  	[sflag:s22] =	ssyncadd.s32 s3;
	_ =	sdelay $0x1  }
0xa1: {  	s23 =	simm.s32 $0x1B8B  }
0xa2: {  	_ =	swait.ge [sflag:s23], $0x1  }
0xa3: {  	[sflag:s23] =	ssyncset.done $0x0  }
0xa4: {  	s25 =	simm.s32 $0x1B8E;
	s24 =	sld [smem:$0x3FFE];
	[sflag:s23] =	ssyncadd.s32 $0xFFFFFFFF  }
0xa5: {  	s26 =	simm.s32 $execute0_lowered;
	[smem:$0x3FD2] =	sst s25  }
0xa6: {  	s4 =	sshll.u32 s26, $0x1;
	_ =	strace $0x80000049;
	[dreg:$0x1] =	wrdreg $0xFFFFFFFF  }
0xa7: {  	s28 =	simm.s32 $_size_execute0_lowered;
	s2 =	sadd.s32 s2, s4;
	[dreg:$0x0] =	wrdreg $0x0  }
0xa8: {  	s4 =	sshll.u32 s28, $0x1;
	[dreg:$0x2] =	wrdreg s2  }
0xa9: {  	[dreg:$0x3] =	wrdreg s4  }
0xaa: {  	[dreg:$0x4] =	wrdreg $0xC0  }
0xab: {  	_ =	task [dreg:s6], $0x5FFFF  }
0xac: {  	[dreg:$0x1] =	wrdreg $0xFFFFFFFF  }
0xad: {  	[dreg:$0x0] =	wrdreg $0x60  }
0xae: {  	[dreg:$0x2] =	wrdreg s24  }
0xaf: {  	[dreg:$0x3] =	wrdreg $0x0  }
0xb0: {  	[dreg:$0x4] =	wrdreg $0x9  }
0xb1: {  	_ =	task.clear_ibuf [dreg:s6], $0x5FFFF;
	_ =	strace $0x90000049  }
0xb2: {  	s29 =	simm.s32 $0x9;
	_ =	strace $0x8000004B  }
0xb3: {  	_ =	swait.ge [sflag:s29], $0x1  }
0xb4: {  	[sflag:s29] =	ssyncadd.s32 $0xFFFFFFFF  }
0xb5: {  	_ =	strace $0x9000004B  }
0xb6: {  	_ =	sfence  }
0xb7: {  	s30 =	sld [smem:$0x0];
	_ =	sdelay $0x2  }
0xb8: {  	s31 =	sshll.u32 s1, $0xD;
	s1 =	sshrl.u32 s1, $0x2  }
0xb9: {  	s3 =	sand.u32 $0x4000, s31;
	s1 =	sadd.s32 s1, s30  }
0xba: {  	s0 =	sor.u32 s3, s0;
	s1 =	sshll.u32 s1, $0x11  }
0xbb: {  	s0 =	sor.u32 s1, s0  }
0xbc: {  	s0 =	sadd.s32 $0x8F2B, s0  }
0xbd: {  	[sflag:s0] =	ssyncadd.remote.s32 $0x1  }
0xbe: {  	_ =	sfence.sel $0xFFFF  }
0xbf: {  	[dreg:$0x0] =	wrdreg $0xFFFFFFFF;
	(pc) =	sbr.abs _section_cstart, $3  }
0xc0: {  	[dreg:$0x1] =	wrdreg $0xFFFFFFFF  }
0xc1: {  	_ =	task.clear_ibuf [dreg:s6], $0x2FFFF;
	_ =	strace $0x9FFFFFFF  }
0xc2: {  	(tm) =	ssettm $0x7FFFFFFF  }
0xc3: {  	_ =	shalt  }
tec
execute0_lowered:
.L_overlay_start_1:
0x0: {  	(tag) =	ssettag $0x1  }
0x1: {  	s0 =	rddreg [dreg:$0x0]  }
0x2: {  	s2 =	rddreg [dreg:$0x1];
	s1 =	stileid.u32  }
0x3: {  	s3 =	simm.s32 $0x0;
	s7 =	srdreg.scid;
	s5 =	smul.u32 $0x28000, s1  }
0x4: {  	s29 =	simm.s32 $0x3;
	s31 =	simm.s32 $0x17800;
	s6 =	smul.u32 $0x14000, s1  }
0x5: {  	s28 =	simm.s32 $0x17700;
	s30 =	simm.s32 $0x0;
	s4 =	smul.u32 $0x2780, s1  }
0x6: {  	[smem:$0x7FF] =	sst s3;
	s11 =	sadd.s32 $0xE600, s0;
	s23 =	smul.u32 $0x28, s1  }
0x7: {  	s9 =	sand.u32 $0x1, s7;
	s12 =	sadd.s32 $0x804E00, s0;
	s14 =	smul.u32 $0x500, s1  }
0x8: {  	s8 =	sadd.s32 $0x9600, s0;
	s24 =	sadd.s32 $0x82C600, s0;
	s18 =	smul.u32 $0x4F000, s1  }
0x9: {  	_ =	strace $0x8000004A;
	s10 =	smul.u32 $0x280, s9;
	[dreg:$0x3] =	wrdreg s12  }
0xa: {  	[dreg:$0x4] =	wrdreg s24;
	s25 =	ssub.s32 $0x2, s9;
	p0 =	seq.s32 s9, $0x1  }
0xb: {  	s13 =	sadd.s32 s5, s0;
	s15 =	sadd.s32 s6, s0;
	s16 =	sadd.s32 s4, s0  }
0xc: {  	s26 =	sshrl.u32 s25, $0x1;
	s18 =	sshrl.u32 s18, $0x2;
	s20 =	sadd.s32 $0x27000, s5  }
0xd: {  	s12 =	sadd.s32 s11, s5;
	s7 =	sadd.s32 s23, s10;
	s19 =	ssub.s32 s25, s26  }
0xe: {  	s9 =	sadd.s32 $0x78E600, s16;
	s10 =	sadd.s32 s18, s2;
	s21 =	sadd.s32 $0x7B5E00, s16  }
0xf: {  	s22 =	sadd.s32 $0x50E600, s15;
	s11 =	sadd.s32 s20, s11;
	s13 =	sadd.s32 $0x28E600, s13  }
0x10: {  	s23 =	sadd.s32 $0x7DD600, s16;
	s24 =	sadd.s32 $0x64E600, s15;
	[dreg:$0x5] =	wrdreg s21  }
0x11: {  	s25 =	sadd.s32 $0x13000, s6;
	s16 =	simm.s32 $0x17780;
	[dreg:$0x6] =	wrdreg s22  }
0x12: {  	s17 =	sshll.u32 s7, $0x4;
	s7 =	sadd.s32 s8, s14;
	[dreg:$0x7] =	wrdreg s13  }
0x13: {  	s14 =	sadd.s32 $0x50EE00, s0;
	s0 =	sadd.s32 $0x28EE00, s0;
	[dreg:$0x8] =	wrdreg s23  }
0x14: {  	[dreg:$0x9] =	wrdreg s24;
	s18 =	smax.u32 s19, $0x1;
	s11 =	sadd.s32 $0x800, s11  }
.Ltmp0:
0x15: {  	[dreg:$0xb] =	wrdreg s25;
	s24 =	sadd.s32 $0x50F600, s15;
	(pc) =	sbr.rel .LBB2_1-.Ltmp0, $4  }
0x16: {  	s22 =	sadd.s32 $0x153000, s6;
	s25 =	sadd.s32 $0x64EE00, s15;
	s13 =	sadd.s32 $0x1000, s12  }
0x17: {  	s6 =	simm.s32 $0x80;
	s8 =	sadd.s32 s8, s17;
	[dreg:$0xa] =	wrdreg s11  }
0x18: {  	s26 =	sadd.s32 s20, s0;
	s23 =	sadd.s32 s5, s0;
	s0 =	simm.s32 $0x1  }
0x19: {  	s5 =	simm.s32 $0x1B800;
	s11 =	simm.s32 $0x2;
	[dreg:$0xc] =	wrdreg s26  }
.LBB2_11:
0x1a: {  	[sflag:s29] =	ssyncadd.s32 $0xFFFFC000;
	s26 =	smov.u32 s22;
	s21 =	rddreg [dreg:$0x4]  }
.LBB2_12:
0x1b: {  	_ =	swait.ge [sflag:s0], $0x4000  }
0x1c: {  	[sflag:s0] =	ssyncset.done $0x0  }
0x1d: {  	s15 =	sadd.s32 s26, s14;
	[sflag:s0] =	ssyncadd.s32 $0xFFFFC000  }
0x1e: {  	[tilespmem:s5], [sflag:$0x2] =	stream.linear.gather [hbm4b:s15+s3], $0x4000, $0x38;
	[tilespmem:$0x1F800] =	vst v63  }
0x1f: {  	_ = 	snop  }
0x20: {  	[spmem:s2] =	stream.indirect.scatter.add.f32 [tilespmem:s31], [sflag:$0x3], $0x80, s28, s6, $0xb8;
	[tilespmem:$0x1F800] =	vst v63  }
0x21: {  	_ =	swait.ge [sflag:s29], $0x4000  }
0x22: {  	[sflag:s29] =	ssyncset.done $0x0  }
0x23: {  	[sflag:s29] =	ssyncadd.s32 $0xFFFFC000  }
0x24: {  	_ =	swait.ge [sflag:s11], $0x4000  }
0x25: {  	[sflag:s11] =	ssyncset.done $0x0  }
0x26: {  	[sflag:s11] =	ssyncadd.s32 $0xFFFFC000  }
0x27: {  	[spmem:s2] =	stream.indirect.scatter.add.f32 [tilespmem:s5], [sflag:$0x3], $0x80, s16, s6, $0xb8;
	[tilespmem:$0x1F800] =	vst v63  }
0x28: {  	_ =	swait.ge [sflag:s29], $0x4000  }
0x29: {  	[sflag:s29] =	ssyncset.done $0x0  }
0x2a: {  	s30 =	sadd.s32 $0x1, s30;
	[sflag:s29] =	ssyncadd.s32 $0xFFFFC000  }
0x2b: {  	s26 =	sadd.s32 s21, s4;
	p1 =	sne.s32 s30, s18;
	[bflag:$0x0] =	sbarrier.arrive $0xFFFF  }
0x2c: {  	[hbm:s26], [sflag:s17] =	dma.local [spmem:s19], $0x2780  }
.Ltmp1:
0x2d: {  	_ =	swait.ge [sflag:s29], $0x2780;
	(pc) =	sbr.rel @!p1 .LBB2_13-.Ltmp1, $3  }
0x2e: {  	[sflag:s29] =	ssyncset.done $0x0  }
0x2f: {  	[sflag:s29] =	ssyncadd.s32 $0xFFFFD880  }
0x30: {  	[bflag:$0x0] =	sbarrier.arrive $0xFFFF;
	_ =	sdelay $0x1  }
.LBB2_1:
0x31: {  	s15 =	simm.s32 $0x13C00  }
0x32: {  	[tilespmem:s15], [sflag:$0x3] =	stream.linear.gather [hbm4b:s7+s3], $0x2800, $0x38;
	[tilespmem:$0x1F800] =	vst v63  }
0x33: {  	_ =	swait.ge [sflag:s29], $0x2800  }
0x34: {  	[sflag:s29] =	ssyncset.done $0x0  }
0x35: {  	s26 =	simm.s32 $0x16400;
	[sflag:s29] =	ssyncadd.s32 $0xFFFFD800  }
0x36: {  	[tilespmem:s26], [sflag:$0x3] =	stream.linear.gather [hbm4b:s8+s3], $0x1400, $0x38;
	[tilespmem:$0x1F800] =	vst v63  }
0x37: {  	_ =	swait.ge [sflag:s29], $0x1400  }
0x38: {  	s17 =	sshll.u32 s1, $0x6;
	[sflag:s29] =	ssyncset.done $0x0  }
0x39: {  	s19 =	sshrl.u32 s10, $0x3;
	s17 =	sor.u32 $0x1C03, s17;
	[sflag:s29] =	ssyncadd.s32 $0xFFFFEC00  }
0x3a: {  	[spmem:s19], [sflag:s17] =	dma.local [hbm:s9], $0x2780  }
.Ltmp2:
0x3b: {  	_ =	swait.ge [sflag:s29], $0x2780;
	(pc) =	sbr.rel @!p0 .LBB2_2-.Ltmp2, $3  }
0x3c: {  	[sflag:s29] =	ssyncset.done $0x0  }
0x3d: {  	[sflag:s29] =	ssyncadd.s32 $0xFFFFD880  }
0x3e: {  	[bflag:$0x0] =	sbarrier.arrive $0xFFFF;
	_ =	sdelay $0x1  }
0x3f: {  	s15 =	simm.s32 $0x0;
	s20 =	rddreg [dreg:$0x7]  }
0x40: {  	[tilespmem:s31], [sflag:$0x1] =	stream.linear.gather [hbm4b:s20+s15], $0x4000, $0x38;
	[tilespmem:$0x1F800] =	vst v63  }
0x41: {  	_ =	swait.ge [sflag:s0], $0x4000  }
0x42: {  	[sflag:s0] =	ssyncset.done $0x0  }
0x43: {  	[sflag:s0] =	ssyncadd.s32 $0xFFFFC000  }
0x44: {  	[tilespmem:s5], [sflag:$0x2] =	stream.linear.gather [hbm4b:s23+s3], $0x4000, $0x38;
	[tilespmem:$0x1F800] =	vst v63  }
0x45: {  	s20 =	simm.s32 $0x13C00  }
0x46: {  	[spmem:s2] =	stream.indirect.scatter.add.f32 [tilespmem:s31], [sflag:$0x3], $0x80, s20, s6, $0xb8;
	[tilespmem:$0x1F800] =	vst v63  }
0x47: {  	_ =	swait.ge [sflag:s29], $0x4000  }
0x48: {  	[sflag:s29] =	ssyncset.done $0x0  }
0x49: {  	[sflag:s29] =	ssyncadd.s32 $0xFFFFC000  }
0x4a: {  	_ =	swait.ge [sflag:s11], $0x4000  }
0x4b: {  	[sflag:s11] =	ssyncset.done $0x0  }
0x4c: {  	s21 =	sadd.s32 $0x800, s23;
	[sflag:s11] =	ssyncadd.s32 $0xFFFFC000  }
0x4d: {  	[tilespmem:s31], [sflag:$0x1] =	stream.linear.gather [hbm4b:s21+s3], $0x4000, $0x38;
	[tilespmem:$0x1F800] =	vst v63  }
0x4e: {  	s26 =	simm.s32 $0x13C80  }
0x4f: {  	[spmem:s2] =	stream.indirect.scatter.add.f32 [tilespmem:s5], [sflag:$0x3], $0x80, s26, s6, $0xb8;
	[tilespmem:$0x1F800] =	vst v63  }
0x50: {  	_ =	swait.ge [sflag:s29], $0x4000  }
0x51: {  	s21 =	simm.s32 $0x400;
	s26 =	smov.u32 s23;
	[sflag:s29] =	ssyncset.done $0x0  }
.LBB2_8:
0x52: {  	p1 =	sne.s32 s21, $0x9800;
	[sflag:s29] =	ssyncadd.s32 $0xFFFFC000;
	s26 =	sadd.s32 $0x1000, s26  }
0x53: {  	s15 =	smov.u32 s21;
	s21 =	sadd.s32 $0x400, s21  }
0x54: {  	_ =	swait.ge [sflag:s0], $0x4000  }
0x55: {  	[sflag:s0] =	ssyncset.done $0x0  }
0x56: {  	s15 =	sshra.s32 s15, $0x2;
	[sflag:s0] =	ssyncadd.s32 $0xFFFFC000  }
0x57: {  	[tilespmem:s5], [sflag:$0x2] =	stream.linear.gather [hbm4b:s26+s3], $0x4000, $0x38;
	[tilespmem:$0x1F800] =	vst v63  }
0x58: {  	s20 =	sadd.s32 $0x13C00, s15  }
0x59: {  	[spmem:s2] =	stream.indirect.scatter.add.f32 [tilespmem:s31], [sflag:$0x3], $0x80, s20, s6, $0xb8;
	[tilespmem:$0x1F800] =	vst v63  }
0x5a: {  	_ =	swait.ge [sflag:s29], $0x4000  }
0x5b: {  	[sflag:s29] =	ssyncset.done $0x0  }
0x5c: {  	[sflag:s29] =	ssyncadd.s32 $0xFFFFC000  }
0x5d: {  	_ =	swait.ge [sflag:s11], $0x4000  }
0x5e: {  	[sflag:s11] =	ssyncset.done $0x0  }
0x5f: {  	s20 =	sadd.s32 $0x800, s26;
	[sflag:s11] =	ssyncadd.s32 $0xFFFFC000  }
0x60: {  	[tilespmem:s31], [sflag:$0x1] =	stream.linear.gather [hbm4b:s20+s3], $0x4000, $0x38;
	[tilespmem:$0x1F800] =	vst v63  }
.Ltmp3:
0x61: {  	_ = 	snop;
	(pc) =	sbr.rel @p1 .LBB2_8-.Ltmp3, $4  }
0x62: {  	s15 =	sadd.s32 $0x13C80, s15  }
0x63: {  	[spmem:s2] =	stream.indirect.scatter.add.f32 [tilespmem:s5], [sflag:$0x3], $0x80, s15, s6, $0xb8;
	[tilespmem:$0x1F800] =	vst v63  }
0x64: {  	_ =	swait.ge [sflag:s29], $0x4000  }
0x65: {  	[sflag:s29] =	ssyncset.done $0x0  }
0x66: {  	[sflag:s29] =	ssyncadd.s32 $0xFFFFC000  }
0x67: {  	_ =	swait.ge [sflag:s0], $0x4000  }
0x68: {  	[sflag:s0] =	ssyncset.done $0x0  }
0x69: {  	s15 =	simm.s32 $0x0;
	s20 =	rddreg [dreg:$0xc];
	[sflag:s0] =	ssyncadd.s32 $0xFFFFC000  }
0x6a: {  	[tilespmem:s5], [sflag:$0x2] =	stream.linear.gather [hbm4b:s20+s15], $0x4000, $0x38;
	[tilespmem:$0x1F800] =	vst v63  }
0x6b: {  	s21 =	simm.s32 $0x16300  }
0x6c: {  	[spmem:s2] =	stream.indirect.scatter.add.f32 [tilespmem:s31], [sflag:$0x3], $0x80, s21, s6, $0xb8;
	[tilespmem:$0x1F800] =	vst v63  }
0x6d: {  	_ =	swait.ge [sflag:s29], $0x4000  }
0x6e: {  	[sflag:s29] =	ssyncset.done $0x0  }
0x6f: {  	[sflag:s29] =	ssyncadd.s32 $0xFFFFC000  }
0x70: {  	_ =	swait.ge [sflag:s11], $0x4000  }
0x71: {  	[sflag:s11] =	ssyncset.done $0x0  }
0x72: {  	s26 =	simm.s32 $0x16380;
	[sflag:s11] =	ssyncadd.s32 $0xFFFFC000  }
0x73: {  	[spmem:s2] =	stream.indirect.scatter.add.f32 [tilespmem:s5], [sflag:$0x3], $0x80, s26, s6, $0xb8;
	[tilespmem:$0x1F800] =	vst v63  }
0x74: {  	_ =	swait.ge [sflag:s29], $0x4000  }
0x75: {  	[sflag:s29] =	ssyncset.done $0x0  }
0x76: {  	[sflag:s29] =	ssyncadd.s32 $0xFFFFC000  }
0x77: {  	[bflag:$0x0] =	sbarrier.arrive $0xFFFF  }
0x78: {  	s21 =	rddreg [dreg:$0x8]  }
0x79: {  	[hbm:s21], [sflag:s17] =	dma.local [spmem:s19], $0x2780  }
0x7a: {  	_ =	swait.ge [sflag:s29], $0x2780  }
0x7b: {  	[sflag:s29] =	ssyncset.done $0x0  }
0x7c: {  	[sflag:s29] =	ssyncadd.s32 $0xFFFFD880  }
0x7d: {  	[bflag:$0x0] =	sbarrier.arrive $0xFFFF  }
0x7e: {  	[spmem:s19], [sflag:s17] =	dma.local [hbm:s9], $0x2780  }
0x7f: {  	_ =	swait.ge [sflag:s29], $0x2780  }
0x80: {  	[sflag:s29] =	ssyncset.done $0x0  }
0x81: {  	[sflag:s29] =	ssyncadd.s32 $0xFFFFD880  }
0x82: {  	[bflag:$0x0] =	sbarrier.arrive $0xFFFF  }
0x83: {  	s26 =	rddreg [dreg:$0x9]  }
0x84: {  	[tilespmem:s31], [sflag:$0x1] =	stream.linear.gather [hbm4b:s26+s15], $0x4000, $0x38;
	[tilespmem:$0x1F800] =	vst v63  }
0x85: {  	_ =	swait.ge [sflag:s0], $0x4000  }
0x86: {  	[sflag:s0] =	ssyncset.done $0x0  }
0x87: {  	[sflag:s0] =	ssyncadd.s32 $0xFFFFC000  }
0x88: {  	[tilespmem:s5], [sflag:$0x2] =	stream.linear.gather [hbm4b:s25+s3], $0x4000, $0x38;
	[tilespmem:$0x1F800] =	vst v63  }
0x89: {  	s20 =	simm.s32 $0x16400  }
0x8a: {  	[spmem:s2] =	stream.indirect.scatter.add.f32 [tilespmem:s31], [sflag:$0x3], $0x80, s20, s6, $0xb8;
	[tilespmem:$0x1F800] =	vst v63  }
0x8b: {  	_ =	swait.ge [sflag:s29], $0x4000  }
0x8c: {  	[sflag:s29] =	ssyncset.done $0x0  }
0x8d: {  	[sflag:s29] =	ssyncadd.s32 $0xFFFFC000  }
0x8e: {  	_ =	swait.ge [sflag:s11], $0x4000  }
0x8f: {  	[sflag:s11] =	ssyncset.done $0x0  }
0x90: {  	s21 =	sadd.s32 $0x800, s25;
	[sflag:s11] =	ssyncadd.s32 $0xFFFFC000  }
0x91: {  	[tilespmem:s31], [sflag:$0x1] =	stream.linear.gather [hbm4b:s21+s3], $0x4000, $0x38;
	[tilespmem:$0x1F800] =	vst v63  }
0x92: {  	s26 =	simm.s32 $0x16480  }
0x93: {  	[spmem:s2] =	stream.indirect.scatter.add.f32 [tilespmem:s5], [sflag:$0x3], $0x80, s26, s6, $0xb8;
	[tilespmem:$0x1F800] =	vst v63  }
0x94: {  	_ =	swait.ge [sflag:s29], $0x4000  }
0x95: {  	s21 =	simm.s32 $0x400;
	s26 =	smov.u32 s25;
	[sflag:s29] =	ssyncset.done $0x0  }
.LBB2_10:
0x96: {  	p1 =	sne.s32 s21, $0x4800;
	[sflag:s29] =	ssyncadd.s32 $0xFFFFC000;
	s26 =	sadd.s32 $0x1000, s26  }
0x97: {  	s15 =	smov.u32 s21;
	s21 =	sadd.s32 $0x400, s21  }
0x98: {  	_ =	swait.ge [sflag:s0], $0x4000  }
0x99: {  	[sflag:s0] =	ssyncset.done $0x0  }
0x9a: {  	s15 =	sshra.s32 s15, $0x2;
	[sflag:s0] =	ssyncadd.s32 $0xFFFFC000  }
0x9b: {  	[tilespmem:s5], [sflag:$0x2] =	stream.linear.gather [hbm4b:s26+s3], $0x4000, $0x38;
	[tilespmem:$0x1F800] =	vst v63  }
0x9c: {  	s20 =	sadd.s32 $0x16400, s15  }
0x9d: {  	[spmem:s2] =	stream.indirect.scatter.add.f32 [tilespmem:s31], [sflag:$0x3], $0x80, s20, s6, $0xb8;
	[tilespmem:$0x1F800] =	vst v63  }
0x9e: {  	_ =	swait.ge [sflag:s29], $0x4000  }
0x9f: {  	[sflag:s29] =	ssyncset.done $0x0  }
0xa0: {  	[sflag:s29] =	ssyncadd.s32 $0xFFFFC000  }
0xa1: {  	_ =	swait.ge [sflag:s11], $0x4000  }
0xa2: {  	[sflag:s11] =	ssyncset.done $0x0  }
0xa3: {  	s20 =	sadd.s32 $0x800, s26;
	[sflag:s11] =	ssyncadd.s32 $0xFFFFC000  }
0xa4: {  	[tilespmem:s31], [sflag:$0x1] =	stream.linear.gather [hbm4b:s20+s3], $0x4000, $0x38;
	[tilespmem:$0x1F800] =	vst v63  }
.Ltmp4:
0xa5: {  	_ = 	snop;
	(pc) =	sbr.rel @p1 .LBB2_10-.Ltmp4, $4  }
0xa6: {  	s15 =	sadd.s32 $0x16480, s15  }
0xa7: {  	[spmem:s2] =	stream.indirect.scatter.add.f32 [tilespmem:s5], [sflag:$0x3], $0x80, s15, s6, $0xb8;
	[tilespmem:$0x1F800] =	vst v63  }
0xa8: {  	_ =	swait.ge [sflag:s29], $0x4000  }
0xa9: {  	[sflag:s29] =	ssyncset.done $0x0  }
.Ltmp5:
0xaa: {  	_ = 	snop;
	(pc) =	sbr.rel .LBB2_11-.Ltmp5, $1  }
0xab: {  	_ =	sdelay $0x3  }
.LBB2_2:
0xac: {  	s21 =	simm.s32 $0x0  }
0xad: {  	[tilespmem:s31], [sflag:$0x1] =	stream.linear.gather [hbm4b:s12+s21], $0x4000, $0x38;
	[tilespmem:$0x1F800] =	vst v63  }
0xae: {  	_ =	swait.ge [sflag:s0], $0x4000  }
0xaf: {  	[sflag:s0] =	ssyncset.done $0x0  }
0xb0: {  	s15 =	sadd.s32 $0xFFFFF800, s13;
	[sflag:s0] =	ssyncadd.s32 $0xFFFFC000  }
0xb1: {  	[tilespmem:s5], [sflag:$0x2] =	stream.linear.gather [hbm4b:s15+s3], $0x4000, $0x38;
	[tilespmem:$0x1F800] =	vst v63  }
0xb2: {  	s20 =	simm.s32 $0x13C00  }
0xb3: {  	[spmem:s2] =	stream.indirect.scatter.add.f32 [tilespmem:s31], [sflag:$0x3], $0x80, s20, s6, $0xb8;
	[tilespmem:$0x1F800] =	vst v63  }
0xb4: {  	_ =	swait.ge [sflag:s29], $0x4000  }
0xb5: {  	[sflag:s29] =	ssyncset.done $0x0  }
0xb6: {  	[sflag:s29] =	ssyncadd.s32 $0xFFFFC000  }
0xb7: {  	_ =	swait.ge [sflag:s11], $0x4000  }
0xb8: {  	[sflag:s11] =	ssyncset.done $0x0  }
0xb9: {  	[sflag:s11] =	ssyncadd.s32 $0xFFFFC000  }
0xba: {  	[tilespmem:s31], [sflag:$0x1] =	stream.linear.gather [hbm4b:s13+s3], $0x4000, $0x38;
	[tilespmem:$0x1F800] =	vst v63  }
0xbb: {  	s26 =	simm.s32 $0x13C80  }
0xbc: {  	[spmem:s2] =	stream.indirect.scatter.add.f32 [tilespmem:s5], [sflag:$0x3], $0x80, s26, s6, $0xb8;
	[tilespmem:$0x1F800] =	vst v63  }
0xbd: {  	_ =	swait.ge [sflag:s29], $0x4000  }
0xbe: {  	s21 =	simm.s32 $0x400;
	s26 =	smov.u32 s13;
	[sflag:s29] =	ssyncset.done $0x0  }
.LBB2_3:
0xbf: {  	p1 =	sne.s32 s21, $0x9800;
	[sflag:s29] =	ssyncadd.s32 $0xFFFFC000;
	s26 =	sadd.s32 $0x1000, s26  }
0xc0: {  	s15 =	smov.u32 s21;
	s21 =	sadd.s32 $0x400, s21  }
0xc1: {  	_ =	swait.ge [sflag:s0], $0x4000  }
0xc2: {  	[sflag:s0] =	ssyncset.done $0x0  }
0xc3: {  	s20 =	sadd.s32 $0xFFFFF800, s26;
	s15 =	sshra.s32 s15, $0x2;
	[sflag:s0] =	ssyncadd.s32 $0xFFFFC000  }
0xc4: {  	[tilespmem:s5], [sflag:$0x2] =	stream.linear.gather [hbm4b:s20+s3], $0x4000, $0x38;
	[tilespmem:$0x1F800] =	vst v63  }
0xc5: {  	s20 =	sadd.s32 $0x13C00, s15  }
0xc6: {  	[spmem:s2] =	stream.indirect.scatter.add.f32 [tilespmem:s31], [sflag:$0x3], $0x80, s20, s6, $0xb8;
	[tilespmem:$0x1F800] =	vst v63  }
0xc7: {  	_ =	swait.ge [sflag:s29], $0x4000  }
0xc8: {  	[sflag:s29] =	ssyncset.done $0x0  }
0xc9: {  	[sflag:s29] =	ssyncadd.s32 $0xFFFFC000  }
0xca: {  	_ =	swait.ge [sflag:s11], $0x4000  }
0xcb: {  	[sflag:s11] =	ssyncset.done $0x0  }
0xcc: {  	[sflag:s11] =	ssyncadd.s32 $0xFFFFC000  }
0xcd: {  	[tilespmem:s31], [sflag:$0x1] =	stream.linear.gather [hbm4b:s26+s3], $0x4000, $0x38;
	[tilespmem:$0x1F800] =	vst v63  }
.Ltmp6:
0xce: {  	_ = 	snop;
	(pc) =	sbr.rel @p1 .LBB2_3-.Ltmp6, $4  }
0xcf: {  	s15 =	sadd.s32 $0x13C80, s15  }
0xd0: {  	[spmem:s2] =	stream.indirect.scatter.add.f32 [tilespmem:s5], [sflag:$0x3], $0x80, s15, s6, $0xb8;
	[tilespmem:$0x1F800] =	vst v63  }
0xd1: {  	_ =	swait.ge [sflag:s29], $0x4000  }
0xd2: {  	[sflag:s29] =	ssyncset.done $0x0  }
0xd3: {  	[sflag:s29] =	ssyncadd.s32 $0xFFFFC000  }
0xd4: {  	_ =	swait.ge [sflag:s0], $0x4000  }
0xd5: {  	[sflag:s0] =	ssyncset.done $0x0  }
0xd6: {  	s15 =	simm.s32 $0x0;
	s20 =	rddreg [dreg:$0xa];
	[sflag:s0] =	ssyncadd.s32 $0xFFFFC000  }
0xd7: {  	[tilespmem:s5], [sflag:$0x2] =	stream.linear.gather [hbm4b:s20+s15], $0x4000, $0x38;
	[tilespmem:$0x1F800] =	vst v63  }
0xd8: {  	s21 =	simm.s32 $0x16300  }
0xd9: {  	[spmem:s2] =	stream.indirect.scatter.add.f32 [tilespmem:s31], [sflag:$0x3], $0x80, s21, s6, $0xb8;
	[tilespmem:$0x1F800] =	vst v63  }
0xda: {  	_ =	swait.ge [sflag:s29], $0x4000  }
0xdb: {  	[sflag:s29] =	ssyncset.done $0x0  }
0xdc: {  	[sflag:s29] =	ssyncadd.s32 $0xFFFFC000  }
0xdd: {  	_ =	swait.ge [sflag:s11], $0x4000  }
0xde: {  	[sflag:s11] =	ssyncset.done $0x0  }
0xdf: {  	s26 =	simm.s32 $0x16380;
	[sflag:s11] =	ssyncadd.s32 $0xFFFFC000  }
0xe0: {  	[spmem:s2] =	stream.indirect.scatter.add.f32 [tilespmem:s5], [sflag:$0x3], $0x80, s26, s6, $0xb8;
	[tilespmem:$0x1F800] =	vst v63  }
0xe1: {  	_ =	swait.ge [sflag:s29], $0x4000  }
0xe2: {  	[sflag:s29] =	ssyncset.done $0x0  }
0xe3: {  	[sflag:s29] =	ssyncadd.s32 $0xFFFFC000  }
0xe4: {  	[bflag:$0x0] =	sbarrier.arrive $0xFFFF  }
0xe5: {  	s21 =	rddreg [dreg:$0x5]  }
0xe6: {  	[hbm:s21], [sflag:s17] =	dma.local [spmem:s19], $0x2780  }
0xe7: {  	_ =	swait.ge [sflag:s29], $0x2780  }
0xe8: {  	[sflag:s29] =	ssyncset.done $0x0  }
0xe9: {  	[sflag:s29] =	ssyncadd.s32 $0xFFFFD880  }
0xea: {  	[bflag:$0x0] =	sbarrier.arrive $0xFFFF  }
0xeb: {  	[spmem:s19], [sflag:s17] =	dma.local [hbm:s9], $0x2780  }
0xec: {  	_ =	swait.ge [sflag:s29], $0x2780  }
0xed: {  	[sflag:s29] =	ssyncset.done $0x0  }
0xee: {  	[sflag:s29] =	ssyncadd.s32 $0xFFFFD880  }
0xef: {  	[bflag:$0x0] =	sbarrier.arrive $0xFFFF  }
0xf0: {  	s26 =	rddreg [dreg:$0x6]  }
0xf1: {  	[tilespmem:s31], [sflag:$0x1] =	stream.linear.gather [hbm4b:s26+s15], $0x4000, $0x38;
	[tilespmem:$0x1F800] =	vst v63  }
0xf2: {  	_ =	swait.ge [sflag:s0], $0x4000  }
0xf3: {  	[sflag:s0] =	ssyncset.done $0x0  }
0xf4: {  	s20 =	sadd.s32 $0xFFFFF800, s24;
	[sflag:s0] =	ssyncadd.s32 $0xFFFFC000  }
0xf5: {  	[tilespmem:s5], [sflag:$0x2] =	stream.linear.gather [hbm4b:s20+s3], $0x4000, $0x38;
	[tilespmem:$0x1F800] =	vst v63  }
0xf6: {  	s21 =	simm.s32 $0x16400  }
0xf7: {  	[spmem:s2] =	stream.indirect.scatter.add.f32 [tilespmem:s31], [sflag:$0x3], $0x80, s21, s6, $0xb8;
	[tilespmem:$0x1F800] =	vst v63  }
0xf8: {  	_ =	swait.ge [sflag:s29], $0x4000  }
0xf9: {  	[sflag:s29] =	ssyncset.done $0x0  }
0xfa: {  	[sflag:s29] =	ssyncadd.s32 $0xFFFFC000  }
0xfb: {  	_ =	swait.ge [sflag:s11], $0x4000  }
0xfc: {  	[sflag:s11] =	ssyncset.done $0x0  }
0xfd: {  	[sflag:s11] =	ssyncadd.s32 $0xFFFFC000  }
0xfe: {  	[tilespmem:s31], [sflag:$0x1] =	stream.linear.gather [hbm4b:s24+s3], $0x4000, $0x38;
	[tilespmem:$0x1F800] =	vst v63  }
0xff: {  	s26 =	simm.s32 $0x16480  }
0x100: {  	[spmem:s2] =	stream.indirect.scatter.add.f32 [tilespmem:s5], [sflag:$0x3], $0x80, s26, s6, $0xb8;
	[tilespmem:$0x1F800] =	vst v63  }
0x101: {  	_ =	swait.ge [sflag:s29], $0x4000  }
0x102: {  	s21 =	simm.s32 $0x400;
	s26 =	smov.u32 s24;
	[sflag:s29] =	ssyncset.done $0x0  }
.LBB2_5:
0x103: {  	p1 =	seq.s32 s21, $0x4800;
	[sflag:s29] =	ssyncadd.s32 $0xFFFFC000;
	s26 =	sadd.s32 $0x1000, s26  }
0x104: {  	s15 =	smov.u32 s21;
	s21 =	sadd.s32 $0x400, s21  }
0x105: {  	_ =	swait.ge [sflag:s0], $0x4000  }
0x106: {  	[sflag:s0] =	ssyncset.done $0x0  }
0x107: {  	s20 =	sadd.s32 $0xFFFFF800, s26;
	s15 =	sshra.s32 s15, $0x2;
	[sflag:s0] =	ssyncadd.s32 $0xFFFFC000  }
0x108: {  	[tilespmem:s5], [sflag:$0x2] =	stream.linear.gather [hbm4b:s20+s3], $0x4000, $0x38;
	[tilespmem:$0x1F800] =	vst v63  }
0x109: {  	s20 =	sadd.s32 $0x16400, s15  }
0x10a: {  	[spmem:s2] =	stream.indirect.scatter.add.f32 [tilespmem:s31], [sflag:$0x3], $0x80, s20, s6, $0xb8;
	[tilespmem:$0x1F800] =	vst v63  }
0x10b: {  	_ =	swait.ge [sflag:s29], $0x4000  }
0x10c: {  	[sflag:s29] =	ssyncset.done $0x0  }
0x10d: {  	[sflag:s29] =	ssyncadd.s32 $0xFFFFC000  }
0x10e: {  	_ =	swait.ge [sflag:s11], $0x4000  }
0x10f: {  	[sflag:s11] =	ssyncset.done $0x0  }
0x110: {  	[sflag:s11] =	ssyncadd.s32 $0xFFFFC000  }
0x111: {  	[tilespmem:s31], [sflag:$0x1] =	stream.linear.gather [hbm4b:s26+s3], $0x4000, $0x38;
	[tilespmem:$0x1F800] =	vst v63  }
.Ltmp7:
0x112: {  	_ = 	snop;
	(pc) =	sbr.rel @!p1 .LBB2_5-.Ltmp7, $4  }
0x113: {  	s15 =	sadd.s32 $0x16480, s15  }
0x114: {  	[spmem:s2] =	stream.indirect.scatter.add.f32 [tilespmem:s5], [sflag:$0x3], $0x80, s15, s6, $0xb8;
	[tilespmem:$0x1F800] =	vst v63  }
0x115: {  	_ =	swait.ge [sflag:s29], $0x4000  }
0x116: {  	[sflag:s29] =	ssyncset.done $0x0  }
.Ltmp8:
0x117: {  	(pc) =	sbr.rel .LBB2_12-.Ltmp8, $3  }
0x118: {  	_ =	sdelay $0x1  }
0x119: {  	s26 =	rddreg [dreg:$0xb]  }
0x11a: {  	[sflag:s29] =	ssyncadd.s32 $0xFFFFC000;
	s21 =	rddreg [dreg:$0x3]  }
.LBB2_13:
0x11b: {  	_ =	sfence.sel $0x180000  }
0x11c: {  	[bflag:$0x0] =	sbarrier.arrive $0xFFFF  }
0x11d: {  	_ =	strace $0x9000004A  }
0x11e: {  	[bflag:$0x2] =	sbarrier.arrive $0xFFFF  }
0x11f: {  	p0 =	sne.s32 s1, $0x0;
	s0 =	rddreg [dreg:$0x2]  }
0x120: {  	s0 =	sadd.s32 @!p0 $0x100000, s0  }
0x121: {  	[sflag:s0] =	ssyncadd.tile.s32 @!p0 $0x1;
	_ =	shalt  }
.Lfunc_end2:
_tile_overlayer_lowered:
.L_overlay_start_2:
0x122: {  	(tag) =	ssettag $0x2  }
0x123: {  	s0 =	rddreg [dreg:$0x0];
	s2 =	stileid.u32  }
0x124: {  	s1 =	rddreg [dreg:$0x1];
	p0 =	sne.s32 s2, $0x0  }
0x125: {  	s3 =	rddreg [dreg:$0x2];
	[bflag:$0x3] =	sbarrier.arrive $0xFFFF;
	s2 =	simm.s32 @!p0 $0x1C03  }
0x126: {  	[timem:s3], [sflag:s2] =	dma.local @!p0 [hbm:s0], s1  }
0x127: {  	s0 =	simm.s32 @!p0 $0x3  }
0x128: {  	_ =	swait.ge @!p0 [sflag:s0], s1  }
0x129: {  	s1 =	ssub.s32 @!p0 $0x0, s1;
	[sflag:s0] =	ssyncset.done @!p0 $0x0  }
0x12a: {  	[sflag:s0] =	ssyncadd.s32 @!p0 s1  }
0x12b: {  	[bflag:$0x3] =	sbarrier.arrive $0xFFFF  }
0x12c: {  	_ =	shalt  }

</sc_bundles>
